<compile_context>
chip_gen: v7x
topology: tpu7x:2x2x1
jax: 0.10.2.dev20260603
libtpu: 0.0.44.dev20260713+nightly
codegen_flags: <defaults>
</compile_context>

<pallas_src>
import functools

import jax
import jax.numpy as jnp
from jax import lax
from jax.experimental import pallas as pl
from jax.experimental.pallas import tpu as pltpu
from jax.experimental.pallas import tpu_sc as plsc

_ATOMIC_NUMBERS = [0.0, 1.0, 6.0, 7.0, 8.0, 9.0, 15.0, 16.0, 17.0, 35.0, 53.0, 5.0, 14.0, 34.0, 33.0, 26.0, 30.0, 20.0, 12.0, 11.0, 19.0, 25.0, 29.0]
_ELECTRONEG = [2.0, 2.2, 2.55, 3.04, 3.44, 3.98, 2.19, 2.58, 3.16, 2.96, 2.66, 2.04, 1.9, 2.55, 2.18, 1.83, 1.65, 1.0, 1.31, 0.93, 0.82, 1.55, 1.9]
_RADII = [1.7, 1.2, 1.7, 1.55, 1.52, 1.47, 1.8, 1.8, 1.75, 1.85, 1.98, 1.92, 2.1, 1.9, 1.85, 2.0, 1.39, 2.31, 1.73, 2.27, 2.75, 2.05, 1.4]

_D = 128
_D4 = 32
_NT, _NH, _NC = 23, 5, 11
_TROWS = _NT * _NH * _NC
_TPAD = 1280
_NCORE, _NSUB, _LANES = 2, 16, 16
_NW = _NCORE * _NSUB
_CH = 160


def _table_body(aw_ref, hw_ref, cw_ref, props_ref, pw_ref, pb_ref, ow_ref,
                ob_ref, table_ref):
    ow = ow_ref[...]
    w1 = ow[:, 0 * _D4:1 * _D4]
    w2 = ow[:, 1 * _D4:2 * _D4]
    w3 = ow[:, 2 * _D4:3 * _D4]
    w4 = ow[:, 3 * _D4:4 * _D4]
    f32 = jnp.float32
    dot = functools.partial(jnp.dot, preferred_element_type=f32)
    prop_emb = dot(props_ref[...], pw_ref[...].T) + pb_ref[...].reshape(1, _D4)
    a_tab = (dot(aw_ref[...], w1.T) + dot(prop_emb, w2.T)
             + ob_ref[...].reshape(1, _D))
    h_tab = dot(hw_ref[...], w3.T)
    c_tab = dot(cw_ref[...], w4.T)
    a_x = jnp.broadcast_to(a_tab[:, None, :], (_NT, _NH * _NC, _D))
    h_x = jnp.broadcast_to(h_tab[:, None, :], (_NH, _NC, _D)).reshape(
        _NH * _NC, _D)
    c_x = (h_x + jnp.broadcast_to(c_tab[None, :, :], (_NH, _NC, _D)).reshape(
        _NH * _NC, _D))
    full = (a_x + c_x[None, :, :]).reshape(_TROWS, _D)
    table_ref[...] = jnp.concatenate(
        [full, jnp.zeros((_TPAD - _TROWS, _D), f32)], axis=0)


def _make_sc_gather(npad, nout):
    apw = npad // _NW
    nch = apw // _CH
    w0 = nout // apw
    rem = nout % apw
    mesh = plsc.VectorSubcoreMesh(core_axis_name="c", subcore_axis_name="s")

    @functools.partial(
        pl.kernel,
        mesh=mesh,
        out_type=jax.ShapeDtypeStruct((nout, _D), jnp.float32),
        scratch_types=[
            pltpu.VMEM((apw,), jnp.int32),
            pltpu.VMEM((apw,), jnp.int32),
            pltpu.VMEM((apw,), jnp.int32),
            pltpu.VMEM((apw,), jnp.int32),
            pltpu.VMEM((_CH, _D), jnp.float32),
            pltpu.VMEM((_CH, _D), jnp.float32),
            pltpu.VMEM((_CH, _D), jnp.float32),
            pltpu.VMEM_SHARED((_TPAD, _D), jnp.float32),
            pltpu.SemaphoreType.DMA,
            pltpu.SemaphoreType.DMA,
            pltpu.SemaphoreType.DMA,
            pltpu.SemaphoreType.DMA,
            pltpu.SemaphoreType.DMA,
            pltpu.SemaphoreType.DMA,
        ],
    )
    def sc_gather(table_hbm, at_hbm, hy_hbm, fc_hbm, out_hbm,
                  atv, hyv, fcv, idx_v, buf0, buf1, buf2, tab_sh,
                  gsem0, gsem1, gsem2, ssem0, ssem1, ssem2):
        sid = lax.axis_index("s")
        wid = sid * _NCORE + lax.axis_index("c")
        base = wid * apw
        bufs = (buf0, buf1, buf2)
        gsems = (gsem0, gsem1, gsem2)
        ssems = (ssem0, ssem1, ssem2)
        nb = len(bufs)

        tstripe = _TPAD // _NSUB
        pltpu.sync_copy(table_hbm.at[pl.ds(sid * tstripe, tstripe)],
                        tab_sh.at[pl.ds(sid * tstripe, tstripe)])

        plsc.subcore_barrier()

        def zero_span(lo, cnt):
            def zstep(i, carry):
                idx_v[pl.ds(lo + i * _LANES, _LANES)] = jnp.zeros(
                    (_LANES,), jnp.int32)
                return carry
            lax.fori_loop(0, cnt // _LANES, zstep, 0)

        unroll = 5 * _LANES

        def gath(ci, b):
            idx_chunk = idx_v.at[pl.ds(ci * _CH, _CH)]
            return pltpu.async_copy(tab_sh.at[idx_chunk], bufs[b], gsems[b])

        def fuse_span(lo, cnt):
            def step(i, carry):
                for j in range(unroll // _LANES):
                    s = lo + i * unroll + j * _LANES
                    a = jnp.clip(atv[pl.ds(s, _LANES)], 0, _NT - 1)
                    h = jnp.clip(hyv[pl.ds(s, _LANES)], 0, _NH - 1)
                    f = jnp.clip(fcv[pl.ds(s, _LANES)] + 5, 0, _NC - 1)
                    idx_v[pl.ds(s, _LANES)] = a * (_NH * _NC) + h * _NC + f
                return carry

            lax.fori_loop(0, cnt // unroll, step, 0)

        def prologue(cnt):
            h1 = pltpu.async_copy(
                at_hbm.at[pl.ds(base, cnt)], atv.at[pl.ds(0, cnt)], gsem1)
            h2 = pltpu.async_copy(
                hy_hbm.at[pl.ds(base, cnt)], hyv.at[pl.ds(0, cnt)], gsem1)
            h3 = pltpu.async_copy(
                fc_hbm.at[pl.ds(base, cnt)], fcv.at[pl.ds(0, cnt)], gsem1)
            h1.wait()
            h2.wait()
            h3.wait()
            first = min(cnt, _CH)
            fuse_span(0, first)
            if cnt < _CH:
                zero_span(cnt, _CH - cnt)
            gath(0, 0)
            if cnt > _CH:
                fuse_span(_CH, cnt - _CH)
            if apw - max(cnt, _CH) > 0:
                zero_span(max(cnt, _CH), apw - max(cnt, _CH))

        @pl.when(wid < w0)
        def _full():
            prologue(apw)

        if rem:
            @pl.when(wid == w0)
            def _partial():
                prologue(rem)

        if rem or w0 < _NW:
            @pl.when(wid > w0)
            def _empty():
                zero_span(0, apw)
                gath(0, 0)

        def scat_desc(ci, b):
            return pltpu.make_async_copy(
                bufs[b], out_hbm.at[pl.ds(base + ci * _CH, _CH)], ssems[b])

        def is_real(ci):
            return base + ci * _CH < nout

        def gath_wait(ci, b):
            pltpu.make_async_copy(
                tab_sh.at[idx_v.at[pl.ds(ci * _CH, _CH)]], bufs[b],
                gsems[b]).wait()

        for ci in range(nch):
            b = ci % nb
            prev = ci + 1 - nb
            if prev >= 0:
                @pl.when(is_real(prev))
                def _drain(prev=prev):
                    scat_desc(prev, prev % nb).wait()
            if ci + 1 < nch:
                gath(ci + 1, (ci + 1) % nb)
            gath_wait(ci, b)

            @pl.when(is_real(ci))
            def _emit(ci=ci, b=b):
                scat_desc(ci, b).start()

        for ci in range(max(nch - nb + 1, 0), nch):
            @pl.when(is_real(ci))
            def _drain_tail(ci=ci):
                scat_desc(ci, ci % nb).wait()

    return sc_gather


def kernel(atom_types, hybridization, formal_charges, atom_emb_w, hyb_emb_w,
           charge_emb_w, prop_w, prop_b, out_w, out_b):
    n = atom_types.shape[0]
    group = _NW * _CH
    npad = ((n + group - 1) // group) * group
    props = jnp.stack([
        jnp.asarray(_ATOMIC_NUMBERS, jnp.float32),
        jnp.asarray(_ELECTRONEG, jnp.float32),
        jnp.asarray(_RADII, jnp.float32),
    ], axis=-1)
    table = pl.pallas_call(
        _table_body,
        out_shape=jax.ShapeDtypeStruct((_TPAD, _D), jnp.float32),
    )(atom_emb_w, hyb_emb_w, charge_emb_w, props, prop_w, prop_b, out_w, out_b)
    at = atom_types.astype(jnp.int32)
    hy = hybridization.astype(jnp.int32)
    fc = formal_charges.astype(jnp.int32)
    if n % _CH == 0:
        return _make_sc_gather(npad, n)(table, at, hy, fc)
    atp = jnp.pad(at, (0, npad - n))
    hyp = jnp.pad(hy, (0, npad - n))
    fcp = jnp.pad(fc, (0, npad - n))
    return _make_sc_gather(npad, npad)(table, atp, hyp, fcp)[:n]

# --- scband reference (transcript-rebuilt; emitter-appended) ---
"""Pipeline reference for scband-atom-type-embedding-75282186764804 (READ-ONLY COPY).

The authoritative reference and input builder live on the scoring server;
editing this copy changes nothing except your own understanding.
"""

import jax, jax.numpy as jnp
import numpy as np

ATOMIC_NUMBERS = jnp.array([0.0, 1.0, 6.0, 7.0, 8.0, 9.0, 15.0, 16.0, 17.0, 35.0, 53.0, 5.0, 14.0, 34.0, 33.0, 26.0, 30.0, 20.0, 12.0, 11.0, 19.0, 25.0, 29.0], dtype=jnp.float32)
ELECTRONEG = jnp.array([2.0, 2.2, 2.55, 3.04, 3.44, 3.98, 2.19, 2.58, 3.16, 2.96, 2.66, 2.04, 1.9, 2.55, 2.18, 1.83, 1.65, 1.0, 1.31, 0.93, 0.82, 1.55, 1.9], dtype=jnp.float32)
RADII = jnp.array([1.7, 1.2, 1.7, 1.55, 1.52, 1.47, 1.8, 1.8, 1.75, 1.85, 1.98, 1.92, 2.1, 1.9, 1.85, 2.0, 1.39, 2.31, 1.73, 2.27, 2.75, 2.05, 1.4], dtype=jnp.float32)

N_ATOMS = 100000
D_MODEL = 128
D4 = D_MODEL // 4

def setup_inputs(seed: int = 0) -> dict:
    key = jax.random.key(seed)
    ks = jax.random.split(key, 10)
    atom_types = jax.random.randint(ks[0], (N_ATOMS,), 0, 23, dtype=jnp.int32)
    hybridization = jax.random.randint(ks[1], (N_ATOMS,), 0, 5, dtype=jnp.int32)
    formal_charges = jax.random.randint(ks[2], (N_ATOMS,), 0, 5, dtype=jnp.int32)
    atom_emb_w = jax.random.normal(ks[3], (23, D4), dtype=jnp.float32) * 0.02
    hyb_emb_w = jax.random.normal(ks[4], (5, D4), dtype=jnp.float32) * 0.02
    charge_emb_w = jax.random.normal(ks[5], (11, D4), dtype=jnp.float32) * 0.02
    prop_w = jax.random.normal(ks[6], (D4, 3), dtype=jnp.float32) * 0.02
    prop_b = jnp.zeros((D4,), dtype=jnp.float32)
    out_w = jax.random.normal(ks[7], (D_MODEL, D_MODEL), dtype=jnp.float32) * 0.02
    out_b = jnp.zeros((D_MODEL,), dtype=jnp.float32)
    return {"atom_types": atom_types, "hybridization": hybridization, "formal_charges": formal_charges, "atom_emb_w": atom_emb_w, "hyb_emb_w": hyb_emb_w, "charge_emb_w": charge_emb_w, "prop_w": prop_w, "prop_b": prop_b, "out_w": out_w, "out_b": out_b}

def reference(atom_types, hybridization, formal_charges, atom_emb_w, hyb_emb_w, charge_emb_w, prop_w, prop_b, out_w, out_b):
    atom_emb = jnp.take(atom_emb_w, atom_types, axis=0)
    atomic_nums = jnp.take(ATOMIC_NUMBERS, atom_types, axis=0)
    electroneg = jnp.take(ELECTRONEG, atom_types, axis=0)
    radii = jnp.take(RADII, atom_types, axis=0)
    properties = jnp.stack([atomic_nums, electroneg, radii], axis=-1)
    prop_emb = properties @ prop_w.T + prop_b
    hyb_emb = jnp.take(hyb_emb_w, hybridization, axis=0)
    fc = jnp.clip(formal_charges + 5, 0, 10)
    charge_emb = jnp.take(charge_emb_w, fc, axis=0)
    combined = jnp.concatenate([atom_emb, prop_emb, hyb_emb, charge_emb], axis=-1)
    output = combined @ out_w.T + out_b
    return output

if __name__ == "__main__":
    import jax
    _d = setup_inputs()
    print(jax.jit(kernel)(*tuple(_d.values())))

</pallas_src>

<mosaic_0001>
#map = affine_map<(d0, d1) -> (0, 0)>
#map1 = affine_map<(d0, d1) -> (0)>
module attributes {stable_mosaic.version = 14 : i64} {
  func.func @sc_gather(%arg0: i32, %arg1: i32, %arg2: memref<1280x128xf32, #tpu.memory_space<hbm>>, %arg3: memref<100000xi32, #tpu.memory_space<hbm>>, %arg4: memref<100000xi32, #tpu.memory_space<hbm>>, %arg5: memref<100000xi32, #tpu.memory_space<hbm>>, %arg6: memref<100000x128xf32, #tpu.memory_space<hbm>>, %arg7: memref<3200xi32, #tpu.memory_space<vmem>>, %arg8: memref<3200xi32, #tpu.memory_space<vmem>>, %arg9: memref<3200xi32, #tpu.memory_space<vmem>>, %arg10: memref<3200xi32, #tpu.memory_space<vmem>>, %arg11: memref<160x128xf32, #tpu.memory_space<vmem>>, %arg12: memref<160x128xf32, #tpu.memory_space<vmem>>, %arg13: memref<160x128xf32, #tpu.memory_space<vmem>>, %arg14: memref<1280x128xf32, #tpu.memory_space<vmem_shared>>, %arg15: memref<!tpu.dma_semaphore, #tpu.memory_space<semaphore_mem>>, %arg16: memref<!tpu.dma_semaphore, #tpu.memory_space<semaphore_mem>>, %arg17: memref<!tpu.dma_semaphore, #tpu.memory_space<semaphore_mem>>, %arg18: memref<!tpu.dma_semaphore, #tpu.memory_space<semaphore_mem>>, %arg19: memref<!tpu.dma_semaphore, #tpu.memory_space<semaphore_mem>>, %arg20: memref<!tpu.dma_semaphore, #tpu.memory_space<semaphore_mem>>) attributes {dimension_semantics = [#tpu.dimension_semantics<core_parallel>, #tpu.dimension_semantics<subcore_parallel>], iteration_bounds = array<i64: 2, 16>, scalar_prefetch = 0 : i64, scratch_operands = 14 : i64, tpu.core_type = #tpu.core_type<sc_vector_subcore>, window_params = [{transform_indices = #map}, {transform_indices = #map1}, {transform_indices = #map1}, {transform_indices = #map1}, {transform_indices = #map}]} {
    %mul3A = arith.constant 2 : i32
    %mul3A_0 = arith.muli %arg1, %mul3A : i32
    %add3A = arith.addi %mul3A_0, %arg0 : i32
    %mul3A_1 = arith.constant 3200 : i32
    %mul3A_2 = arith.muli %add3A, %mul3A_1 : i32
    %mul3A_3 = arith.constant 80 : i32
    %mul3A_4 = arith.muli %arg1, %mul3A_3 : i32
    %mul3A_5 = arith.constant 80 : i32
    %mul3A_6 = arith.muli %arg1, %mul3A_5 : i32
    "tpu.region"() ({
      %run_scoped3A = tpu.sem_alloc : memref<!tpu.dma_semaphore, #tpu.memory_space<semaphore_mem>>
      %dma_start3A_490 = arith.constant 0 : i32
      %dma_start3A_491 = tpu.memref_slice %arg14[%mul3A_6, %dma_start3A_490] : memref<1280x128xf32, #tpu.memory_space<vmem_shared>> -> memref<80x128xf32, #tpu.memory_space<vmem_shared>>
      %dma_start3A_492 = arith.constant 0 : i32
      %dma_start3A_493 = tpu.memref_slice %arg2[%mul3A_4, %dma_start3A_492] : memref<1280x128xf32, #tpu.memory_space<hbm>> -> memref<80x128xf32, #tpu.memory_space<hbm>>
      tpu.enqueue_dma source(%dma_start3A_493 : memref<80x128xf32, #tpu.memory_space<hbm>>) target(%dma_start3A_491 : memref<80x128xf32, #tpu.memory_space<vmem_shared>>) target_semaphore(%run_scoped3A : memref<!tpu.dma_semaphore, #tpu.memory_space<semaphore_mem>>)
      %dma_wait3A_494 = arith.constant 0 : i32
      %dma_wait3A_495 = tpu.memref_slice %arg14[%mul3A_6, %dma_wait3A_494] : memref<1280x128xf32, #tpu.memory_space<vmem_shared>> -> memref<80x128xf32, #tpu.memory_space<vmem_shared>>
      %dma_wait3A_496 = arith.constant 0 : i32
      %dma_wait3A_497 = tpu.memref_slice %arg2[%mul3A_4, %dma_wait3A_496] : memref<1280x128xf32, #tpu.memory_space<hbm>> -> memref<80x128xf32, #tpu.memory_space<hbm>>
      tpu.wait_dma2 semaphore(%run_scoped3A : memref<!tpu.dma_semaphore, #tpu.memory_space<semaphore_mem>>) src(%dma_wait3A_497 : memref<80x128xf32, #tpu.memory_space<hbm>>) dst(%dma_wait3A_495 : memref<80x128xf32, #tpu.memory_space<vmem_shared>>)
      tpu.yield
    }) : () -> ()
    %barrier3A = arith.constant 0 : index
    tpu.barrier barrier_id(%barrier3A)
    %lt3A = arith.constant 31 : i32
    %lt3A_7 = arith.cmpi slt, %add3A, %lt3A : i32
    %convert_element_type3A = arith.extui %lt3A_7 : i1 to i32
    %cond3A = arith.constant 0 : i32
    %cond3A_8 = arith.cmpi ne, %convert_element_type3A, %cond3A : i32
    scf.if %cond3A_8 {
      %dma_start3A_490 = arith.constant 0 : i32
      %dma_start3A_491 = tpu.memref_slice %arg7[%dma_start3A_490] : memref<3200xi32, #tpu.memory_space<vmem>> -> memref<3200xi32, #tpu.memory_space<vmem>>
      %dma_start3A_492 = tpu.memref_slice %arg3[%mul3A_2] : memref<100000xi32, #tpu.memory_space<hbm>> -> memref<3200xi32, #tpu.memory_space<hbm>>
      %dma_start3A_493 = arith.constant 0 : i32
      %dma_start3A_494 = tpu.memref_slice %arg7[%dma_start3A_493] : memref<3200xi32, #tpu.memory_space<vmem>> -> memref<3200xi32, #tpu.memory_space<vmem>>
      %dma_start3A_495 = tpu.memref_slice %arg3[%mul3A_2] : memref<100000xi32, #tpu.memory_space<hbm>> -> memref<3200xi32, #tpu.memory_space<hbm>>
      tpu.enqueue_dma source(%dma_start3A_495 : memref<3200xi32, #tpu.memory_space<hbm>>) target(%dma_start3A_494 : memref<3200xi32, #tpu.memory_space<vmem>>) target_semaphore(%arg16 : memref<!tpu.dma_semaphore, #tpu.memory_space<semaphore_mem>>)
      %dma_start3A_496 = arith.constant 0 : i32
      %dma_start3A_497 = tpu.memref_slice %arg8[%dma_start3A_496] : memref<3200xi32, #tpu.memory_space<vmem>> -> memref<3200xi32, #tpu.memory_space<vmem>>
      %dma_start3A_498 = tpu.memref_slice %arg4[%mul3A_2] : memref<100000xi32, #tpu.memory_space<hbm>> -> memref<3200xi32, #tpu.memory_space<hbm>>
      %dma_start3A_499 = arith.constant 0 : i32
      %dma_start3A_500 = tpu.memref_slice %arg8[%dma_start3A_499] : memref<3200xi32, #tpu.memory_space<vmem>> -> memref<3200xi32, #tpu.memory_space<vmem>>
      %dma_start3A_501 = tpu.memref_slice %arg4[%mul3A_2] : memref<100000xi32, #tpu.memory_space<hbm>> -> memref<3200xi32, #tpu.memory_space<hbm>>
      tpu.enqueue_dma source(%dma_start3A_501 : memref<3200xi32, #tpu.memory_space<hbm>>) target(%dma_start3A_500 : memref<3200xi32, #tpu.memory_space<vmem>>) target_semaphore(%arg16 : memref<!tpu.dma_semaphore, #tpu.memory_space<semaphore_mem>>)
      %dma_start3A_502 = arith.constant 0 : i32
      %dma_start3A_503 = tpu.memref_slice %arg9[%dma_start3A_502] : memref<3200xi32, #tpu.memory_space<vmem>> -> memref<3200xi32, #tpu.memory_space<vmem>>
      %dma_start3A_504 = tpu.memref_slice %arg5[%mul3A_2] : memref<100000xi32, #tpu.memory_space<hbm>> -> memref<3200xi32, #tpu.memory_space<hbm>>
      %dma_start3A_505 = arith.constant 0 : i32
      %dma_start3A_506 = tpu.memref_slice %arg9[%dma_start3A_505] : memref<3200xi32, #tpu.memory_space<vmem>> -> memref<3200xi32, #tpu.memory_space<vmem>>
      %dma_start3A_507 = tpu.memref_slice %arg5[%mul3A_2] : memref<100000xi32, #tpu.memory_space<hbm>> -> memref<3200xi32, #tpu.memory_space<hbm>>
      tpu.enqueue_dma source(%dma_start3A_507 : memref<3200xi32, #tpu.memory_space<hbm>>) target(%dma_start3A_506 : memref<3200xi32, #tpu.memory_space<vmem>>) target_semaphore(%arg16 : memref<!tpu.dma_semaphore, #tpu.memory_space<semaphore_mem>>)
      %dma_wait3A_508 = arith.constant 0 : i32
      %dma_wait3A_509 = tpu.memref_slice %arg7[%dma_wait3A_508] : memref<3200xi32, #tpu.memory_space<vmem>> -> memref<3200xi32, #tpu.memory_space<vmem>>
      %dma_wait3A_510 = tpu.memref_slice %arg3[%mul3A_2] : memref<100000xi32, #tpu.memory_space<hbm>> -> memref<3200xi32, #tpu.memory_space<hbm>>
      %dma_wait3A_511 = arith.constant 0 : i32
      %dma_wait3A_512 = tpu.memref_slice %arg7[%dma_wait3A_511] : memref<3200xi32, #tpu.memory_space<vmem>> -> memref<3200xi32, #tpu.memory_space<vmem>>
      %dma_wait3A_513 = tpu.memref_slice %arg3[%mul3A_2] : memref<100000xi32, #tpu.memory_space<hbm>> -> memref<3200xi32, #tpu.memory_space<hbm>>
      tpu.wait_dma2 semaphore(%arg16 : memref<!tpu.dma_semaphore, #tpu.memory_space<semaphore_mem>>) src(%dma_wait3A_513 : memref<3200xi32, #tpu.memory_space<hbm>>) dst(%dma_wait3A_512 : memref<3200xi32, #tpu.memory_space<vmem>>)
      %dma_wait3A_514 = arith.constant 0 : i32
      %dma_wait3A_515 = tpu.memref_slice %arg8[%dma_wait3A_514] : memref<3200xi32, #tpu.memory_space<vmem>> -> memref<3200xi32, #tpu.memory_space<vmem>>
      %dma_wait3A_516 = tpu.memref_slice %arg4[%mul3A_2] : memref<100000xi32, #tpu.memory_space<hbm>> -> memref<3200xi32, #tpu.memory_space<hbm>>
      %dma_wait3A_517 = arith.constant 0 : i32
      %dma_wait3A_518 = tpu.memref_slice %arg8[%dma_wait3A_517] : memref<3200xi32, #tpu.memory_space<vmem>> -> memref<3200xi32, #tpu.memory_space<vmem>>
      %dma_wait3A_519 = tpu.memref_slice %arg4[%mul3A_2] : memref<100000xi32, #tpu.memory_space<hbm>> -> memref<3200xi32, #tpu.memory_space<hbm>>
      tpu.wait_dma2 semaphore(%arg16 : memref<!tpu.dma_semaphore, #tpu.memory_space<semaphore_mem>>) src(%dma_wait3A_519 : memref<3200xi32, #tpu.memory_space<hbm>>) dst(%dma_wait3A_518 : memref<3200xi32, #tpu.memory_space<vmem>>)
      %dma_wait3A_520 = arith.constant 0 : i32
      %dma_wait3A_521 = tpu.memref_slice %arg9[%dma_wait3A_520] : memref<3200xi32, #tpu.memory_space<vmem>> -> memref<3200xi32, #tpu.memory_space<vmem>>
      %dma_wait3A_522 = tpu.memref_slice %arg5[%mul3A_2] : memref<100000xi32, #tpu.memory_space<hbm>> -> memref<3200xi32, #tpu.memory_space<hbm>>
      %dma_wait3A_523 = arith.constant 0 : i32
      %dma_wait3A_524 = tpu.memref_slice %arg9[%dma_wait3A_523] : memref<3200xi32, #tpu.memory_space<vmem>> -> memref<3200xi32, #tpu.memory_space<vmem>>
      %dma_wait3A_525 = tpu.memref_slice %arg5[%mul3A_2] : memref<100000xi32, #tpu.memory_space<hbm>> -> memref<3200xi32, #tpu.memory_space<hbm>>
      tpu.wait_dma2 semaphore(%arg16 : memref<!tpu.dma_semaphore, #tpu.memory_space<semaphore_mem>>) src(%dma_wait3A_525 : memref<3200xi32, #tpu.memory_space<hbm>>) dst(%dma_wait3A_524 : memref<3200xi32, #tpu.memory_space<vmem>>)
      %scan3A = arith.constant 0 : i32
      %scan3A_526 = arith.constant 0 : i32
      %scan3A_527 = arith.constant 2 : i32
      %scan3A_528 = arith.addi %scan3A_526, %scan3A_527 : i32
      %scan3A_529 = arith.constant 1 : i32
      scf.for %scan3A_542 = %scan3A_526 to %scan3A_528 step %scan3A_529  : i32 {
        %mul3A_543 = arith.constant 80 : i32
        %mul3A_544 = arith.muli %scan3A_542, %mul3A_543 : i32
        %add3A_545 = arith.constant 0 : i32
        %add3A_546 = arith.addi %add3A_545, %mul3A_544 : i32
        %add3A_547 = arith.constant 0 : i32
        %add3A_548 = arith.addi %add3A_546, %add3A_547 : i32
        %get3A = arith.index_cast %add3A_548 : i32 to index
        %get3A_549 = tpu.vector_load %arg7[%get3A] {strides = array<i32>} : memref<3200xi32, #tpu.memory_space<vmem>>, vector<16xi32>,
        %get3A_550 = vector.shape_cast %get3A_549 : vector<16xi32> to vector<16xi32>
        %jit3A = arith.constant 0 : i32
        %jit3A_551 = arith.constant 22 : i32
        %max3A = vector.broadcast %jit3A : i32 to vector<16xi32>
        %max3A_552 = arith.maxsi %max3A, %get3A_550 : vector<16xi32>
        %min3A = vector.broadcast %jit3A_551 : i32 to vector<16xi32>
        %min3A_553 = arith.minsi %min3A, %max3A_552 : vector<16xi32>
        %get3A_554 = arith.index_cast %add3A_548 : i32 to index
        %get3A_555 = tpu.vector_load %arg8[%get3A_554] {strides = array<i32>} : memref<3200xi32, #tpu.memory_space<vmem>>, vector<16xi32>,
        %get3A_556 = vector.shape_cast %get3A_555 : vector<16xi32> to vector<16xi32>
        %jit3A_557 = arith.constant 0 : i32
        %jit3A_558 = arith.constant 4 : i32
        %max3A_559 = vector.broadcast %jit3A_557 : i32 to vector<16xi32>
        %max3A_560 = arith.maxsi %max3A_559, %get3A_556 : vector<16xi32>
        %min3A_561 = vector.broadcast %jit3A_558 : i32 to vector<16xi32>
        %min3A_562 = arith.minsi %min3A_561, %max3A_560 : vector<16xi32>
        %get3A_563 = arith.index_cast %add3A_548 : i32 to index
        %get3A_564 = tpu.vector_load %arg9[%get3A_563] {strides = array<i32>} : memref<3200xi32, #tpu.memory_space<vmem>>, vector<16xi32>,
        %get3A_565 = vector.shape_cast %get3A_564 : vector<16xi32> to vector<16xi32>
        %add3A_566 = arith.constant 5 : i32
        %add3A_567 = vector.broadcast %add3A_566 : i32 to vector<16xi32>
        %add3A_568 = arith.addi %get3A_565, %add3A_567 : vector<16xi32>
        %jit3A_569 = arith.constant 0 : i32
        %jit3A_570 = arith.constant 10 : i32
        %max3A_571 = vector.broadcast %jit3A_569 : i32 to vector<16xi32>
        %max3A_572 = arith.maxsi %max3A_571, %add3A_568 : vector<16xi32>
        %min3A_573 = vector.broadcast %jit3A_570 : i32 to vector<16xi32>
        %min3A_574 = arith.minsi %min3A_573, %max3A_572 : vector<16xi32>
        %mul3A_575 = arith.constant 55 : i32
        %mul3A_576 = vector.broadcast %mul3A_575 : i32 to vector<16xi32>
        %mul3A_577 = arith.muli %min3A_553, %mul3A_576 : vector<16xi32>
        %mul3A_578 = arith.constant 11 : i32
        %mul3A_579 = vector.broadcast %mul3A_578 : i32 to vector<16xi32>
        %mul3A_580 = arith.muli %min3A_562, %mul3A_579 : vector<16xi32>
        %add3A_581 = arith.addi %mul3A_577, %mul3A_580 : vector<16xi32>
        %add3A_582 = arith.addi %add3A_581, %min3A_574 : vector<16xi32>
        %swap3A = arith.index_cast %add3A_548 : i32 to index
        %swap3A_583 = tpu.vector_load %arg10[%swap3A] {strides = array<i32>} : memref<3200xi32, #tpu.memory_space<vmem>>, vector<16xi32>,
        %swap3A_584 = vector.shape_cast %swap3A_583 : vector<16xi32> to vector<16xi32>
        %swap3A_585 = vector.shape_cast %add3A_582 : vector<16xi32> to vector<16xi32>
        tpu.vector_store %arg10[%swap3A], %swap3A_585 {strides = array<i32>} : memref<3200xi32, #tpu.memory_space<vmem>>, vector<16xi32>,
        %mul3A_586 = arith.constant 80 : i32
        %mul3A_587 = arith.muli %scan3A_542, %mul3A_586 : i32
        %add3A_588 = arith.constant 0 : i32
        %add3A_589 = arith.addi %add3A_588, %mul3A_587 : i32
        %add3A_590 = arith.constant 16 : i32
        %add3A_591 = arith.addi %add3A_589, %add3A_590 : i32
        %get3A_592 = arith.index_cast %add3A_591 : i32 to index
        %get3A_593 = tpu.vector_load %arg7[%get3A_592] {strides = array<i32>} : memref<3200xi32, #tpu.memory_space<vmem>>, vector<16xi32>,
        %get3A_594 = vector.shape_cast %get3A_593 : vector<16xi32> to vector<16xi32>
        %jit3A_595 = arith.constant 0 : i32
        %jit3A_596 = arith.constant 22 : i32
        %max3A_597 = vector.broadcast %jit3A_595 : i32 to vector<16xi32>
        %max3A_598 = arith.maxsi %max3A_597, %get3A_594 : vector<16xi32>
        %min3A_599 = vector.broadcast %jit3A_596 : i32 to vector<16xi32>
        %min3A_600 = arith.minsi %min3A_599, %max3A_598 : vector<16xi32>
        %get3A_601 = arith.index_cast %add3A_591 : i32 to index
        %get3A_602 = tpu.vector_load %arg8[%get3A_601] {strides = array<i32>} : memref<3200xi32, #tpu.memory_space<vmem>>, vector<16xi32>,
        %get3A_603 = vector.shape_cast %get3A_602 : vector<16xi32> to vector<16xi32>
        %jit3A_604 = arith.constant 0 : i32
        %jit3A_605 = arith.constant 4 : i32
        %max3A_606 = vector.broadcast %jit3A_604 : i32 to vector<16xi32>
        %max3A_607 = arith.maxsi %max3A_606, %get3A_603 : vector<16xi32>
        %min3A_608 = vector.broadcast %jit3A_605 : i32 to vector<16xi32>
        %min3A_609 = arith.minsi %min3A_608, %max3A_607 : vector<16xi32>
        %get3A_610 = arith.index_cast %add3A_591 : i32 to index
        %get3A_611 = tpu.vector_load %arg9[%get3A_610] {strides = array<i32>} : memref<3200xi32, #tpu.memory_space<vmem>>, vector<16xi32>,
        %get3A_612 = vector.shape_cast %get3A_611 : vector<16xi32> to vector<16xi32>
        %add3A_613 = arith.constant 5 : i32
        %add3A_614 = vector.broadcast %add3A_613 : i32 to vector<16xi32>
        %add3A_615 = arith.addi %get3A_612, %add3A_614 : vector<16xi32>
        %jit3A_616 = arith.constant 0 : i32
        %jit3A_617 = arith.constant 10 : i32
        %max3A_618 = vector.broadcast %jit3A_616 : i32 to vector<16xi32>
        %max3A_619 = arith.maxsi %max3A_618, %add3A_615 : vector<16xi32>
        %min3A_620 = vector.broadcast %jit3A_617 : i32 to vector<16xi32>
        %min3A_621 = arith.minsi %min3A_620, %max3A_619 : vector<16xi32>
        %mul3A_622 = arith.constant 55 : i32
        %mul3A_623 = vector.broadcast %mul3A_622 : i32 to vector<16xi32>
        %mul3A_624 = arith.muli %min3A_600, %mul3A_623 : vector<16xi32>
        %mul3A_625 = arith.constant 11 : i32
        %mul3A_626 = vector.broadcast %mul3A_625 : i32 to vector<16xi32>
        %mul3A_627 = arith.muli %min3A_609, %mul3A_626 : vector<16xi32>
        %add3A_628 = arith.addi %mul3A_624, %mul3A_627 : vector<16xi32>
        %add3A_629 = arith.addi %add3A_628, %min3A_621 : vector<16xi32>
        %swap3A_630 = arith.index_cast %add3A_591 : i32 to index
        %swap3A_631 = tpu.vector_load %arg10[%swap3A_630] {strides = array<i32>} : memref<3200xi32, #tpu.memory_space<vmem>>, vector<16xi32>,
        %swap3A_632 = vector.shape_cast %swap3A_631 : vector<16xi32> to vector<16xi32>
        %swap3A_633 = vector.shape_cast %add3A_629 : vector<16xi32> to vector<16xi32>
        tpu.vector_store %arg10[%swap3A_630], %swap3A_633 {strides = array<i32>} : memref<3200xi32, #tpu.memory_space<vmem>>, vector<16xi32>,
        %mul3A_634 = arith.constant 80 : i32
        %mul3A_635 = arith.muli %scan3A_542, %mul3A_634 : i32
        %add3A_636 = arith.constant 0 : i32
        %add3A_637 = arith.addi %add3A_636, %mul3A_635 : i32
        %add3A_638 = arith.constant 32 : i32
        %add3A_639 = arith.addi %add3A_637, %add3A_638 : i32
        %get3A_640 = arith.index_cast %add3A_639 : i32 to index
        %get3A_641 = tpu.vector_load %arg7[%get3A_640] {strides = array<i32>} : memref<3200xi32, #tpu.memory_space<vmem>>, vector<16xi32>,
        %get3A_642 = vector.shape_cast %get3A_641 : vector<16xi32> to vector<16xi32>
        %jit3A_643 = arith.constant 0 : i32
        %jit3A_644 = arith.constant 22 : i32
        %max3A_645 = vector.broadcast %jit3A_643 : i32 to vector<16xi32>
        %max3A_646 = arith.maxsi %max3A_645, %get3A_642 : vector<16xi32>
        %min3A_647 = vector.broadcast %jit3A_644 : i32 to vector<16xi32>
        %min3A_648 = arith.minsi %min3A_647, %max3A_646 : vector<16xi32>
        %get3A_649 = arith.index_cast %add3A_639 : i32 to index
        %get3A_650 = tpu.vector_load %arg8[%get3A_649] {strides = array<i32>} : memref<3200xi32, #tpu.memory_space<vmem>>, vector<16xi32>,
        %get3A_651 = vector.shape_cast %get3A_650 : vector<16xi32> to vector<16xi32>
        %jit3A_652 = arith.constant 0 : i32
        %jit3A_653 = arith.constant 4 : i32
        %max3A_654 = vector.broadcast %jit3A_652 : i32 to vector<16xi32>
        %max3A_655 = arith.maxsi %max3A_654, %get3A_651 : vector<16xi32>
        %min3A_656 = vector.broadcast %jit3A_653 : i32 to vector<16xi32>
        %min3A_657 = arith.minsi %min3A_656, %max3A_655 : vector<16xi32>
        %get3A_658 = arith.index_cast %add3A_639 : i32 to index
        %get3A_659 = tpu.vector_load %arg9[%get3A_658] {strides = array<i32>} : memref<3200xi32, #tpu.memory_space<vmem>>, vector<16xi32>,
        %get3A_660 = vector.shape_cast %get3A_659 : vector<16xi32> to vector<16xi32>
        %add3A_661 = arith.constant 5 : i32
        %add3A_662 = vector.broadcast %add3A_661 : i32 to vector<16xi32>
        %add3A_663 = arith.addi %get3A_660, %add3A_662 : vector<16xi32>
        %jit3A_664 = arith.constant 0 : i32
        %jit3A_665 = arith.constant 10 : i32
        %max3A_666 = vector.broadcast %jit3A_664 : i32 to vector<16xi32>
        %max3A_667 = arith.maxsi %max3A_666, %add3A_663 : vector<16xi32>
        %min3A_668 = vector.broadcast %jit3A_665 : i32 to vector<16xi32>
        %min3A_669 = arith.minsi %min3A_668, %max3A_667 : vector<16xi32>
        %mul3A_670 = arith.constant 55 : i32
        %mul3A_671 = vector.broadcast %mul3A_670 : i32 to vector<16xi32>
        %mul3A_672 = arith.muli %min3A_648, %mul3A_671 : vector<16xi32>
        %mul3A_673 = arith.constant 11 : i32
        %mul3A_674 = vector.broadcast %mul3A_673 : i32 to vector<16xi32>
        %mul3A_675 = arith.muli %min3A_657, %mul3A_674 : vector<16xi32>
        %add3A_676 = arith.addi %mul3A_672, %mul3A_675 : vector<16xi32>
        %add3A_677 = arith.addi %add3A_676, %min3A_669 : vector<16xi32>
        %swap3A_678 = arith.index_cast %add3A_639 : i32 to index
        %swap3A_679 = tpu.vector_load %arg10[%swap3A_678] {strides = array<i32>} : memref<3200xi32, #tpu.memory_space<vmem>>, vector<16xi32>,
        %swap3A_680 = vector.shape_cast %swap3A_679 : vector<16xi32> to vector<16xi32>
        %swap3A_681 = vector.shape_cast %add3A_677 : vector<16xi32> to vector<16xi32>
        tpu.vector_store %arg10[%swap3A_678], %swap3A_681 {strides = array<i32>} : memref<3200xi32, #tpu.memory_space<vmem>>, vector<16xi32>,
        %mul3A_682 = arith.constant 80 : i32
        %mul3A_683 = arith.muli %scan3A_542, %mul3A_682 : i32
        %add3A_684 = arith.constant 0 : i32
        %add3A_685 = arith.addi %add3A_684, %mul3A_683 : i32
        %add3A_686 = arith.constant 48 : i32
        %add3A_687 = arith.addi %add3A_685, %add3A_686 : i32
        %get3A_688 = arith.index_cast %add3A_687 : i32 to index
        %get3A_689 = tpu.vector_load %arg7[%get3A_688] {strides = array<i32>} : memref<3200xi32, #tpu.memory_space<vmem>>, vector<16xi32>,
        %get3A_690 = vector.shape_cast %get3A_689 : vector<16xi32> to vector<16xi32>
        %jit3A_691 = arith.constant 0 : i32
        %jit3A_692 = arith.constant 22 : i32
        %max3A_693 = vector.broadcast %jit3A_691 : i32 to vector<16xi32>
        %max3A_694 = arith.maxsi %max3A_693, %get3A_690 : vector<16xi32>
        %min3A_695 = vector.broadcast %jit3A_692 : i32 to vector<16xi32>
        %min3A_696 = arith.minsi %min3A_695, %max3A_694 : vector<16xi32>
        %get3A_697 = arith.index_cast %add3A_687 : i32 to index
        %get3A_698 = tpu.vector_load %arg8[%get3A_697] {strides = array<i32>} : memref<3200xi32, #tpu.memory_space<vmem>>, vector<16xi32>,
        %get3A_699 = vector.shape_cast %get3A_698 : vector<16xi32> to vector<16xi32>
        %jit3A_700 = arith.constant 0 : i32
        %jit3A_701 = arith.constant 4 : i32
        %max3A_702 = vector.broadcast %jit3A_700 : i32 to vector<16xi32>
        %max3A_703 = arith.maxsi %max3A_702, %get3A_699 : vector<16xi32>
        %min3A_704 = vector.broadcast %jit3A_701 : i32 to vector<16xi32>
        %min3A_705 = arith.minsi %min3A_704, %max3A_703 : vector<16xi32>
        %get3A_706 = arith.index_cast %add3A_687 : i32 to index
        %get3A_707 = tpu.vector_load %arg9[%get3A_706] {strides = array<i32>} : memref<3200xi32, #tpu.memory_space<vmem>>, vector<16xi32>,
        %get3A_708 = vector.shape_cast %get3A_707 : vector<16xi32> to vector<16xi32>
        %add3A_709 = arith.constant 5 : i32
        %add3A_710 = vector.broadcast %add3A_709 : i32 to vector<16xi32>
        %add3A_711 = arith.addi %get3A_708, %add3A_710 : vector<16xi32>
        %jit3A_712 = arith.constant 0 : i32
        %jit3A_713 = arith.constant 10 : i32
        %max3A_714 = vector.broadcast %jit3A_712 : i32 to vector<16xi32>
        %max3A_715 = arith.maxsi %max3A_714, %add3A_711 : vector<16xi32>
        %min3A_716 = vector.broadcast %jit3A_713 : i32 to vector<16xi32>
        %min3A_717 = arith.minsi %min3A_716, %max3A_715 : vector<16xi32>
        %mul3A_718 = arith.constant 55 : i32
        %mul3A_719 = vector.broadcast %mul3A_718 : i32 to vector<16xi32>
        %mul3A_720 = arith.muli %min3A_696, %mul3A_719 : vector<16xi32>
        %mul3A_721 = arith.constant 11 : i32
        %mul3A_722 = vector.broadcast %mul3A_721 : i32 to vector<16xi32>
        %mul3A_723 = arith.muli %min3A_705, %mul3A_722 : vector<16xi32>
        %add3A_724 = arith.addi %mul3A_720, %mul3A_723 : vector<16xi32>
        %add3A_725 = arith.addi %add3A_724, %min3A_717 : vector<16xi32>
        %swap3A_726 = arith.index_cast %add3A_687 : i32 to index
        %swap3A_727 = tpu.vector_load %arg10[%swap3A_726] {strides = array<i32>} : memref<3200xi32, #tpu.memory_space<vmem>>, vector<16xi32>,
        %swap3A_728 = vector.shape_cast %swap3A_727 : vector<16xi32> to vector<16xi32>
        %swap3A_729 = vector.shape_cast %add3A_725 : vector<16xi32> to vector<16xi32>
        tpu.vector_store %arg10[%swap3A_726], %swap3A_729 {strides = array<i32>} : memref<3200xi32, #tpu.memory_space<vmem>>, vector<16xi32>,
        %mul3A_730 = arith.constant 80 : i32
        %mul3A_731 = arith.muli %scan3A_542, %mul3A_730 : i32
        %add3A_732 = arith.constant 0 : i32
        %add3A_733 = arith.addi %add3A_732, %mul3A_731 : i32
        %add3A_734 = arith.constant 64 : i32
        %add3A_735 = arith.addi %add3A_733, %add3A_734 : i32
        %get3A_736 = arith.index_cast %add3A_735 : i32 to index
        %get3A_737 = tpu.vector_load %arg7[%get3A_736] {strides = array<i32>} : memref<3200xi32, #tpu.memory_space<vmem>>, vector<16xi32>,
        %get3A_738 = vector.shape_cast %get3A_737 : vector<16xi32> to vector<16xi32>
        %jit3A_739 = arith.constant 0 : i32
        %jit3A_740 = arith.constant 22 : i32
        %max3A_741 = vector.broadcast %jit3A_739 : i32 to vector<16xi32>
        %max3A_742 = arith.maxsi %max3A_741, %get3A_738 : vector<16xi32>
        %min3A_743 = vector.broadcast %jit3A_740 : i32 to vector<16xi32>
        %min3A_744 = arith.minsi %min3A_743, %max3A_742 : vector<16xi32>
        %get3A_745 = arith.index_cast %add3A_735 : i32 to index
        %get3A_746 = tpu.vector_load %arg8[%get3A_745] {strides = array<i32>} : memref<3200xi32, #tpu.memory_space<vmem>>, vector<16xi32>,
        %get3A_747 = vector.shape_cast %get3A_746 : vector<16xi32> to vector<16xi32>
        %jit3A_748 = arith.constant 0 : i32
        %jit3A_749 = arith.constant 4 : i32
        %max3A_750 = vector.broadcast %jit3A_748 : i32 to vector<16xi32>
        %max3A_751 = arith.maxsi %max3A_750, %get3A_747 : vector<16xi32>
        %min3A_752 = vector.broadcast %jit3A_749 : i32 to vector<16xi32>
        %min3A_753 = arith.minsi %min3A_752, %max3A_751 : vector<16xi32>
        %get3A_754 = arith.index_cast %add3A_735 : i32 to index
        %get3A_755 = tpu.vector_load %arg9[%get3A_754] {strides = array<i32>} : memref<3200xi32, #tpu.memory_space<vmem>>, vector<16xi32>,
        %get3A_756 = vector.shape_cast %get3A_755 : vector<16xi32> to vector<16xi32>
        %add3A_757 = arith.constant 5 : i32
        %add3A_758 = vector.broadcast %add3A_757 : i32 to vector<16xi32>
        %add3A_759 = arith.addi %get3A_756, %add3A_758 : vector<16xi32>
        %jit3A_760 = arith.constant 0 : i32
        %jit3A_761 = arith.constant 10 : i32
        %max3A_762 = vector.broadcast %jit3A_760 : i32 to vector<16xi32>
        %max3A_763 = arith.maxsi %max3A_762, %add3A_759 : vector<16xi32>
        %min3A_764 = vector.broadcast %jit3A_761 : i32 to vector<16xi32>
        %min3A_765 = arith.minsi %min3A_764, %max3A_763 : vector<16xi32>
        %mul3A_766 = arith.constant 55 : i32
        %mul3A_767 = vector.broadcast %mul3A_766 : i32 to vector<16xi32>
        %mul3A_768 = arith.muli %min3A_744, %mul3A_767 : vector<16xi32>
        %mul3A_769 = arith.constant 11 : i32
        %mul3A_770 = vector.broadcast %mul3A_769 : i32 to vector<16xi32>
        %mul3A_771 = arith.muli %min3A_753, %mul3A_770 : vector<16xi32>
        %add3A_772 = arith.addi %mul3A_768, %mul3A_771 : vector<16xi32>
        %add3A_773 = arith.addi %add3A_772, %min3A_765 : vector<16xi32>
        %swap3A_774 = arith.index_cast %add3A_735 : i32 to index
        %swap3A_775 = tpu.vector_load %arg10[%swap3A_774] {strides = array<i32>} : memref<3200xi32, #tpu.memory_space<vmem>>, vector<16xi32>,
        %swap3A_776 = vector.shape_cast %swap3A_775 : vector<16xi32> to vector<16xi32>
        %swap3A_777 = vector.shape_cast %add3A_773 : vector<16xi32> to vector<16xi32>
        tpu.vector_store %arg10[%swap3A_774], %swap3A_777 {strides = array<i32>} : memref<3200xi32, #tpu.memory_space<vmem>>, vector<16xi32>,
      }
      %scan3A_530 = arith.constant 2 : i32
      %dma_start3A_531 = arith.constant 0 : i32
      %dma_start3A_532 = tpu.memref_slice %arg10[%dma_start3A_531] : memref<3200xi32, #tpu.memory_space<vmem>> -> memref<160xi32, #tpu.memory_space<vmem>>
      %dma_start3A_533 = arith.constant 0 : i32
      %dma_start3A_534 = arith.constant 0 : i32
      %dma_start3A_535 = tpu.memref_slice %arg14[%dma_start3A_533, %dma_start3A_534] : memref<1280x128xf32, #tpu.memory_space<vmem_shared>> -> memref<1280x128xf32, #tpu.memory_space<vmem_shared>>
      tpu.enqueue_indirect_dma source(%dma_start3A_535 : memref<1280x128xf32, #tpu.memory_space<vmem_shared>>) target(%arg11 : memref<160x128xf32, #tpu.memory_space<vmem>>) offsets(%dma_start3A_532 : memref<160xi32, #tpu.memory_space<vmem>>) semaphore(%arg15 : memref<!tpu.dma_semaphore, #tpu.memory_space<semaphore_mem>>)
      %scan3A_536 = arith.constant 0 : i32
      %scan3A_537 = arith.constant 0 : i32
      %scan3A_538 = arith.constant 38 : i32
      %scan3A_539 = arith.addi %scan3A_537, %scan3A_538 : i32
      %scan3A_540 = arith.constant 1 : i32
      scf.for %scan3A_542 = %scan3A_537 to %scan3A_539 step %scan3A_540  : i32 {
        %mul3A_543 = arith.constant 80 : i32
        %mul3A_544 = arith.muli %scan3A_542, %mul3A_543 : i32
        %add3A_545 = arith.constant 160 : i32
        %add3A_546 = arith.addi %add3A_545, %mul3A_544 : i32
        %add3A_547 = arith.constant 0 : i32
        %add3A_548 = arith.addi %add3A_546, %add3A_547 : i32
        %get3A = arith.index_cast %add3A_548 : i32 to index
        %get3A_549 = tpu.vector_load %arg7[%get3A] {strides = array<i32>} : memref<3200xi32, #tpu.memory_space<vmem>>, vector<16xi32>,
        %get3A_550 = vector.shape_cast %get3A_549 : vector<16xi32> to vector<16xi32>
        %jit3A = arith.constant 0 : i32
        %jit3A_551 = arith.constant 22 : i32
        %max3A = vector.broadcast %jit3A : i32 to vector<16xi32>
        %max3A_552 = arith.maxsi %max3A, %get3A_550 : vector<16xi32>
        %min3A = vector.broadcast %jit3A_551 : i32 to vector<16xi32>
        %min3A_553 = arith.minsi %min3A, %max3A_552 : vector<16xi32>
        %get3A_554 = arith.index_cast %add3A_548 : i32 to index
        %get3A_555 = tpu.vector_load %arg8[%get3A_554] {strides = array<i32>} : memref<3200xi32, #tpu.memory_space<vmem>>, vector<16xi32>,
        %get3A_556 = vector.shape_cast %get3A_555 : vector<16xi32> to vector<16xi32>
        %jit3A_557 = arith.constant 0 : i32
        %jit3A_558 = arith.constant 4 : i32
        %max3A_559 = vector.broadcast %jit3A_557 : i32 to vector<16xi32>
        %max3A_560 = arith.maxsi %max3A_559, %get3A_556 : vector<16xi32>
        %min3A_561 = vector.broadcast %jit3A_558 : i32 to vector<16xi32>
        %min3A_562 = arith.minsi %min3A_561, %max3A_560 : vector<16xi32>
        %get3A_563 = arith.index_cast %add3A_548 : i32 to index
        %get3A_564 = tpu.vector_load %arg9[%get3A_563] {strides = array<i32>} : memref<3200xi32, #tpu.memory_space<vmem>>, vector<16xi32>,
        %get3A_565 = vector.shape_cast %get3A_564 : vector<16xi32> to vector<16xi32>
        %add3A_566 = arith.constant 5 : i32
        %add3A_567 = vector.broadcast %add3A_566 : i32 to vector<16xi32>
        %add3A_568 = arith.addi %get3A_565, %add3A_567 : vector<16xi32>
        %jit3A_569 = arith.constant 0 : i32
        %jit3A_570 = arith.constant 10 : i32
        %max3A_571 = vector.broadcast %jit3A_569 : i32 to vector<16xi32>
        %max3A_572 = arith.maxsi %max3A_571, %add3A_568 : vector<16xi32>
        %min3A_573 = vector.broadcast %jit3A_570 : i32 to vector<16xi32>
        %min3A_574 = arith.minsi %min3A_573, %max3A_572 : vector<16xi32>
        %mul3A_575 = arith.constant 55 : i32
        %mul3A_576 = vector.broadcast %mul3A_575 : i32 to vector<16xi32>
        %mul3A_577 = arith.muli %min3A_553, %mul3A_576 : vector<16xi32>
        %mul3A_578 = arith.constant 11 : i32
        %mul3A_579 = vector.broadcast %mul3A_578 : i32 to vector<16xi32>
        %mul3A_580 = arith.muli %min3A_562, %mul3A_579 : vector<16xi32>
        %add3A_581 = arith.addi %mul3A_577, %mul3A_580 : vector<16xi32>
        %add3A_582 = arith.addi %add3A_581, %min3A_574 : vector<16xi32>
        %swap3A = arith.index_cast %add3A_548 : i32 to index
        %swap3A_583 = tpu.vector_load %arg10[%swap3A] {strides = array<i32>} : memref<3200xi32, #tpu.memory_space<vmem>>, vector<16xi32>,
        %swap3A_584 = vector.shape_cast %swap3A_583 : vector<16xi32> to vector<16xi32>
        %swap3A_585 = vector.shape_cast %add3A_582 : vector<16xi32> to vector<16xi32>
        tpu.vector_store %arg10[%swap3A], %swap3A_585 {strides = array<i32>} : memref<3200xi32, #tpu.memory_space<vmem>>, vector<16xi32>,
        %mul3A_586 = arith.constant 80 : i32
        %mul3A_587 = arith.muli %scan3A_542, %mul3A_586 : i32
        %add3A_588 = arith.constant 160 : i32
        %add3A_589 = arith.addi %add3A_588, %mul3A_587 : i32
        %add3A_590 = arith.constant 16 : i32
        %add3A_591 = arith.addi %add3A_589, %add3A_590 : i32
        %get3A_592 = arith.index_cast %add3A_591 : i32 to index
        %get3A_593 = tpu.vector_load %arg7[%get3A_592] {strides = array<i32>} : memref<3200xi32, #tpu.memory_space<vmem>>, vector<16xi32>,
        %get3A_594 = vector.shape_cast %get3A_593 : vector<16xi32> to vector<16xi32>
        %jit3A_595 = arith.constant 0 : i32
        %jit3A_596 = arith.constant 22 : i32
        %max3A_597 = vector.broadcast %jit3A_595 : i32 to vector<16xi32>
        %max3A_598 = arith.maxsi %max3A_597, %get3A_594 : vector<16xi32>
        %min3A_599 = vector.broadcast %jit3A_596 : i32 to vector<16xi32>
        %min3A_600 = arith.minsi %min3A_599, %max3A_598 : vector<16xi32>
        %get3A_601 = arith.index_cast %add3A_591 : i32 to index
        %get3A_602 = tpu.vector_load %arg8[%get3A_601] {strides = array<i32>} : memref<3200xi32, #tpu.memory_space<vmem>>, vector<16xi32>,
        %get3A_603 = vector.shape_cast %get3A_602 : vector<16xi32> to vector<16xi32>
        %jit3A_604 = arith.constant 0 : i32
        %jit3A_605 = arith.constant 4 : i32
        %max3A_606 = vector.broadcast %jit3A_604 : i32 to vector<16xi32>
        %max3A_607 = arith.maxsi %max3A_606, %get3A_603 : vector<16xi32>
        %min3A_608 = vector.broadcast %jit3A_605 : i32 to vector<16xi32>
        %min3A_609 = arith.minsi %min3A_608, %max3A_607 : vector<16xi32>
        %get3A_610 = arith.index_cast %add3A_591 : i32 to index
        %get3A_611 = tpu.vector_load %arg9[%get3A_610] {strides = array<i32>} : memref<3200xi32, #tpu.memory_space<vmem>>, vector<16xi32>,
        %get3A_612 = vector.shape_cast %get3A_611 : vector<16xi32> to vector<16xi32>
        %add3A_613 = arith.constant 5 : i32
        %add3A_614 = vector.broadcast %add3A_613 : i32 to vector<16xi32>
        %add3A_615 = arith.addi %get3A_612, %add3A_614 : vector<16xi32>
        %jit3A_616 = arith.constant 0 : i32
        %jit3A_617 = arith.constant 10 : i32
        %max3A_618 = vector.broadcast %jit3A_616 : i32 to vector<16xi32>
        %max3A_619 = arith.maxsi %max3A_618, %add3A_615 : vector<16xi32>
        %min3A_620 = vector.broadcast %jit3A_617 : i32 to vector<16xi32>
        %min3A_621 = arith.minsi %min3A_620, %max3A_619 : vector<16xi32>
        %mul3A_622 = arith.constant 55 : i32
        %mul3A_623 = vector.broadcast %mul3A_622 : i32 to vector<16xi32>
        %mul3A_624 = arith.muli %min3A_600, %mul3A_623 : vector<16xi32>
        %mul3A_625 = arith.constant 11 : i32
        %mul3A_626 = vector.broadcast %mul3A_625 : i32 to vector<16xi32>
        %mul3A_627 = arith.muli %min3A_609, %mul3A_626 : vector<16xi32>
        %add3A_628 = arith.addi %mul3A_624, %mul3A_627 : vector<16xi32>
        %add3A_629 = arith.addi %add3A_628, %min3A_621 : vector<16xi32>
        %swap3A_630 = arith.index_cast %add3A_591 : i32 to index
        %swap3A_631 = tpu.vector_load %arg10[%swap3A_630] {strides = array<i32>} : memref<3200xi32, #tpu.memory_space<vmem>>, vector<16xi32>,
        %swap3A_632 = vector.shape_cast %swap3A_631 : vector<16xi32> to vector<16xi32>
        %swap3A_633 = vector.shape_cast %add3A_629 : vector<16xi32> to vector<16xi32>
        tpu.vector_store %arg10[%swap3A_630], %swap3A_633 {strides = array<i32>} : memref<3200xi32, #tpu.memory_space<vmem>>, vector<16xi32>,
        %mul3A_634 = arith.constant 80 : i32
        %mul3A_635 = arith.muli %scan3A_542, %mul3A_634 : i32
        %add3A_636 = arith.constant 160 : i32
        %add3A_637 = arith.addi %add3A_636, %mul3A_635 : i32
        %add3A_638 = arith.constant 32 : i32
        %add3A_639 = arith.addi %add3A_637, %add3A_638 : i32
        %get3A_640 = arith.index_cast %add3A_639 : i32 to index
        %get3A_641 = tpu.vector_load %arg7[%get3A_640] {strides = array<i32>} : memref<3200xi32, #tpu.memory_space<vmem>>, vector<16xi32>,
        %get3A_642 = vector.shape_cast %get3A_641 : vector<16xi32> to vector<16xi32>
        %jit3A_643 = arith.constant 0 : i32
        %jit3A_644 = arith.constant 22 : i32
        %max3A_645 = vector.broadcast %jit3A_643 : i32 to vector<16xi32>
        %max3A_646 = arith.maxsi %max3A_645, %get3A_642 : vector<16xi32>
        %min3A_647 = vector.broadcast %jit3A_644 : i32 to vector<16xi32>
        %min3A_648 = arith.minsi %min3A_647, %max3A_646 : vector<16xi32>
        %get3A_649 = arith.index_cast %add3A_639 : i32 to index
        %get3A_650 = tpu.vector_load %arg8[%get3A_649] {strides = array<i32>} : memref<3200xi32, #tpu.memory_space<vmem>>, vector<16xi32>,
        %get3A_651 = vector.shape_cast %get3A_650 : vector<16xi32> to vector<16xi32>
        %jit3A_652 = arith.constant 0 : i32
        %jit3A_653 = arith.constant 4 : i32
        %max3A_654 = vector.broadcast %jit3A_652 : i32 to vector<16xi32>
        %max3A_655 = arith.maxsi %max3A_654, %get3A_651 : vector<16xi32>
        %min3A_656 = vector.broadcast %jit3A_653 : i32 to vector<16xi32>
        %min3A_657 = arith.minsi %min3A_656, %max3A_655 : vector<16xi32>
        %get3A_658 = arith.index_cast %add3A_639 : i32 to index
        %get3A_659 = tpu.vector_load %arg9[%get3A_658] {strides = array<i32>} : memref<3200xi32, #tpu.memory_space<vmem>>, vector<16xi32>,
        %get3A_660 = vector.shape_cast %get3A_659 : vector<16xi32> to vector<16xi32>
        %add3A_661 = arith.constant 5 : i32
        %add3A_662 = vector.broadcast %add3A_661 : i32 to vector<16xi32>
        %add3A_663 = arith.addi %get3A_660, %add3A_662 : vector<16xi32>
        %jit3A_664 = arith.constant 0 : i32
        %jit3A_665 = arith.constant 10 : i32
        %max3A_666 = vector.broadcast %jit3A_664 : i32 to vector<16xi32>
        %max3A_667 = arith.maxsi %max3A_666, %add3A_663 : vector<16xi32>
        %min3A_668 = vector.broadcast %jit3A_665 : i32 to vector<16xi32>
        %min3A_669 = arith.minsi %min3A_668, %max3A_667 : vector<16xi32>
        %mul3A_670 = arith.constant 55 : i32
        %mul3A_671 = vector.broadcast %mul3A_670 : i32 to vector<16xi32>
        %mul3A_672 = arith.muli %min3A_648, %mul3A_671 : vector<16xi32>
        %mul3A_673 = arith.constant 11 : i32
        %mul3A_674 = vector.broadcast %mul3A_673 : i32 to vector<16xi32>
        %mul3A_675 = arith.muli %min3A_657, %mul3A_674 : vector<16xi32>
        %add3A_676 = arith.addi %mul3A_672, %mul3A_675 : vector<16xi32>
        %add3A_677 = arith.addi %add3A_676, %min3A_669 : vector<16xi32>
        %swap3A_678 = arith.index_cast %add3A_639 : i32 to index
        %swap3A_679 = tpu.vector_load %arg10[%swap3A_678] {strides = array<i32>} : memref<3200xi32, #tpu.memory_space<vmem>>, vector<16xi32>,
        %swap3A_680 = vector.shape_cast %swap3A_679 : vector<16xi32> to vector<16xi32>
        %swap3A_681 = vector.shape_cast %add3A_677 : vector<16xi32> to vector<16xi32>
        tpu.vector_store %arg10[%swap3A_678], %swap3A_681 {strides = array<i32>} : memref<3200xi32, #tpu.memory_space<vmem>>, vector<16xi32>,
        %mul3A_682 = arith.constant 80 : i32
        %mul3A_683 = arith.muli %scan3A_542, %mul3A_682 : i32
        %add3A_684 = arith.constant 160 : i32
        %add3A_685 = arith.addi %add3A_684, %mul3A_683 : i32
        %add3A_686 = arith.constant 48 : i32
        %add3A_687 = arith.addi %add3A_685, %add3A_686 : i32
        %get3A_688 = arith.index_cast %add3A_687 : i32 to index
        %get3A_689 = tpu.vector_load %arg7[%get3A_688] {strides = array<i32>} : memref<3200xi32, #tpu.memory_space<vmem>>, vector<16xi32>,
        %get3A_690 = vector.shape_cast %get3A_689 : vector<16xi32> to vector<16xi32>
        %jit3A_691 = arith.constant 0 : i32
        %jit3A_692 = arith.constant 22 : i32
        %max3A_693 = vector.broadcast %jit3A_691 : i32 to vector<16xi32>
        %max3A_694 = arith.maxsi %max3A_693, %get3A_690 : vector<16xi32>
        %min3A_695 = vector.broadcast %jit3A_692 : i32 to vector<16xi32>
        %min3A_696 = arith.minsi %min3A_695, %max3A_694 : vector<16xi32>
        %get3A_697 = arith.index_cast %add3A_687 : i32 to index
        %get3A_698 = tpu.vector_load %arg8[%get3A_697] {strides = array<i32>} : memref<3200xi32, #tpu.memory_space<vmem>>, vector<16xi32>,
        %get3A_699 = vector.shape_cast %get3A_698 : vector<16xi32> to vector<16xi32>
        %jit3A_700 = arith.constant 0 : i32
        %jit3A_701 = arith.constant 4 : i32
        %max3A_702 = vector.broadcast %jit3A_700 : i32 to vector<16xi32>
        %max3A_703 = arith.maxsi %max3A_702, %get3A_699 : vector<16xi32>
        %min3A_704 = vector.broadcast %jit3A_701 : i32 to vector<16xi32>
        %min3A_705 = arith.minsi %min3A_704, %max3A_703 : vector<16xi32>
        %get3A_706 = arith.index_cast %add3A_687 : i32 to index
        %get3A_707 = tpu.vector_load %arg9[%get3A_706] {strides = array<i32>} : memref<3200xi32, #tpu.memory_space<vmem>>, vector<16xi32>,
        %get3A_708 = vector.shape_cast %get3A_707 : vector<16xi32> to vector<16xi32>
        %add3A_709 = arith.constant 5 : i32
        %add3A_710 = vector.broadcast %add3A_709 : i32 to vector<16xi32>
        %add3A_711 = arith.addi %get3A_708, %add3A_710 : vector<16xi32>
        %jit3A_712 = arith.constant 0 : i32
        %jit3A_713 = arith.constant 10 : i32
        %max3A_714 = vector.broadcast %jit3A_712 : i32 to vector<16xi32>
        %max3A_715 = arith.maxsi %max3A_714, %add3A_711 : vector<16xi32>
        %min3A_716 = vector.broadcast %jit3A_713 : i32 to vector<16xi32>
        %min3A_717 = arith.minsi %min3A_716, %max3A_715 : vector<16xi32>
        %mul3A_718 = arith.constant 55 : i32
        %mul3A_719 = vector.broadcast %mul3A_718 : i32 to vector<16xi32>
        %mul3A_720 = arith.muli %min3A_696, %mul3A_719 : vector<16xi32>
        %mul3A_721 = arith.constant 11 : i32
        %mul3A_722 = vector.broadcast %mul3A_721 : i32 to vector<16xi32>
        %mul3A_723 = arith.muli %min3A_705, %mul3A_722 : vector<16xi32>
        %add3A_724 = arith.addi %mul3A_720, %mul3A_723 : vector<16xi32>
        %add3A_725 = arith.addi %add3A_724, %min3A_717 : vector<16xi32>
        %swap3A_726 = arith.index_cast %add3A_687 : i32 to index
        %swap3A_727 = tpu.vector_load %arg10[%swap3A_726] {strides = array<i32>} : memref<3200xi32, #tpu.memory_space<vmem>>, vector<16xi32>,
        %swap3A_728 = vector.shape_cast %swap3A_727 : vector<16xi32> to vector<16xi32>
        %swap3A_729 = vector.shape_cast %add3A_725 : vector<16xi32> to vector<16xi32>
        tpu.vector_store %arg10[%swap3A_726], %swap3A_729 {strides = array<i32>} : memref<3200xi32, #tpu.memory_space<vmem>>, vector<16xi32>,
        %mul3A_730 = arith.constant 80 : i32
        %mul3A_731 = arith.muli %scan3A_542, %mul3A_730 : i32
        %add3A_732 = arith.constant 160 : i32
        %add3A_733 = arith.addi %add3A_732, %mul3A_731 : i32
        %add3A_734 = arith.constant 64 : i32
        %add3A_735 = arith.addi %add3A_733, %add3A_734 : i32
        %get3A_736 = arith.index_cast %add3A_735 : i32 to index
        %get3A_737 = tpu.vector_load %arg7[%get3A_736] {strides = array<i32>} : memref<3200xi32, #tpu.memory_space<vmem>>, vector<16xi32>,
        %get3A_738 = vector.shape_cast %get3A_737 : vector<16xi32> to vector<16xi32>
        %jit3A_739 = arith.constant 0 : i32
        %jit3A_740 = arith.constant 22 : i32
        %max3A_741 = vector.broadcast %jit3A_739 : i32 to vector<16xi32>
        %max3A_742 = arith.maxsi %max3A_741, %get3A_738 : vector<16xi32>
        %min3A_743 = vector.broadcast %jit3A_740 : i32 to vector<16xi32>
        %min3A_744 = arith.minsi %min3A_743, %max3A_742 : vector<16xi32>
        %get3A_745 = arith.index_cast %add3A_735 : i32 to index
        %get3A_746 = tpu.vector_load %arg8[%get3A_745] {strides = array<i32>} : memref<3200xi32, #tpu.memory_space<vmem>>, vector<16xi32>,
        %get3A_747 = vector.shape_cast %get3A_746 : vector<16xi32> to vector<16xi32>
        %jit3A_748 = arith.constant 0 : i32
        %jit3A_749 = arith.constant 4 : i32
        %max3A_750 = vector.broadcast %jit3A_748 : i32 to vector<16xi32>
        %max3A_751 = arith.maxsi %max3A_750, %get3A_747 : vector<16xi32>
        %min3A_752 = vector.broadcast %jit3A_749 : i32 to vector<16xi32>
        %min3A_753 = arith.minsi %min3A_752, %max3A_751 : vector<16xi32>
        %get3A_754 = arith.index_cast %add3A_735 : i32 to index
        %get3A_755 = tpu.vector_load %arg9[%get3A_754] {strides = array<i32>} : memref<3200xi32, #tpu.memory_space<vmem>>, vector<16xi32>,
        %get3A_756 = vector.shape_cast %get3A_755 : vector<16xi32> to vector<16xi32>
        %add3A_757 = arith.constant 5 : i32
        %add3A_758 = vector.broadcast %add3A_757 : i32 to vector<16xi32>
        %add3A_759 = arith.addi %get3A_756, %add3A_758 : vector<16xi32>
        %jit3A_760 = arith.constant 0 : i32
        %jit3A_761 = arith.constant 10 : i32
        %max3A_762 = vector.broadcast %jit3A_760 : i32 to vector<16xi32>
        %max3A_763 = arith.maxsi %max3A_762, %add3A_759 : vector<16xi32>
        %min3A_764 = vector.broadcast %jit3A_761 : i32 to vector<16xi32>
        %min3A_765 = arith.minsi %min3A_764, %max3A_763 : vector<16xi32>
        %mul3A_766 = arith.constant 55 : i32
        %mul3A_767 = vector.broadcast %mul3A_766 : i32 to vector<16xi32>
        %mul3A_768 = arith.muli %min3A_744, %mul3A_767 : vector<16xi32>
        %mul3A_769 = arith.constant 11 : i32
        %mul3A_770 = vector.broadcast %mul3A_769 : i32 to vector<16xi32>
        %mul3A_771 = arith.muli %min3A_753, %mul3A_770 : vector<16xi32>
        %add3A_772 = arith.addi %mul3A_768, %mul3A_771 : vector<16xi32>
        %add3A_773 = arith.addi %add3A_772, %min3A_765 : vector<16xi32>
        %swap3A_774 = arith.index_cast %add3A_735 : i32 to index
        %swap3A_775 = tpu.vector_load %arg10[%swap3A_774] {strides = array<i32>} : memref<3200xi32, #tpu.memory_space<vmem>>, vector<16xi32>,
        %swap3A_776 = vector.shape_cast %swap3A_775 : vector<16xi32> to vector<16xi32>
        %swap3A_777 = vector.shape_cast %add3A_773 : vector<16xi32> to vector<16xi32>
        tpu.vector_store %arg10[%swap3A_774], %swap3A_777 {strides = array<i32>} : memref<3200xi32, #tpu.memory_space<vmem>>, vector<16xi32>,
      }
      %scan3A_541 = arith.constant 38 : i32
    } else {
    }
    %eq3A = arith.constant 31 : i32
    %eq3A_9 = arith.cmpi eq, %add3A, %eq3A : i32
    %convert_element_type3A_10 = arith.extui %eq3A_9 : i1 to i32
    %cond3A_11 = arith.constant 0 : i32
    %cond3A_12 = arith.cmpi ne, %convert_element_type3A_10, %cond3A_11 : i32
    scf.if %cond3A_12 {
      %dma_start3A_490 = arith.constant 0 : i32
      %dma_start3A_491 = tpu.memref_slice %arg7[%dma_start3A_490] : memref<3200xi32, #tpu.memory_space<vmem>> -> memref<800xi32, #tpu.memory_space<vmem>>
      %dma_start3A_492 = tpu.memref_slice %arg3[%mul3A_2] : memref<100000xi32, #tpu.memory_space<hbm>> -> memref<800xi32, #tpu.memory_space<hbm>>
      %dma_start3A_493 = arith.constant 0 : i32
      %dma_start3A_494 = tpu.memref_slice %arg7[%dma_start3A_493] : memref<3200xi32, #tpu.memory_space<vmem>> -> memref<800xi32, #tpu.memory_space<vmem>>
      %dma_start3A_495 = tpu.memref_slice %arg3[%mul3A_2] : memref<100000xi32, #tpu.memory_space<hbm>> -> memref<800xi32, #tpu.memory_space<hbm>>
      tpu.enqueue_dma source(%dma_start3A_495 : memref<800xi32, #tpu.memory_space<hbm>>) target(%dma_start3A_494 : memref<800xi32, #tpu.memory_space<vmem>>) target_semaphore(%arg16 : memref<!tpu.dma_semaphore, #tpu.memory_space<semaphore_mem>>)
      %dma_start3A_496 = arith.constant 0 : i32
      %dma_start3A_497 = tpu.memref_slice %arg8[%dma_start3A_496] : memref<3200xi32, #tpu.memory_space<vmem>> -> memref<800xi32, #tpu.memory_space<vmem>>
      %dma_start3A_498 = tpu.memref_slice %arg4[%mul3A_2] : memref<100000xi32, #tpu.memory_space<hbm>> -> memref<800xi32, #tpu.memory_space<hbm>>
      %dma_start3A_499 = arith.constant 0 : i32
      %dma_start3A_500 = tpu.memref_slice %arg8[%dma_start3A_499] : memref<3200xi32, #tpu.memory_space<vmem>> -> memref<800xi32, #tpu.memory_space<vmem>>
      %dma_start3A_501 = tpu.memref_slice %arg4[%mul3A_2] : memref<100000xi32, #tpu.memory_space<hbm>> -> memref<800xi32, #tpu.memory_space<hbm>>
      tpu.enqueue_dma source(%dma_start3A_501 : memref<800xi32, #tpu.memory_space<hbm>>) target(%dma_start3A_500 : memref<800xi32, #tpu.memory_space<vmem>>) target_semaphore(%arg16 : memref<!tpu.dma_semaphore, #tpu.memory_space<semaphore_mem>>)
      %dma_start3A_502 = arith.constant 0 : i32
      %dma_start3A_503 = tpu.memref_slice %arg9[%dma_start3A_502] : memref<3200xi32, #tpu.memory_space<vmem>> -> memref<800xi32, #tpu.memory_space<vmem>>
      %dma_start3A_504 = tpu.memref_slice %arg5[%mul3A_2] : memref<100000xi32, #tpu.memory_space<hbm>> -> memref<800xi32, #tpu.memory_space<hbm>>
      %dma_start3A_505 = arith.constant 0 : i32
      %dma_start3A_506 = tpu.memref_slice %arg9[%dma_start3A_505] : memref<3200xi32, #tpu.memory_space<vmem>> -> memref<800xi32, #tpu.memory_space<vmem>>
      %dma_start3A_507 = tpu.memref_slice %arg5[%mul3A_2] : memref<100000xi32, #tpu.memory_space<hbm>> -> memref<800xi32, #tpu.memory_space<hbm>>
      tpu.enqueue_dma source(%dma_start3A_507 : memref<800xi32, #tpu.memory_space<hbm>>) target(%dma_start3A_506 : memref<800xi32, #tpu.memory_space<vmem>>) target_semaphore(%arg16 : memref<!tpu.dma_semaphore, #tpu.memory_space<semaphore_mem>>)
      %dma_wait3A_508 = arith.constant 0 : i32
      %dma_wait3A_509 = tpu.memref_slice %arg7[%dma_wait3A_508] : memref<3200xi32, #tpu.memory_space<vmem>> -> memref<800xi32, #tpu.memory_space<vmem>>
      %dma_wait3A_510 = tpu.memref_slice %arg3[%mul3A_2] : memref<100000xi32, #tpu.memory_space<hbm>> -> memref<800xi32, #tpu.memory_space<hbm>>
      %dma_wait3A_511 = arith.constant 0 : i32
      %dma_wait3A_512 = tpu.memref_slice %arg7[%dma_wait3A_511] : memref<3200xi32, #tpu.memory_space<vmem>> -> memref<800xi32, #tpu.memory_space<vmem>>
      %dma_wait3A_513 = tpu.memref_slice %arg3[%mul3A_2] : memref<100000xi32, #tpu.memory_space<hbm>> -> memref<800xi32, #tpu.memory_space<hbm>>
      tpu.wait_dma2 semaphore(%arg16 : memref<!tpu.dma_semaphore, #tpu.memory_space<semaphore_mem>>) src(%dma_wait3A_513 : memref<800xi32, #tpu.memory_space<hbm>>) dst(%dma_wait3A_512 : memref<800xi32, #tpu.memory_space<vmem>>)
      %dma_wait3A_514 = arith.constant 0 : i32
      %dma_wait3A_515 = tpu.memref_slice %arg8[%dma_wait3A_514] : memref<3200xi32, #tpu.memory_space<vmem>> -> memref<800xi32, #tpu.memory_space<vmem>>
      %dma_wait3A_516 = tpu.memref_slice %arg4[%mul3A_2] : memref<100000xi32, #tpu.memory_space<hbm>> -> memref<800xi32, #tpu.memory_space<hbm>>
      %dma_wait3A_517 = arith.constant 0 : i32
      %dma_wait3A_518 = tpu.memref_slice %arg8[%dma_wait3A_517] : memref<3200xi32, #tpu.memory_space<vmem>> -> memref<800xi32, #tpu.memory_space<vmem>>
      %dma_wait3A_519 = tpu.memref_slice %arg4[%mul3A_2] : memref<100000xi32, #tpu.memory_space<hbm>> -> memref<800xi32, #tpu.memory_space<hbm>>
      tpu.wait_dma2 semaphore(%arg16 : memref<!tpu.dma_semaphore, #tpu.memory_space<semaphore_mem>>) src(%dma_wait3A_519 : memref<800xi32, #tpu.memory_space<hbm>>) dst(%dma_wait3A_518 : memref<800xi32, #tpu.memory_space<vmem>>)
      %dma_wait3A_520 = arith.constant 0 : i32
      %dma_wait3A_521 = tpu.memref_slice %arg9[%dma_wait3A_520] : memref<3200xi32, #tpu.memory_space<vmem>> -> memref<800xi32, #tpu.memory_space<vmem>>
      %dma_wait3A_522 = tpu.memref_slice %arg5[%mul3A_2] : memref<100000xi32, #tpu.memory_space<hbm>> -> memref<800xi32, #tpu.memory_space<hbm>>
      %dma_wait3A_523 = arith.constant 0 : i32
      %dma_wait3A_524 = tpu.memref_slice %arg9[%dma_wait3A_523] : memref<3200xi32, #tpu.memory_space<vmem>> -> memref<800xi32, #tpu.memory_space<vmem>>
      %dma_wait3A_525 = tpu.memref_slice %arg5[%mul3A_2] : memref<100000xi32, #tpu.memory_space<hbm>> -> memref<800xi32, #tpu.memory_space<hbm>>
      tpu.wait_dma2 semaphore(%arg16 : memref<!tpu.dma_semaphore, #tpu.memory_space<semaphore_mem>>) src(%dma_wait3A_525 : memref<800xi32, #tpu.memory_space<hbm>>) dst(%dma_wait3A_524 : memref<800xi32, #tpu.memory_space<vmem>>)
      %scan3A = arith.constant 0 : i32
      %scan3A_526 = arith.constant 0 : i32
      %scan3A_527 = arith.constant 2 : i32
      %scan3A_528 = arith.addi %scan3A_526, %scan3A_527 : i32
      %scan3A_529 = arith.constant 1 : i32
      scf.for %scan3A_548 = %scan3A_526 to %scan3A_528 step %scan3A_529  : i32 {
        %mul3A_549 = arith.constant 80 : i32
        %mul3A_550 = arith.muli %scan3A_548, %mul3A_549 : i32
        %add3A_551 = arith.constant 0 : i32
        %add3A_552 = arith.addi %add3A_551, %mul3A_550 : i32
        %add3A_553 = arith.constant 0 : i32
        %add3A_554 = arith.addi %add3A_552, %add3A_553 : i32
        %get3A = arith.index_cast %add3A_554 : i32 to index
        %get3A_555 = tpu.vector_load %arg7[%get3A] {strides = array<i32>} : memref<3200xi32, #tpu.memory_space<vmem>>, vector<16xi32>,
        %get3A_556 = vector.shape_cast %get3A_555 : vector<16xi32> to vector<16xi32>
        %jit3A = arith.constant 0 : i32
        %jit3A_557 = arith.constant 22 : i32
        %max3A = vector.broadcast %jit3A : i32 to vector<16xi32>
        %max3A_558 = arith.maxsi %max3A, %get3A_556 : vector<16xi32>
        %min3A = vector.broadcast %jit3A_557 : i32 to vector<16xi32>
        %min3A_559 = arith.minsi %min3A, %max3A_558 : vector<16xi32>
        %get3A_560 = arith.index_cast %add3A_554 : i32 to index
        %get3A_561 = tpu.vector_load %arg8[%get3A_560] {strides = array<i32>} : memref<3200xi32, #tpu.memory_space<vmem>>, vector<16xi32>,
        %get3A_562 = vector.shape_cast %get3A_561 : vector<16xi32> to vector<16xi32>
        %jit3A_563 = arith.constant 0 : i32
        %jit3A_564 = arith.constant 4 : i32
        %max3A_565 = vector.broadcast %jit3A_563 : i32 to vector<16xi32>
        %max3A_566 = arith.maxsi %max3A_565, %get3A_562 : vector<16xi32>
        %min3A_567 = vector.broadcast %jit3A_564 : i32 to vector<16xi32>
        %min3A_568 = arith.minsi %min3A_567, %max3A_566 : vector<16xi32>
        %get3A_569 = arith.index_cast %add3A_554 : i32 to index
        %get3A_570 = tpu.vector_load %arg9[%get3A_569] {strides = array<i32>} : memref<3200xi32, #tpu.memory_space<vmem>>, vector<16xi32>,
        %get3A_571 = vector.shape_cast %get3A_570 : vector<16xi32> to vector<16xi32>
        %add3A_572 = arith.constant 5 : i32
        %add3A_573 = vector.broadcast %add3A_572 : i32 to vector<16xi32>
        %add3A_574 = arith.addi %get3A_571, %add3A_573 : vector<16xi32>
        %jit3A_575 = arith.constant 0 : i32
        %jit3A_576 = arith.constant 10 : i32
        %max3A_577 = vector.broadcast %jit3A_575 : i32 to vector<16xi32>
        %max3A_578 = arith.maxsi %max3A_577, %add3A_574 : vector<16xi32>
        %min3A_579 = vector.broadcast %jit3A_576 : i32 to vector<16xi32>
        %min3A_580 = arith.minsi %min3A_579, %max3A_578 : vector<16xi32>
        %mul3A_581 = arith.constant 55 : i32
        %mul3A_582 = vector.broadcast %mul3A_581 : i32 to vector<16xi32>
        %mul3A_583 = arith.muli %min3A_559, %mul3A_582 : vector<16xi32>
        %mul3A_584 = arith.constant 11 : i32
        %mul3A_585 = vector.broadcast %mul3A_584 : i32 to vector<16xi32>
        %mul3A_586 = arith.muli %min3A_568, %mul3A_585 : vector<16xi32>
        %add3A_587 = arith.addi %mul3A_583, %mul3A_586 : vector<16xi32>
        %add3A_588 = arith.addi %add3A_587, %min3A_580 : vector<16xi32>
        %swap3A = arith.index_cast %add3A_554 : i32 to index
        %swap3A_589 = tpu.vector_load %arg10[%swap3A] {strides = array<i32>} : memref<3200xi32, #tpu.memory_space<vmem>>, vector<16xi32>,
        %swap3A_590 = vector.shape_cast %swap3A_589 : vector<16xi32> to vector<16xi32>
        %swap3A_591 = vector.shape_cast %add3A_588 : vector<16xi32> to vector<16xi32>
        tpu.vector_store %arg10[%swap3A], %swap3A_591 {strides = array<i32>} : memref<3200xi32, #tpu.memory_space<vmem>>, vector<16xi32>,
        %mul3A_592 = arith.constant 80 : i32
        %mul3A_593 = arith.muli %scan3A_548, %mul3A_592 : i32
        %add3A_594 = arith.constant 0 : i32
        %add3A_595 = arith.addi %add3A_594, %mul3A_593 : i32
        %add3A_596 = arith.constant 16 : i32
        %add3A_597 = arith.addi %add3A_595, %add3A_596 : i32
        %get3A_598 = arith.index_cast %add3A_597 : i32 to index
        %get3A_599 = tpu.vector_load %arg7[%get3A_598] {strides = array<i32>} : memref<3200xi32, #tpu.memory_space<vmem>>, vector<16xi32>,
        %get3A_600 = vector.shape_cast %get3A_599 : vector<16xi32> to vector<16xi32>
        %jit3A_601 = arith.constant 0 : i32
        %jit3A_602 = arith.constant 22 : i32
        %max3A_603 = vector.broadcast %jit3A_601 : i32 to vector<16xi32>
        %max3A_604 = arith.maxsi %max3A_603, %get3A_600 : vector<16xi32>
        %min3A_605 = vector.broadcast %jit3A_602 : i32 to vector<16xi32>
        %min3A_606 = arith.minsi %min3A_605, %max3A_604 : vector<16xi32>
        %get3A_607 = arith.index_cast %add3A_597 : i32 to index
        %get3A_608 = tpu.vector_load %arg8[%get3A_607] {strides = array<i32>} : memref<3200xi32, #tpu.memory_space<vmem>>, vector<16xi32>,
        %get3A_609 = vector.shape_cast %get3A_608 : vector<16xi32> to vector<16xi32>
        %jit3A_610 = arith.constant 0 : i32
        %jit3A_611 = arith.constant 4 : i32
        %max3A_612 = vector.broadcast %jit3A_610 : i32 to vector<16xi32>
        %max3A_613 = arith.maxsi %max3A_612, %get3A_609 : vector<16xi32>
        %min3A_614 = vector.broadcast %jit3A_611 : i32 to vector<16xi32>
        %min3A_615 = arith.minsi %min3A_614, %max3A_613 : vector<16xi32>
        %get3A_616 = arith.index_cast %add3A_597 : i32 to index
        %get3A_617 = tpu.vector_load %arg9[%get3A_616] {strides = array<i32>} : memref<3200xi32, #tpu.memory_space<vmem>>, vector<16xi32>,
        %get3A_618 = vector.shape_cast %get3A_617 : vector<16xi32> to vector<16xi32>
        %add3A_619 = arith.constant 5 : i32
        %add3A_620 = vector.broadcast %add3A_619 : i32 to vector<16xi32>
        %add3A_621 = arith.addi %get3A_618, %add3A_620 : vector<16xi32>
        %jit3A_622 = arith.constant 0 : i32
        %jit3A_623 = arith.constant 10 : i32
        %max3A_624 = vector.broadcast %jit3A_622 : i32 to vector<16xi32>
        %max3A_625 = arith.maxsi %max3A_624, %add3A_621 : vector<16xi32>
        %min3A_626 = vector.broadcast %jit3A_623 : i32 to vector<16xi32>
        %min3A_627 = arith.minsi %min3A_626, %max3A_625 : vector<16xi32>
        %mul3A_628 = arith.constant 55 : i32
        %mul3A_629 = vector.broadcast %mul3A_628 : i32 to vector<16xi32>
        %mul3A_630 = arith.muli %min3A_606, %mul3A_629 : vector<16xi32>
        %mul3A_631 = arith.constant 11 : i32
        %mul3A_632 = vector.broadcast %mul3A_631 : i32 to vector<16xi32>
        %mul3A_633 = arith.muli %min3A_615, %mul3A_632 : vector<16xi32>
        %add3A_634 = arith.addi %mul3A_630, %mul3A_633 : vector<16xi32>
        %add3A_635 = arith.addi %add3A_634, %min3A_627 : vector<16xi32>
        %swap3A_636 = arith.index_cast %add3A_597 : i32 to index
        %swap3A_637 = tpu.vector_load %arg10[%swap3A_636] {strides = array<i32>} : memref<3200xi32, #tpu.memory_space<vmem>>, vector<16xi32>,
        %swap3A_638 = vector.shape_cast %swap3A_637 : vector<16xi32> to vector<16xi32>
        %swap3A_639 = vector.shape_cast %add3A_635 : vector<16xi32> to vector<16xi32>
        tpu.vector_store %arg10[%swap3A_636], %swap3A_639 {strides = array<i32>} : memref<3200xi32, #tpu.memory_space<vmem>>, vector<16xi32>,
        %mul3A_640 = arith.constant 80 : i32
        %mul3A_641 = arith.muli %scan3A_548, %mul3A_640 : i32
        %add3A_642 = arith.constant 0 : i32
        %add3A_643 = arith.addi %add3A_642, %mul3A_641 : i32
        %add3A_644 = arith.constant 32 : i32
        %add3A_645 = arith.addi %add3A_643, %add3A_644 : i32
        %get3A_646 = arith.index_cast %add3A_645 : i32 to index
        %get3A_647 = tpu.vector_load %arg7[%get3A_646] {strides = array<i32>} : memref<3200xi32, #tpu.memory_space<vmem>>, vector<16xi32>,
        %get3A_648 = vector.shape_cast %get3A_647 : vector<16xi32> to vector<16xi32>
        %jit3A_649 = arith.constant 0 : i32
        %jit3A_650 = arith.constant 22 : i32
        %max3A_651 = vector.broadcast %jit3A_649 : i32 to vector<16xi32>
        %max3A_652 = arith.maxsi %max3A_651, %get3A_648 : vector<16xi32>
        %min3A_653 = vector.broadcast %jit3A_650 : i32 to vector<16xi32>
        %min3A_654 = arith.minsi %min3A_653, %max3A_652 : vector<16xi32>
        %get3A_655 = arith.index_cast %add3A_645 : i32 to index
        %get3A_656 = tpu.vector_load %arg8[%get3A_655] {strides = array<i32>} : memref<3200xi32, #tpu.memory_space<vmem>>, vector<16xi32>,
        %get3A_657 = vector.shape_cast %get3A_656 : vector<16xi32> to vector<16xi32>
        %jit3A_658 = arith.constant 0 : i32
        %jit3A_659 = arith.constant 4 : i32
        %max3A_660 = vector.broadcast %jit3A_658 : i32 to vector<16xi32>
        %max3A_661 = arith.maxsi %max3A_660, %get3A_657 : vector<16xi32>
        %min3A_662 = vector.broadcast %jit3A_659 : i32 to vector<16xi32>
        %min3A_663 = arith.minsi %min3A_662, %max3A_661 : vector<16xi32>
        %get3A_664 = arith.index_cast %add3A_645 : i32 to index
        %get3A_665 = tpu.vector_load %arg9[%get3A_664] {strides = array<i32>} : memref<3200xi32, #tpu.memory_space<vmem>>, vector<16xi32>,
        %get3A_666 = vector.shape_cast %get3A_665 : vector<16xi32> to vector<16xi32>
        %add3A_667 = arith.constant 5 : i32
        %add3A_668 = vector.broadcast %add3A_667 : i32 to vector<16xi32>
        %add3A_669 = arith.addi %get3A_666, %add3A_668 : vector<16xi32>
        %jit3A_670 = arith.constant 0 : i32
        %jit3A_671 = arith.constant 10 : i32
        %max3A_672 = vector.broadcast %jit3A_670 : i32 to vector<16xi32>
        %max3A_673 = arith.maxsi %max3A_672, %add3A_669 : vector<16xi32>
        %min3A_674 = vector.broadcast %jit3A_671 : i32 to vector<16xi32>
        %min3A_675 = arith.minsi %min3A_674, %max3A_673 : vector<16xi32>
        %mul3A_676 = arith.constant 55 : i32
        %mul3A_677 = vector.broadcast %mul3A_676 : i32 to vector<16xi32>
        %mul3A_678 = arith.muli %min3A_654, %mul3A_677 : vector<16xi32>
        %mul3A_679 = arith.constant 11 : i32
        %mul3A_680 = vector.broadcast %mul3A_679 : i32 to vector<16xi32>
        %mul3A_681 = arith.muli %min3A_663, %mul3A_680 : vector<16xi32>
        %add3A_682 = arith.addi %mul3A_678, %mul3A_681 : vector<16xi32>
        %add3A_683 = arith.addi %add3A_682, %min3A_675 : vector<16xi32>
        %swap3A_684 = arith.index_cast %add3A_645 : i32 to index
        %swap3A_685 = tpu.vector_load %arg10[%swap3A_684] {strides = array<i32>} : memref<3200xi32, #tpu.memory_space<vmem>>, vector<16xi32>,
        %swap3A_686 = vector.shape_cast %swap3A_685 : vector<16xi32> to vector<16xi32>
        %swap3A_687 = vector.shape_cast %add3A_683 : vector<16xi32> to vector<16xi32>
        tpu.vector_store %arg10[%swap3A_684], %swap3A_687 {strides = array<i32>} : memref<3200xi32, #tpu.memory_space<vmem>>, vector<16xi32>,
        %mul3A_688 = arith.constant 80 : i32
        %mul3A_689 = arith.muli %scan3A_548, %mul3A_688 : i32
        %add3A_690 = arith.constant 0 : i32
        %add3A_691 = arith.addi %add3A_690, %mul3A_689 : i32
        %add3A_692 = arith.constant 48 : i32
        %add3A_693 = arith.addi %add3A_691, %add3A_692 : i32
        %get3A_694 = arith.index_cast %add3A_693 : i32 to index
        %get3A_695 = tpu.vector_load %arg7[%get3A_694] {strides = array<i32>} : memref<3200xi32, #tpu.memory_space<vmem>>, vector<16xi32>,
        %get3A_696 = vector.shape_cast %get3A_695 : vector<16xi32> to vector<16xi32>
        %jit3A_697 = arith.constant 0 : i32
        %jit3A_698 = arith.constant 22 : i32
        %max3A_699 = vector.broadcast %jit3A_697 : i32 to vector<16xi32>
        %max3A_700 = arith.maxsi %max3A_699, %get3A_696 : vector<16xi32>
        %min3A_701 = vector.broadcast %jit3A_698 : i32 to vector<16xi32>
        %min3A_702 = arith.minsi %min3A_701, %max3A_700 : vector<16xi32>
        %get3A_703 = arith.index_cast %add3A_693 : i32 to index
        %get3A_704 = tpu.vector_load %arg8[%get3A_703] {strides = array<i32>} : memref<3200xi32, #tpu.memory_space<vmem>>, vector<16xi32>,
        %get3A_705 = vector.shape_cast %get3A_704 : vector<16xi32> to vector<16xi32>
        %jit3A_706 = arith.constant 0 : i32
        %jit3A_707 = arith.constant 4 : i32
        %max3A_708 = vector.broadcast %jit3A_706 : i32 to vector<16xi32>
        %max3A_709 = arith.maxsi %max3A_708, %get3A_705 : vector<16xi32>
        %min3A_710 = vector.broadcast %jit3A_707 : i32 to vector<16xi32>
        %min3A_711 = arith.minsi %min3A_710, %max3A_709 : vector<16xi32>
        %get3A_712 = arith.index_cast %add3A_693 : i32 to index
        %get3A_713 = tpu.vector_load %arg9[%get3A_712] {strides = array<i32>} : memref<3200xi32, #tpu.memory_space<vmem>>, vector<16xi32>,
        %get3A_714 = vector.shape_cast %get3A_713 : vector<16xi32> to vector<16xi32>
        %add3A_715 = arith.constant 5 : i32
        %add3A_716 = vector.broadcast %add3A_715 : i32 to vector<16xi32>
        %add3A_717 = arith.addi %get3A_714, %add3A_716 : vector<16xi32>
        %jit3A_718 = arith.constant 0 : i32
        %jit3A_719 = arith.constant 10 : i32
        %max3A_720 = vector.broadcast %jit3A_718 : i32 to vector<16xi32>
        %max3A_721 = arith.maxsi %max3A_720, %add3A_717 : vector<16xi32>
        %min3A_722 = vector.broadcast %jit3A_719 : i32 to vector<16xi32>
        %min3A_723 = arith.minsi %min3A_722, %max3A_721 : vector<16xi32>
        %mul3A_724 = arith.constant 55 : i32
        %mul3A_725 = vector.broadcast %mul3A_724 : i32 to vector<16xi32>
        %mul3A_726 = arith.muli %min3A_702, %mul3A_725 : vector<16xi32>
        %mul3A_727 = arith.constant 11 : i32
        %mul3A_728 = vector.broadcast %mul3A_727 : i32 to vector<16xi32>
        %mul3A_729 = arith.muli %min3A_711, %mul3A_728 : vector<16xi32>
        %add3A_730 = arith.addi %mul3A_726, %mul3A_729 : vector<16xi32>
        %add3A_731 = arith.addi %add3A_730, %min3A_723 : vector<16xi32>
        %swap3A_732 = arith.index_cast %add3A_693 : i32 to index
        %swap3A_733 = tpu.vector_load %arg10[%swap3A_732] {strides = array<i32>} : memref<3200xi32, #tpu.memory_space<vmem>>, vector<16xi32>,
        %swap3A_734 = vector.shape_cast %swap3A_733 : vector<16xi32> to vector<16xi32>
        %swap3A_735 = vector.shape_cast %add3A_731 : vector<16xi32> to vector<16xi32>
        tpu.vector_store %arg10[%swap3A_732], %swap3A_735 {strides = array<i32>} : memref<3200xi32, #tpu.memory_space<vmem>>, vector<16xi32>,
        %mul3A_736 = arith.constant 80 : i32
        %mul3A_737 = arith.muli %scan3A_548, %mul3A_736 : i32
        %add3A_738 = arith.constant 0 : i32
        %add3A_739 = arith.addi %add3A_738, %mul3A_737 : i32
        %add3A_740 = arith.constant 64 : i32
        %add3A_741 = arith.addi %add3A_739, %add3A_740 : i32
        %get3A_742 = arith.index_cast %add3A_741 : i32 to index
        %get3A_743 = tpu.vector_load %arg7[%get3A_742] {strides = array<i32>} : memref<3200xi32, #tpu.memory_space<vmem>>, vector<16xi32>,
        %get3A_744 = vector.shape_cast %get3A_743 : vector<16xi32> to vector<16xi32>
        %jit3A_745 = arith.constant 0 : i32
        %jit3A_746 = arith.constant 22 : i32
        %max3A_747 = vector.broadcast %jit3A_745 : i32 to vector<16xi32>
        %max3A_748 = arith.maxsi %max3A_747, %get3A_744 : vector<16xi32>
        %min3A_749 = vector.broadcast %jit3A_746 : i32 to vector<16xi32>
        %min3A_750 = arith.minsi %min3A_749, %max3A_748 : vector<16xi32>
        %get3A_751 = arith.index_cast %add3A_741 : i32 to index
        %get3A_752 = tpu.vector_load %arg8[%get3A_751] {strides = array<i32>} : memref<3200xi32, #tpu.memory_space<vmem>>, vector<16xi32>,
        %get3A_753 = vector.shape_cast %get3A_752 : vector<16xi32> to vector<16xi32>
        %jit3A_754 = arith.constant 0 : i32
        %jit3A_755 = arith.constant 4 : i32
        %max3A_756 = vector.broadcast %jit3A_754 : i32 to vector<16xi32>
        %max3A_757 = arith.maxsi %max3A_756, %get3A_753 : vector<16xi32>
        %min3A_758 = vector.broadcast %jit3A_755 : i32 to vector<16xi32>
        %min3A_759 = arith.minsi %min3A_758, %max3A_757 : vector<16xi32>
        %get3A_760 = arith.index_cast %add3A_741 : i32 to index
        %get3A_761 = tpu.vector_load %arg9[%get3A_760] {strides = array<i32>} : memref<3200xi32, #tpu.memory_space<vmem>>, vector<16xi32>,
        %get3A_762 = vector.shape_cast %get3A_761 : vector<16xi32> to vector<16xi32>
        %add3A_763 = arith.constant 5 : i32
        %add3A_764 = vector.broadcast %add3A_763 : i32 to vector<16xi32>
        %add3A_765 = arith.addi %get3A_762, %add3A_764 : vector<16xi32>
        %jit3A_766 = arith.constant 0 : i32
        %jit3A_767 = arith.constant 10 : i32
        %max3A_768 = vector.broadcast %jit3A_766 : i32 to vector<16xi32>
        %max3A_769 = arith.maxsi %max3A_768, %add3A_765 : vector<16xi32>
        %min3A_770 = vector.broadcast %jit3A_767 : i32 to vector<16xi32>
        %min3A_771 = arith.minsi %min3A_770, %max3A_769 : vector<16xi32>
        %mul3A_772 = arith.constant 55 : i32
        %mul3A_773 = vector.broadcast %mul3A_772 : i32 to vector<16xi32>
        %mul3A_774 = arith.muli %min3A_750, %mul3A_773 : vector<16xi32>
        %mul3A_775 = arith.constant 11 : i32
        %mul3A_776 = vector.broadcast %mul3A_775 : i32 to vector<16xi32>
        %mul3A_777 = arith.muli %min3A_759, %mul3A_776 : vector<16xi32>
        %add3A_778 = arith.addi %mul3A_774, %mul3A_777 : vector<16xi32>
        %add3A_779 = arith.addi %add3A_778, %min3A_771 : vector<16xi32>
        %swap3A_780 = arith.index_cast %add3A_741 : i32 to index
        %swap3A_781 = tpu.vector_load %arg10[%swap3A_780] {strides = array<i32>} : memref<3200xi32, #tpu.memory_space<vmem>>, vector<16xi32>,
        %swap3A_782 = vector.shape_cast %swap3A_781 : vector<16xi32> to vector<16xi32>
        %swap3A_783 = vector.shape_cast %add3A_779 : vector<16xi32> to vector<16xi32>
        tpu.vector_store %arg10[%swap3A_780], %swap3A_783 {strides = array<i32>} : memref<3200xi32, #tpu.memory_space<vmem>>, vector<16xi32>,
      }
      %scan3A_530 = arith.constant 2 : i32
      %dma_start3A_531 = arith.constant 0 : i32
      %dma_start3A_532 = tpu.memref_slice %arg10[%dma_start3A_531] : memref<3200xi32, #tpu.memory_space<vmem>> -> memref<160xi32, #tpu.memory_space<vmem>>
      %dma_start3A_533 = arith.constant 0 : i32
      %dma_start3A_534 = arith.constant 0 : i32
      %dma_start3A_535 = tpu.memref_slice %arg14[%dma_start3A_533, %dma_start3A_534] : memref<1280x128xf32, #tpu.memory_space<vmem_shared>> -> memref<1280x128xf32, #tpu.memory_space<vmem_shared>>
      tpu.enqueue_indirect_dma source(%dma_start3A_535 : memref<1280x128xf32, #tpu.memory_space<vmem_shared>>) target(%arg11 : memref<160x128xf32, #tpu.memory_space<vmem>>) offsets(%dma_start3A_532 : memref<160xi32, #tpu.memory_space<vmem>>) semaphore(%arg15 : memref<!tpu.dma_semaphore, #tpu.memory_space<semaphore_mem>>)
      %scan3A_536 = arith.constant 0 : i32
      %scan3A_537 = arith.constant 0 : i32
      %scan3A_538 = arith.constant 8 : i32
      %scan3A_539 = arith.addi %scan3A_537, %scan3A_538 : i32
      %scan3A_540 = arith.constant 1 : i32
      scf.for %scan3A_548 = %scan3A_537 to %scan3A_539 step %scan3A_540  : i32 {
        %mul3A_549 = arith.constant 80 : i32
        %mul3A_550 = arith.muli %scan3A_548, %mul3A_549 : i32
        %add3A_551 = arith.constant 160 : i32
        %add3A_552 = arith.addi %add3A_551, %mul3A_550 : i32
        %add3A_553 = arith.constant 0 : i32
        %add3A_554 = arith.addi %add3A_552, %add3A_553 : i32
        %get3A = arith.index_cast %add3A_554 : i32 to index
        %get3A_555 = tpu.vector_load %arg7[%get3A] {strides = array<i32>} : memref<3200xi32, #tpu.memory_space<vmem>>, vector<16xi32>,
        %get3A_556 = vector.shape_cast %get3A_555 : vector<16xi32> to vector<16xi32>
        %jit3A = arith.constant 0 : i32
        %jit3A_557 = arith.constant 22 : i32
        %max3A = vector.broadcast %jit3A : i32 to vector<16xi32>
        %max3A_558 = arith.maxsi %max3A, %get3A_556 : vector<16xi32>
        %min3A = vector.broadcast %jit3A_557 : i32 to vector<16xi32>
        %min3A_559 = arith.minsi %min3A, %max3A_558 : vector<16xi32>
        %get3A_560 = arith.index_cast %add3A_554 : i32 to index
        %get3A_561 = tpu.vector_load %arg8[%get3A_560] {strides = array<i32>} : memref<3200xi32, #tpu.memory_space<vmem>>, vector<16xi32>,
        %get3A_562 = vector.shape_cast %get3A_561 : vector<16xi32> to vector<16xi32>
        %jit3A_563 = arith.constant 0 : i32
        %jit3A_564 = arith.constant 4 : i32
        %max3A_565 = vector.broadcast %jit3A_563 : i32 to vector<16xi32>
        %max3A_566 = arith.maxsi %max3A_565, %get3A_562 : vector<16xi32>
        %min3A_567 = vector.broadcast %jit3A_564 : i32 to vector<16xi32>
        %min3A_568 = arith.minsi %min3A_567, %max3A_566 : vector<16xi32>
        %get3A_569 = arith.index_cast %add3A_554 : i32 to index
        %get3A_570 = tpu.vector_load %arg9[%get3A_569] {strides = array<i32>} : memref<3200xi32, #tpu.memory_space<vmem>>, vector<16xi32>,
        %get3A_571 = vector.shape_cast %get3A_570 : vector<16xi32> to vector<16xi32>
        %add3A_572 = arith.constant 5 : i32
        %add3A_573 = vector.broadcast %add3A_572 : i32 to vector<16xi32>
        %add3A_574 = arith.addi %get3A_571, %add3A_573 : vector<16xi32>
        %jit3A_575 = arith.constant 0 : i32
        %jit3A_576 = arith.constant 10 : i32
        %max3A_577 = vector.broadcast %jit3A_575 : i32 to vector<16xi32>
        %max3A_578 = arith.maxsi %max3A_577, %add3A_574 : vector<16xi32>
        %min3A_579 = vector.broadcast %jit3A_576 : i32 to vector<16xi32>
        %min3A_580 = arith.minsi %min3A_579, %max3A_578 : vector<16xi32>
        %mul3A_581 = arith.constant 55 : i32
        %mul3A_582 = vector.broadcast %mul3A_581 : i32 to vector<16xi32>
        %mul3A_583 = arith.muli %min3A_559, %mul3A_582 : vector<16xi32>
        %mul3A_584 = arith.constant 11 : i32
        %mul3A_585 = vector.broadcast %mul3A_584 : i32 to vector<16xi32>
        %mul3A_586 = arith.muli %min3A_568, %mul3A_585 : vector<16xi32>
        %add3A_587 = arith.addi %mul3A_583, %mul3A_586 : vector<16xi32>
        %add3A_588 = arith.addi %add3A_587, %min3A_580 : vector<16xi32>
        %swap3A = arith.index_cast %add3A_554 : i32 to index
        %swap3A_589 = tpu.vector_load %arg10[%swap3A] {strides = array<i32>} : memref<3200xi32, #tpu.memory_space<vmem>>, vector<16xi32>,
        %swap3A_590 = vector.shape_cast %swap3A_589 : vector<16xi32> to vector<16xi32>
        %swap3A_591 = vector.shape_cast %add3A_588 : vector<16xi32> to vector<16xi32>
        tpu.vector_store %arg10[%swap3A], %swap3A_591 {strides = array<i32>} : memref<3200xi32, #tpu.memory_space<vmem>>, vector<16xi32>,
        %mul3A_592 = arith.constant 80 : i32
        %mul3A_593 = arith.muli %scan3A_548, %mul3A_592 : i32
        %add3A_594 = arith.constant 160 : i32
        %add3A_595 = arith.addi %add3A_594, %mul3A_593 : i32
        %add3A_596 = arith.constant 16 : i32
        %add3A_597 = arith.addi %add3A_595, %add3A_596 : i32
        %get3A_598 = arith.index_cast %add3A_597 : i32 to index
        %get3A_599 = tpu.vector_load %arg7[%get3A_598] {strides = array<i32>} : memref<3200xi32, #tpu.memory_space<vmem>>, vector<16xi32>,
        %get3A_600 = vector.shape_cast %get3A_599 : vector<16xi32> to vector<16xi32>
        %jit3A_601 = arith.constant 0 : i32
        %jit3A_602 = arith.constant 22 : i32
        %max3A_603 = vector.broadcast %jit3A_601 : i32 to vector<16xi32>
        %max3A_604 = arith.maxsi %max3A_603, %get3A_600 : vector<16xi32>
        %min3A_605 = vector.broadcast %jit3A_602 : i32 to vector<16xi32>
        %min3A_606 = arith.minsi %min3A_605, %max3A_604 : vector<16xi32>
        %get3A_607 = arith.index_cast %add3A_597 : i32 to index
        %get3A_608 = tpu.vector_load %arg8[%get3A_607] {strides = array<i32>} : memref<3200xi32, #tpu.memory_space<vmem>>, vector<16xi32>,
        %get3A_609 = vector.shape_cast %get3A_608 : vector<16xi32> to vector<16xi32>
        %jit3A_610 = arith.constant 0 : i32
        %jit3A_611 = arith.constant 4 : i32
        %max3A_612 = vector.broadcast %jit3A_610 : i32 to vector<16xi32>
        %max3A_613 = arith.maxsi %max3A_612, %get3A_609 : vector<16xi32>
        %min3A_614 = vector.broadcast %jit3A_611 : i32 to vector<16xi32>
        %min3A_615 = arith.minsi %min3A_614, %max3A_613 : vector<16xi32>
        %get3A_616 = arith.index_cast %add3A_597 : i32 to index
        %get3A_617 = tpu.vector_load %arg9[%get3A_616] {strides = array<i32>} : memref<3200xi32, #tpu.memory_space<vmem>>, vector<16xi32>,
        %get3A_618 = vector.shape_cast %get3A_617 : vector<16xi32> to vector<16xi32>
        %add3A_619 = arith.constant 5 : i32
        %add3A_620 = vector.broadcast %add3A_619 : i32 to vector<16xi32>
        %add3A_621 = arith.addi %get3A_618, %add3A_620 : vector<16xi32>
        %jit3A_622 = arith.constant 0 : i32
        %jit3A_623 = arith.constant 10 : i32
        %max3A_624 = vector.broadcast %jit3A_622 : i32 to vector<16xi32>
        %max3A_625 = arith.maxsi %max3A_624, %add3A_621 : vector<16xi32>
        %min3A_626 = vector.broadcast %jit3A_623 : i32 to vector<16xi32>
        %min3A_627 = arith.minsi %min3A_626, %max3A_625 : vector<16xi32>
        %mul3A_628 = arith.constant 55 : i32
        %mul3A_629 = vector.broadcast %mul3A_628 : i32 to vector<16xi32>
        %mul3A_630 = arith.muli %min3A_606, %mul3A_629 : vector<16xi32>
        %mul3A_631 = arith.constant 11 : i32
        %mul3A_632 = vector.broadcast %mul3A_631 : i32 to vector<16xi32>
        %mul3A_633 = arith.muli %min3A_615, %mul3A_632 : vector<16xi32>
        %add3A_634 = arith.addi %mul3A_630, %mul3A_633 : vector<16xi32>
        %add3A_635 = arith.addi %add3A_634, %min3A_627 : vector<16xi32>
        %swap3A_636 = arith.index_cast %add3A_597 : i32 to index
        %swap3A_637 = tpu.vector_load %arg10[%swap3A_636] {strides = array<i32>} : memref<3200xi32, #tpu.memory_space<vmem>>, vector<16xi32>,
        %swap3A_638 = vector.shape_cast %swap3A_637 : vector<16xi32> to vector<16xi32>
        %swap3A_639 = vector.shape_cast %add3A_635 : vector<16xi32> to vector<16xi32>
        tpu.vector_store %arg10[%swap3A_636], %swap3A_639 {strides = array<i32>} : memref<3200xi32, #tpu.memory_space<vmem>>, vector<16xi32>,
        %mul3A_640 = arith.constant 80 : i32
        %mul3A_641 = arith.muli %scan3A_548, %mul3A_640 : i32
        %add3A_642 = arith.constant 160 : i32
        %add3A_643 = arith.addi %add3A_642, %mul3A_641 : i32
        %add3A_644 = arith.constant 32 : i32
        %add3A_645 = arith.addi %add3A_643, %add3A_644 : i32
        %get3A_646 = arith.index_cast %add3A_645 : i32 to index
        %get3A_647 = tpu.vector_load %arg7[%get3A_646] {strides = array<i32>} : memref<3200xi32, #tpu.memory_space<vmem>>, vector<16xi32>,
        %get3A_648 = vector.shape_cast %get3A_647 : vector<16xi32> to vector<16xi32>
        %jit3A_649 = arith.constant 0 : i32
        %jit3A_650 = arith.constant 22 : i32
        %max3A_651 = vector.broadcast %jit3A_649 : i32 to vector<16xi32>
        %max3A_652 = arith.maxsi %max3A_651, %get3A_648 : vector<16xi32>
        %min3A_653 = vector.broadcast %jit3A_650 : i32 to vector<16xi32>
        %min3A_654 = arith.minsi %min3A_653, %max3A_652 : vector<16xi32>
        %get3A_655 = arith.index_cast %add3A_645 : i32 to index
        %get3A_656 = tpu.vector_load %arg8[%get3A_655] {strides = array<i32>} : memref<3200xi32, #tpu.memory_space<vmem>>, vector<16xi32>,
        %get3A_657 = vector.shape_cast %get3A_656 : vector<16xi32> to vector<16xi32>
        %jit3A_658 = arith.constant 0 : i32
        %jit3A_659 = arith.constant 4 : i32
        %max3A_660 = vector.broadcast %jit3A_658 : i32 to vector<16xi32>
        %max3A_661 = arith.maxsi %max3A_660, %get3A_657 : vector<16xi32>
        %min3A_662 = vector.broadcast %jit3A_659 : i32 to vector<16xi32>
        %min3A_663 = arith.minsi %min3A_662, %max3A_661 : vector<16xi32>
        %get3A_664 = arith.index_cast %add3A_645 : i32 to index
        %get3A_665 = tpu.vector_load %arg9[%get3A_664] {strides = array<i32>} : memref<3200xi32, #tpu.memory_space<vmem>>, vector<16xi32>,
        %get3A_666 = vector.shape_cast %get3A_665 : vector<16xi32> to vector<16xi32>
        %add3A_667 = arith.constant 5 : i32
        %add3A_668 = vector.broadcast %add3A_667 : i32 to vector<16xi32>
        %add3A_669 = arith.addi %get3A_666, %add3A_668 : vector<16xi32>
        %jit3A_670 = arith.constant 0 : i32
        %jit3A_671 = arith.constant 10 : i32
        %max3A_672 = vector.broadcast %jit3A_670 : i32 to vector<16xi32>
        %max3A_673 = arith.maxsi %max3A_672, %add3A_669 : vector<16xi32>
        %min3A_674 = vector.broadcast %jit3A_671 : i32 to vector<16xi32>
        %min3A_675 = arith.minsi %min3A_674, %max3A_673 : vector<16xi32>
        %mul3A_676 = arith.constant 55 : i32
        %mul3A_677 = vector.broadcast %mul3A_676 : i32 to vector<16xi32>
        %mul3A_678 = arith.muli %min3A_654, %mul3A_677 : vector<16xi32>
        %mul3A_679 = arith.constant 11 : i32
        %mul3A_680 = vector.broadcast %mul3A_679 : i32 to vector<16xi32>
        %mul3A_681 = arith.muli %min3A_663, %mul3A_680 : vector<16xi32>
        %add3A_682 = arith.addi %mul3A_678, %mul3A_681 : vector<16xi32>
        %add3A_683 = arith.addi %add3A_682, %min3A_675 : vector<16xi32>
        %swap3A_684 = arith.index_cast %add3A_645 : i32 to index
        %swap3A_685 = tpu.vector_load %arg10[%swap3A_684] {strides = array<i32>} : memref<3200xi32, #tpu.memory_space<vmem>>, vector<16xi32>,
        %swap3A_686 = vector.shape_cast %swap3A_685 : vector<16xi32> to vector<16xi32>
        %swap3A_687 = vector.shape_cast %add3A_683 : vector<16xi32> to vector<16xi32>
        tpu.vector_store %arg10[%swap3A_684], %swap3A_687 {strides = array<i32>} : memref<3200xi32, #tpu.memory_space<vmem>>, vector<16xi32>,
        %mul3A_688 = arith.constant 80 : i32
        %mul3A_689 = arith.muli %scan3A_548, %mul3A_688 : i32
        %add3A_690 = arith.constant 160 : i32
        %add3A_691 = arith.addi %add3A_690, %mul3A_689 : i32
        %add3A_692 = arith.constant 48 : i32
        %add3A_693 = arith.addi %add3A_691, %add3A_692 : i32
        %get3A_694 = arith.index_cast %add3A_693 : i32 to index
        %get3A_695 = tpu.vector_load %arg7[%get3A_694] {strides = array<i32>} : memref<3200xi32, #tpu.memory_space<vmem>>, vector<16xi32>,
        %get3A_696 = vector.shape_cast %get3A_695 : vector<16xi32> to vector<16xi32>
        %jit3A_697 = arith.constant 0 : i32
        %jit3A_698 = arith.constant 22 : i32
        %max3A_699 = vector.broadcast %jit3A_697 : i32 to vector<16xi32>
        %max3A_700 = arith.maxsi %max3A_699, %get3A_696 : vector<16xi32>
        %min3A_701 = vector.broadcast %jit3A_698 : i32 to vector<16xi32>
        %min3A_702 = arith.minsi %min3A_701, %max3A_700 : vector<16xi32>
        %get3A_703 = arith.index_cast %add3A_693 : i32 to index
        %get3A_704 = tpu.vector_load %arg8[%get3A_703] {strides = array<i32>} : memref<3200xi32, #tpu.memory_space<vmem>>, vector<16xi32>,
        %get3A_705 = vector.shape_cast %get3A_704 : vector<16xi32> to vector<16xi32>
        %jit3A_706 = arith.constant 0 : i32
        %jit3A_707 = arith.constant 4 : i32
        %max3A_708 = vector.broadcast %jit3A_706 : i32 to vector<16xi32>
        %max3A_709 = arith.maxsi %max3A_708, %get3A_705 : vector<16xi32>
        %min3A_710 = vector.broadcast %jit3A_707 : i32 to vector<16xi32>
        %min3A_711 = arith.minsi %min3A_710, %max3A_709 : vector<16xi32>
        %get3A_712 = arith.index_cast %add3A_693 : i32 to index
        %get3A_713 = tpu.vector_load %arg9[%get3A_712] {strides = array<i32>} : memref<3200xi32, #tpu.memory_space<vmem>>, vector<16xi32>,
        %get3A_714 = vector.shape_cast %get3A_713 : vector<16xi32> to vector<16xi32>
        %add3A_715 = arith.constant 5 : i32
        %add3A_716 = vector.broadcast %add3A_715 : i32 to vector<16xi32>
        %add3A_717 = arith.addi %get3A_714, %add3A_716 : vector<16xi32>
        %jit3A_718 = arith.constant 0 : i32
        %jit3A_719 = arith.constant 10 : i32
        %max3A_720 = vector.broadcast %jit3A_718 : i32 to vector<16xi32>
        %max3A_721 = arith.maxsi %max3A_720, %add3A_717 : vector<16xi32>
        %min3A_722 = vector.broadcast %jit3A_719 : i32 to vector<16xi32>
        %min3A_723 = arith.minsi %min3A_722, %max3A_721 : vector<16xi32>
        %mul3A_724 = arith.constant 55 : i32
        %mul3A_725 = vector.broadcast %mul3A_724 : i32 to vector<16xi32>
        %mul3A_726 = arith.muli %min3A_702, %mul3A_725 : vector<16xi32>
        %mul3A_727 = arith.constant 11 : i32
        %mul3A_728 = vector.broadcast %mul3A_727 : i32 to vector<16xi32>
        %mul3A_729 = arith.muli %min3A_711, %mul3A_728 : vector<16xi32>
        %add3A_730 = arith.addi %mul3A_726, %mul3A_729 : vector<16xi32>
        %add3A_731 = arith.addi %add3A_730, %min3A_723 : vector<16xi32>
        %swap3A_732 = arith.index_cast %add3A_693 : i32 to index
        %swap3A_733 = tpu.vector_load %arg10[%swap3A_732] {strides = array<i32>} : memref<3200xi32, #tpu.memory_space<vmem>>, vector<16xi32>,
        %swap3A_734 = vector.shape_cast %swap3A_733 : vector<16xi32> to vector<16xi32>
        %swap3A_735 = vector.shape_cast %add3A_731 : vector<16xi32> to vector<16xi32>
        tpu.vector_store %arg10[%swap3A_732], %swap3A_735 {strides = array<i32>} : memref<3200xi32, #tpu.memory_space<vmem>>, vector<16xi32>,
        %mul3A_736 = arith.constant 80 : i32
        %mul3A_737 = arith.muli %scan3A_548, %mul3A_736 : i32
        %add3A_738 = arith.constant 160 : i32
        %add3A_739 = arith.addi %add3A_738, %mul3A_737 : i32
        %add3A_740 = arith.constant 64 : i32
        %add3A_741 = arith.addi %add3A_739, %add3A_740 : i32
        %get3A_742 = arith.index_cast %add3A_741 : i32 to index
        %get3A_743 = tpu.vector_load %arg7[%get3A_742] {strides = array<i32>} : memref<3200xi32, #tpu.memory_space<vmem>>, vector<16xi32>,
        %get3A_744 = vector.shape_cast %get3A_743 : vector<16xi32> to vector<16xi32>
        %jit3A_745 = arith.constant 0 : i32
        %jit3A_746 = arith.constant 22 : i32
        %max3A_747 = vector.broadcast %jit3A_745 : i32 to vector<16xi32>
        %max3A_748 = arith.maxsi %max3A_747, %get3A_744 : vector<16xi32>
        %min3A_749 = vector.broadcast %jit3A_746 : i32 to vector<16xi32>
        %min3A_750 = arith.minsi %min3A_749, %max3A_748 : vector<16xi32>
        %get3A_751 = arith.index_cast %add3A_741 : i32 to index
        %get3A_752 = tpu.vector_load %arg8[%get3A_751] {strides = array<i32>} : memref<3200xi32, #tpu.memory_space<vmem>>, vector<16xi32>,
        %get3A_753 = vector.shape_cast %get3A_752 : vector<16xi32> to vector<16xi32>
        %jit3A_754 = arith.constant 0 : i32
        %jit3A_755 = arith.constant 4 : i32
        %max3A_756 = vector.broadcast %jit3A_754 : i32 to vector<16xi32>
        %max3A_757 = arith.maxsi %max3A_756, %get3A_753 : vector<16xi32>
        %min3A_758 = vector.broadcast %jit3A_755 : i32 to vector<16xi32>
        %min3A_759 = arith.minsi %min3A_758, %max3A_757 : vector<16xi32>
        %get3A_760 = arith.index_cast %add3A_741 : i32 to index
        %get3A_761 = tpu.vector_load %arg9[%get3A_760] {strides = array<i32>} : memref<3200xi32, #tpu.memory_space<vmem>>, vector<16xi32>,
        %get3A_762 = vector.shape_cast %get3A_761 : vector<16xi32> to vector<16xi32>
        %add3A_763 = arith.constant 5 : i32
        %add3A_764 = vector.broadcast %add3A_763 : i32 to vector<16xi32>
        %add3A_765 = arith.addi %get3A_762, %add3A_764 : vector<16xi32>
        %jit3A_766 = arith.constant 0 : i32
        %jit3A_767 = arith.constant 10 : i32
        %max3A_768 = vector.broadcast %jit3A_766 : i32 to vector<16xi32>
        %max3A_769 = arith.maxsi %max3A_768, %add3A_765 : vector<16xi32>
        %min3A_770 = vector.broadcast %jit3A_767 : i32 to vector<16xi32>
        %min3A_771 = arith.minsi %min3A_770, %max3A_769 : vector<16xi32>
        %mul3A_772 = arith.constant 55 : i32
        %mul3A_773 = vector.broadcast %mul3A_772 : i32 to vector<16xi32>
        %mul3A_774 = arith.muli %min3A_750, %mul3A_773 : vector<16xi32>
        %mul3A_775 = arith.constant 11 : i32
        %mul3A_776 = vector.broadcast %mul3A_775 : i32 to vector<16xi32>
        %mul3A_777 = arith.muli %min3A_759, %mul3A_776 : vector<16xi32>
        %add3A_778 = arith.addi %mul3A_774, %mul3A_777 : vector<16xi32>
        %add3A_779 = arith.addi %add3A_778, %min3A_771 : vector<16xi32>
        %swap3A_780 = arith.index_cast %add3A_741 : i32 to index
        %swap3A_781 = tpu.vector_load %arg10[%swap3A_780] {strides = array<i32>} : memref<3200xi32, #tpu.memory_space<vmem>>, vector<16xi32>,
        %swap3A_782 = vector.shape_cast %swap3A_781 : vector<16xi32> to vector<16xi32>
        %swap3A_783 = vector.shape_cast %add3A_779 : vector<16xi32> to vector<16xi32>
        tpu.vector_store %arg10[%swap3A_780], %swap3A_783 {strides = array<i32>} : memref<3200xi32, #tpu.memory_space<vmem>>, vector<16xi32>,
      }
      %scan3A_541 = arith.constant 8 : i32
      %scan3A_542 = arith.constant 0 : i32
      %scan3A_543 = arith.constant 0 : i32
      %scan3A_544 = arith.constant 150 : i32
      %scan3A_545 = arith.addi %scan3A_543, %scan3A_544 : i32
      %scan3A_546 = arith.constant 1 : i32
      scf.for %scan3A_548 = %scan3A_543 to %scan3A_545 step %scan3A_546  : i32 {
        %broadcast_in_dim3A = arith.constant 0 : i32
        %broadcast_in_dim3A_549 = vector.broadcast %broadcast_in_dim3A : i32 to vector<16xi32>
        %mul3A_550 = arith.constant 16 : i32
        %mul3A_551 = arith.muli %scan3A_548, %mul3A_550 : i32
        %add3A_552 = arith.constant 800 : i32
        %add3A_553 = arith.addi %add3A_552, %mul3A_551 : i32
        %swap3A = arith.index_cast %add3A_553 : i32 to index
        %swap3A_554 = tpu.vector_load %arg10[%swap3A] {strides = array<i32>} : memref<3200xi32, #tpu.memory_space<vmem>>, vector<16xi32>,
        %swap3A_555 = vector.shape_cast %swap3A_554 : vector<16xi32> to vector<16xi32>
        %swap3A_556 = vector.shape_cast %broadcast_in_dim3A_549 : vector<16xi32> to vector<16xi32>
        tpu.vector_store %arg10[%swap3A], %swap3A_556 {strides = array<i32>} : memref<3200xi32, #tpu.memory_space<vmem>>, vector<16xi32>,
      }
      %scan3A_547 = arith.constant 150 : i32
    } else {
    }
    %gt3A = arith.constant 31 : i32
    %gt3A_13 = arith.cmpi sgt, %add3A, %gt3A : i32
    %convert_element_type3A_14 = arith.extui %gt3A_13 : i1 to i32
    %cond3A_15 = arith.constant 0 : i32
    %cond3A_16 = arith.cmpi ne, %convert_element_type3A_14, %cond3A_15 : i32
    scf.if %cond3A_16 {
      %scan3A = arith.constant 0 : i32
      %scan3A_490 = arith.constant 0 : i32
      %scan3A_491 = arith.constant 200 : i32
      %scan3A_492 = arith.addi %scan3A_490, %scan3A_491 : i32
      %scan3A_493 = arith.constant 1 : i32
      scf.for %scan3A_500 = %scan3A_490 to %scan3A_492 step %scan3A_493  : i32 {
        %broadcast_in_dim3A = arith.constant 0 : i32
        %broadcast_in_dim3A_501 = vector.broadcast %broadcast_in_dim3A : i32 to vector<16xi32>
        %mul3A_502 = arith.constant 16 : i32
        %mul3A_503 = arith.muli %scan3A_500, %mul3A_502 : i32
        %add3A_504 = arith.constant 0 : i32
        %add3A_505 = arith.addi %add3A_504, %mul3A_503 : i32
        %swap3A = arith.index_cast %add3A_505 : i32 to index
        %swap3A_506 = tpu.vector_load %arg10[%swap3A] {strides = array<i32>} : memref<3200xi32, #tpu.memory_space<vmem>>, vector<16xi32>,
        %swap3A_507 = vector.shape_cast %swap3A_506 : vector<16xi32> to vector<16xi32>
        %swap3A_508 = vector.shape_cast %broadcast_in_dim3A_501 : vector<16xi32> to vector<16xi32>
        tpu.vector_store %arg10[%swap3A], %swap3A_508 {strides = array<i32>} : memref<3200xi32, #tpu.memory_space<vmem>>, vector<16xi32>,
      }
      %scan3A_494 = arith.constant 200 : i32
      %dma_start3A_495 = arith.constant 0 : i32
      %dma_start3A_496 = tpu.memref_slice %arg10[%dma_start3A_495] : memref<3200xi32, #tpu.memory_space<vmem>> -> memref<160xi32, #tpu.memory_space<vmem>>
      %dma_start3A_497 = arith.constant 0 : i32
      %dma_start3A_498 = arith.constant 0 : i32
      %dma_start3A_499 = tpu.memref_slice %arg14[%dma_start3A_497, %dma_start3A_498] : memref<1280x128xf32, #tpu.memory_space<vmem_shared>> -> memref<1280x128xf32, #tpu.memory_space<vmem_shared>>
      tpu.enqueue_indirect_dma source(%dma_start3A_499 : memref<1280x128xf32, #tpu.memory_space<vmem_shared>>) target(%arg11 : memref<160x128xf32, #tpu.memory_space<vmem>>) offsets(%dma_start3A_496 : memref<160xi32, #tpu.memory_space<vmem>>) semaphore(%arg15 : memref<!tpu.dma_semaphore, #tpu.memory_space<semaphore_mem>>)
    } else {
    }
    %dma_start3A = arith.constant 160 : i32
    %dma_start3A_17 = tpu.memref_slice %arg10[%dma_start3A] : memref<3200xi32, #tpu.memory_space<vmem>> -> memref<160xi32, #tpu.memory_space<vmem>>
    %dma_start3A_18 = arith.constant 0 : i32
    %dma_start3A_19 = arith.constant 0 : i32
    %dma_start3A_20 = tpu.memref_slice %arg14[%dma_start3A_18, %dma_start3A_19] : memref<1280x128xf32, #tpu.memory_space<vmem_shared>> -> memref<1280x128xf32, #tpu.memory_space<vmem_shared>>
    tpu.enqueue_indirect_dma source(%dma_start3A_20 : memref<1280x128xf32, #tpu.memory_space<vmem_shared>>) target(%arg12 : memref<160x128xf32, #tpu.memory_space<vmem>>) offsets(%dma_start3A_17 : memref<160xi32, #tpu.memory_space<vmem>>) semaphore(%arg16 : memref<!tpu.dma_semaphore, #tpu.memory_space<semaphore_mem>>)
    %dma_wait3A = arith.constant 0 : i32
    %dma_wait3A_21 = tpu.memref_slice %arg10[%dma_wait3A] : memref<3200xi32, #tpu.memory_space<vmem>> -> memref<160xi32, #tpu.memory_space<vmem>>
    %dma_wait3A_22 = arith.constant 0 : i32
    %dma_wait3A_23 = arith.constant 0 : i32
    %dma_wait3A_24 = tpu.memref_slice %arg14[%dma_wait3A_22, %dma_wait3A_23] : memref<1280x128xf32, #tpu.memory_space<vmem_shared>> -> memref<1280x128xf32, #tpu.memory_space<vmem_shared>>
    tpu.wait_indirect_dma semaphore(%arg15 : memref<!tpu.dma_semaphore, #tpu.memory_space<semaphore_mem>>) src(%dma_wait3A_24 : memref<1280x128xf32, #tpu.memory_space<vmem_shared>>) dst(%arg11 : memref<160x128xf32, #tpu.memory_space<vmem>>)
    %add3A_25 = arith.constant 0 : i32
    %add3A_26 = arith.addi %mul3A_2, %add3A_25 : i32
    %lt3A_27 = arith.constant 100000 : i32
    %lt3A_28 = arith.cmpi slt, %add3A_26, %lt3A_27 : i32
    %convert_element_type3A_29 = arith.extui %lt3A_28 : i1 to i32
    %cond3A_30 = arith.constant 0 : i32
    %cond3A_31 = arith.cmpi ne, %convert_element_type3A_29, %cond3A_30 : i32
    scf.if %cond3A_31 {
      %add3A_490 = arith.constant 0 : i32
      %add3A_491 = arith.addi %mul3A_2, %add3A_490 : i32
      %dma_start3A_492 = arith.constant 0 : i32
      %dma_start3A_493 = tpu.memref_slice %arg6[%add3A_491, %dma_start3A_492] : memref<100000x128xf32, #tpu.memory_space<hbm>> -> memref<160x128xf32, #tpu.memory_space<hbm>>
      %dma_start3A_494 = arith.constant 0 : i32
      %dma_start3A_495 = tpu.memref_slice %arg6[%add3A_491, %dma_start3A_494] : memref<100000x128xf32, #tpu.memory_space<hbm>> -> memref<160x128xf32, #tpu.memory_space<hbm>>
      tpu.enqueue_dma source(%arg11 : memref<160x128xf32, #tpu.memory_space<vmem>>) target(%dma_start3A_495 : memref<160x128xf32, #tpu.memory_space<hbm>>) target_semaphore(%arg18 : memref<!tpu.dma_semaphore, #tpu.memory_space<semaphore_mem>>)
    } else {
    }
    %dma_start3A_32 = arith.constant 320 : i32
    %dma_start3A_33 = tpu.memref_slice %arg10[%dma_start3A_32] : memref<3200xi32, #tpu.memory_space<vmem>> -> memref<160xi32, #tpu.memory_space<vmem>>
    %dma_start3A_34 = arith.constant 0 : i32
    %dma_start3A_35 = arith.constant 0 : i32
    %dma_start3A_36 = tpu.memref_slice %arg14[%dma_start3A_34, %dma_start3A_35] : memref<1280x128xf32, #tpu.memory_space<vmem_shared>> -> memref<1280x128xf32, #tpu.memory_space<vmem_shared>>
    tpu.enqueue_indirect_dma source(%dma_start3A_36 : memref<1280x128xf32, #tpu.memory_space<vmem_shared>>) target(%arg13 : memref<160x128xf32, #tpu.memory_space<vmem>>) offsets(%dma_start3A_33 : memref<160xi32, #tpu.memory_space<vmem>>) semaphore(%arg17 : memref<!tpu.dma_semaphore, #tpu.memory_space<semaphore_mem>>)
    %dma_wait3A_37 = arith.constant 160 : i32
    %dma_wait3A_38 = tpu.memref_slice %arg10[%dma_wait3A_37] : memref<3200xi32, #tpu.memory_space<vmem>> -> memref<160xi32, #tpu.memory_space<vmem>>
    %dma_wait3A_39 = arith.constant 0 : i32
    %dma_wait3A_40 = arith.constant 0 : i32
    %dma_wait3A_41 = tpu.memref_slice %arg14[%dma_wait3A_39, %dma_wait3A_40] : memref<1280x128xf32, #tpu.memory_space<vmem_shared>> -> memref<1280x128xf32, #tpu.memory_space<vmem_shared>>
    tpu.wait_indirect_dma semaphore(%arg16 : memref<!tpu.dma_semaphore, #tpu.memory_space<semaphore_mem>>) src(%dma_wait3A_41 : memref<1280x128xf32, #tpu.memory_space<vmem_shared>>) dst(%arg12 : memref<160x128xf32, #tpu.memory_space<vmem>>)
    %add3A_42 = arith.constant 160 : i32
    %add3A_43 = arith.addi %mul3A_2, %add3A_42 : i32
    %lt3A_44 = arith.constant 100000 : i32
    %lt3A_45 = arith.cmpi slt, %add3A_43, %lt3A_44 : i32
    %convert_element_type3A_46 = arith.extui %lt3A_45 : i1 to i32
    %cond3A_47 = arith.constant 0 : i32
    %cond3A_48 = arith.cmpi ne, %convert_element_type3A_46, %cond3A_47 : i32
    scf.if %cond3A_48 {
      %add3A_490 = arith.constant 160 : i32
      %add3A_491 = arith.addi %mul3A_2, %add3A_490 : i32
      %dma_start3A_492 = arith.constant 0 : i32
      %dma_start3A_493 = tpu.memref_slice %arg6[%add3A_491, %dma_start3A_492] : memref<100000x128xf32, #tpu.memory_space<hbm>> -> memref<160x128xf32, #tpu.memory_space<hbm>>
      %dma_start3A_494 = arith.constant 0 : i32
      %dma_start3A_495 = tpu.memref_slice %arg6[%add3A_491, %dma_start3A_494] : memref<100000x128xf32, #tpu.memory_space<hbm>> -> memref<160x128xf32, #tpu.memory_space<hbm>>
      tpu.enqueue_dma source(%arg12 : memref<160x128xf32, #tpu.memory_space<vmem>>) target(%dma_start3A_495 : memref<160x128xf32, #tpu.memory_space<hbm>>) target_semaphore(%arg19 : memref<!tpu.dma_semaphore, #tpu.memory_space<semaphore_mem>>)
    } else {
    }
    %add3A_49 = arith.constant 0 : i32
    %add3A_50 = arith.addi %mul3A_2, %add3A_49 : i32
    %lt3A_51 = arith.constant 100000 : i32
    %lt3A_52 = arith.cmpi slt, %add3A_50, %lt3A_51 : i32
    %convert_element_type3A_53 = arith.extui %lt3A_52 : i1 to i32
    %cond3A_54 = arith.constant 0 : i32
    %cond3A_55 = arith.cmpi ne, %convert_element_type3A_53, %cond3A_54 : i32
    scf.if %cond3A_55 {
      %add3A_490 = arith.constant 0 : i32
      %add3A_491 = arith.addi %mul3A_2, %add3A_490 : i32
      %dma_wait3A_492 = arith.constant 0 : i32
      %dma_wait3A_493 = tpu.memref_slice %arg6[%add3A_491, %dma_wait3A_492] : memref<100000x128xf32, #tpu.memory_space<hbm>> -> memref<160x128xf32, #tpu.memory_space<hbm>>
      %dma_wait3A_494 = arith.constant 0 : i32
      %dma_wait3A_495 = tpu.memref_slice %arg6[%add3A_491, %dma_wait3A_494] : memref<100000x128xf32, #tpu.memory_space<hbm>> -> memref<160x128xf32, #tpu.memory_space<hbm>>
      tpu.wait_dma2 semaphore(%arg18 : memref<!tpu.dma_semaphore, #tpu.memory_space<semaphore_mem>>) src(%arg11 : memref<160x128xf32, #tpu.memory_space<vmem>>) dst(%dma_wait3A_495 : memref<160x128xf32, #tpu.memory_space<hbm>>)
    } else {
    }
    %dma_start3A_56 = arith.constant 480 : i32
    %dma_start3A_57 = tpu.memref_slice %arg10[%dma_start3A_56] : memref<3200xi32, #tpu.memory_space<vmem>> -> memref<160xi32, #tpu.memory_space<vmem>>
    %dma_start3A_58 = arith.constant 0 : i32
    %dma_start3A_59 = arith.constant 0 : i32
    %dma_start3A_60 = tpu.memref_slice %arg14[%dma_start3A_58, %dma_start3A_59] : memref<1280x128xf32, #tpu.memory_space<vmem_shared>> -> memref<1280x128xf32, #tpu.memory_space<vmem_shared>>
    tpu.enqueue_indirect_dma source(%dma_start3A_60 : memref<1280x128xf32, #tpu.memory_space<vmem_shared>>) target(%arg11 : memref<160x128xf32, #tpu.memory_space<vmem>>) offsets(%dma_start3A_57 : memref<160xi32, #tpu.memory_space<vmem>>) semaphore(%arg15 : memref<!tpu.dma_semaphore, #tpu.memory_space<semaphore_mem>>)
    %dma_wait3A_61 = arith.constant 320 : i32
    %dma_wait3A_62 = tpu.memref_slice %arg10[%dma_wait3A_61] : memref<3200xi32, #tpu.memory_space<vmem>> -> memref<160xi32, #tpu.memory_space<vmem>>
    %dma_wait3A_63 = arith.constant 0 : i32
    %dma_wait3A_64 = arith.constant 0 : i32
    %dma_wait3A_65 = tpu.memref_slice %arg14[%dma_wait3A_63, %dma_wait3A_64] : memref<1280x128xf32, #tpu.memory_space<vmem_shared>> -> memref<1280x128xf32, #tpu.memory_space<vmem_shared>>
    tpu.wait_indirect_dma semaphore(%arg17 : memref<!tpu.dma_semaphore, #tpu.memory_space<semaphore_mem>>) src(%dma_wait3A_65 : memref<1280x128xf32, #tpu.memory_space<vmem_shared>>) dst(%arg13 : memref<160x128xf32, #tpu.memory_space<vmem>>)
    %add3A_66 = arith.constant 320 : i32
    %add3A_67 = arith.addi %mul3A_2, %add3A_66 : i32
    %lt3A_68 = arith.constant 100000 : i32
    %lt3A_69 = arith.cmpi slt, %add3A_67, %lt3A_68 : i32
    %convert_element_type3A_70 = arith.extui %lt3A_69 : i1 to i32
    %cond3A_71 = arith.constant 0 : i32
    %cond3A_72 = arith.cmpi ne, %convert_element_type3A_70, %cond3A_71 : i32
    scf.if %cond3A_72 {
      %add3A_490 = arith.constant 320 : i32
      %add3A_491 = arith.addi %mul3A_2, %add3A_490 : i32
      %dma_start3A_492 = arith.constant 0 : i32
      %dma_start3A_493 = tpu.memref_slice %arg6[%add3A_491, %dma_start3A_492] : memref<100000x128xf32, #tpu.memory_space<hbm>> -> memref<160x128xf32, #tpu.memory_space<hbm>>
      %dma_start3A_494 = arith.constant 0 : i32
      %dma_start3A_495 = tpu.memref_slice %arg6[%add3A_491, %dma_start3A_494] : memref<100000x128xf32, #tpu.memory_space<hbm>> -> memref<160x128xf32, #tpu.memory_space<hbm>>
      tpu.enqueue_dma source(%arg13 : memref<160x128xf32, #tpu.memory_space<vmem>>) target(%dma_start3A_495 : memref<160x128xf32, #tpu.memory_space<hbm>>) target_semaphore(%arg20 : memref<!tpu.dma_semaphore, #tpu.memory_space<semaphore_mem>>)
    } else {
    }
    %add3A_73 = arith.constant 160 : i32
    %add3A_74 = arith.addi %mul3A_2, %add3A_73 : i32
    %lt3A_75 = arith.constant 100000 : i32
    %lt3A_76 = arith.cmpi slt, %add3A_74, %lt3A_75 : i32
    %convert_element_type3A_77 = arith.extui %lt3A_76 : i1 to i32
    %cond3A_78 = arith.constant 0 : i32
    %cond3A_79 = arith.cmpi ne, %convert_element_type3A_77, %cond3A_78 : i32
    scf.if %cond3A_79 {
      %add3A_490 = arith.constant 160 : i32
      %add3A_491 = arith.addi %mul3A_2, %add3A_490 : i32
      %dma_wait3A_492 = arith.constant 0 : i32
      %dma_wait3A_493 = tpu.memref_slice %arg6[%add3A_491, %dma_wait3A_492] : memref<100000x128xf32, #tpu.memory_space<hbm>> -> memref<160x128xf32, #tpu.memory_space<hbm>>
      %dma_wait3A_494 = arith.constant 0 : i32
      %dma_wait3A_495 = tpu.memref_slice %arg6[%add3A_491, %dma_wait3A_494] : memref<100000x128xf32, #tpu.memory_space<hbm>> -> memref<160x128xf32, #tpu.memory_space<hbm>>
      tpu.wait_dma2 semaphore(%arg19 : memref<!tpu.dma_semaphore, #tpu.memory_space<semaphore_mem>>) src(%arg12 : memref<160x128xf32, #tpu.memory_space<vmem>>) dst(%dma_wait3A_495 : memref<160x128xf32, #tpu.memory_space<hbm>>)
    } else {
    }
    %dma_start3A_80 = arith.constant 640 : i32
    %dma_start3A_81 = tpu.memref_slice %arg10[%dma_start3A_80] : memref<3200xi32, #tpu.memory_space<vmem>> -> memref<160xi32, #tpu.memory_space<vmem>>
    %dma_start3A_82 = arith.constant 0 : i32
    %dma_start3A_83 = arith.constant 0 : i32
    %dma_start3A_84 = tpu.memref_slice %arg14[%dma_start3A_82, %dma_start3A_83] : memref<1280x128xf32, #tpu.memory_space<vmem_shared>> -> memref<1280x128xf32, #tpu.memory_space<vmem_shared>>
    tpu.enqueue_indirect_dma source(%dma_start3A_84 : memref<1280x128xf32, #tpu.memory_space<vmem_shared>>) target(%arg12 : memref<160x128xf32, #tpu.memory_space<vmem>>) offsets(%dma_start3A_81 : memref<160xi32, #tpu.memory_space<vmem>>) semaphore(%arg16 : memref<!tpu.dma_semaphore, #tpu.memory_space<semaphore_mem>>)
    %dma_wait3A_85 = arith.constant 480 : i32
    %dma_wait3A_86 = tpu.memref_slice %arg10[%dma_wait3A_85] : memref<3200xi32, #tpu.memory_space<vmem>> -> memref<160xi32, #tpu.memory_space<vmem>>
    %dma_wait3A_87 = arith.constant 0 : i32
    %dma_wait3A_88 = arith.constant 0 : i32
    %dma_wait3A_89 = tpu.memref_slice %arg14[%dma_wait3A_87, %dma_wait3A_88] : memref<1280x128xf32, #tpu.memory_space<vmem_shared>> -> memref<1280x128xf32, #tpu.memory_space<vmem_shared>>
    tpu.wait_indirect_dma semaphore(%arg15 : memref<!tpu.dma_semaphore, #tpu.memory_space<semaphore_mem>>) src(%dma_wait3A_89 : memref<1280x128xf32, #tpu.memory_space<vmem_shared>>) dst(%arg11 : memref<160x128xf32, #tpu.memory_space<vmem>>)
    %add3A_90 = arith.constant 480 : i32
    %add3A_91 = arith.addi %mul3A_2, %add3A_90 : i32
    %lt3A_92 = arith.constant 100000 : i32
    %lt3A_93 = arith.cmpi slt, %add3A_91, %lt3A_92 : i32
    %convert_element_type3A_94 = arith.extui %lt3A_93 : i1 to i32
    %cond3A_95 = arith.constant 0 : i32
    %cond3A_96 = arith.cmpi ne, %convert_element_type3A_94, %cond3A_95 : i32
    scf.if %cond3A_96 {
      %add3A_490 = arith.constant 480 : i32
      %add3A_491 = arith.addi %mul3A_2, %add3A_490 : i32
      %dma_start3A_492 = arith.constant 0 : i32
      %dma_start3A_493 = tpu.memref_slice %arg6[%add3A_491, %dma_start3A_492] : memref<100000x128xf32, #tpu.memory_space<hbm>> -> memref<160x128xf32, #tpu.memory_space<hbm>>
      %dma_start3A_494 = arith.constant 0 : i32
      %dma_start3A_495 = tpu.memref_slice %arg6[%add3A_491, %dma_start3A_494] : memref<100000x128xf32, #tpu.memory_space<hbm>> -> memref<160x128xf32, #tpu.memory_space<hbm>>
      tpu.enqueue_dma source(%arg11 : memref<160x128xf32, #tpu.memory_space<vmem>>) target(%dma_start3A_495 : memref<160x128xf32, #tpu.memory_space<hbm>>) target_semaphore(%arg18 : memref<!tpu.dma_semaphore, #tpu.memory_space<semaphore_mem>>)
    } else {
    }
    %add3A_97 = arith.constant 320 : i32
    %add3A_98 = arith.addi %mul3A_2, %add3A_97 : i32
    %lt3A_99 = arith.constant 100000 : i32
    %lt3A_100 = arith.cmpi slt, %add3A_98, %lt3A_99 : i32
    %convert_element_type3A_101 = arith.extui %lt3A_100 : i1 to i32
    %cond3A_102 = arith.constant 0 : i32
    %cond3A_103 = arith.cmpi ne, %convert_element_type3A_101, %cond3A_102 : i32
    scf.if %cond3A_103 {
      %add3A_490 = arith.constant 320 : i32
      %add3A_491 = arith.addi %mul3A_2, %add3A_490 : i32
      %dma_wait3A_492 = arith.constant 0 : i32
      %dma_wait3A_493 = tpu.memref_slice %arg6[%add3A_491, %dma_wait3A_492] : memref<100000x128xf32, #tpu.memory_space<hbm>> -> memref<160x128xf32, #tpu.memory_space<hbm>>
      %dma_wait3A_494 = arith.constant 0 : i32
      %dma_wait3A_495 = tpu.memref_slice %arg6[%add3A_491, %dma_wait3A_494] : memref<100000x128xf32, #tpu.memory_space<hbm>> -> memref<160x128xf32, #tpu.memory_space<hbm>>
      tpu.wait_dma2 semaphore(%arg20 : memref<!tpu.dma_semaphore, #tpu.memory_space<semaphore_mem>>) src(%arg13 : memref<160x128xf32, #tpu.memory_space<vmem>>) dst(%dma_wait3A_495 : memref<160x128xf32, #tpu.memory_space<hbm>>)
    } else {
    }
    %dma_start3A_104 = arith.constant 800 : i32
    %dma_start3A_105 = tpu.memref_slice %arg10[%dma_start3A_104] : memref<3200xi32, #tpu.memory_space<vmem>> -> memref<160xi32, #tpu.memory_space<vmem>>
    %dma_start3A_106 = arith.constant 0 : i32
    %dma_start3A_107 = arith.constant 0 : i32
    %dma_start3A_108 = tpu.memref_slice %arg14[%dma_start3A_106, %dma_start3A_107] : memref<1280x128xf32, #tpu.memory_space<vmem_shared>> -> memref<1280x128xf32, #tpu.memory_space<vmem_shared>>
    tpu.enqueue_indirect_dma source(%dma_start3A_108 : memref<1280x128xf32, #tpu.memory_space<vmem_shared>>) target(%arg13 : memref<160x128xf32, #tpu.memory_space<vmem>>) offsets(%dma_start3A_105 : memref<160xi32, #tpu.memory_space<vmem>>) semaphore(%arg17 : memref<!tpu.dma_semaphore, #tpu.memory_space<semaphore_mem>>)
    %dma_wait3A_109 = arith.constant 640 : i32
    %dma_wait3A_110 = tpu.memref_slice %arg10[%dma_wait3A_109] : memref<3200xi32, #tpu.memory_space<vmem>> -> memref<160xi32, #tpu.memory_space<vmem>>
    %dma_wait3A_111 = arith.constant 0 : i32
    %dma_wait3A_112 = arith.constant 0 : i32
    %dma_wait3A_113 = tpu.memref_slice %arg14[%dma_wait3A_111, %dma_wait3A_112] : memref<1280x128xf32, #tpu.memory_space<vmem_shared>> -> memref<1280x128xf32, #tpu.memory_space<vmem_shared>>
    tpu.wait_indirect_dma semaphore(%arg16 : memref<!tpu.dma_semaphore, #tpu.memory_space<semaphore_mem>>) src(%dma_wait3A_113 : memref<1280x128xf32, #tpu.memory_space<vmem_shared>>) dst(%arg12 : memref<160x128xf32, #tpu.memory_space<vmem>>)
    %add3A_114 = arith.constant 640 : i32
    %add3A_115 = arith.addi %mul3A_2, %add3A_114 : i32
    %lt3A_116 = arith.constant 100000 : i32
    %lt3A_117 = arith.cmpi slt, %add3A_115, %lt3A_116 : i32
    %convert_element_type3A_118 = arith.extui %lt3A_117 : i1 to i32
    %cond3A_119 = arith.constant 0 : i32
    %cond3A_120 = arith.cmpi ne, %convert_element_type3A_118, %cond3A_119 : i32
    scf.if %cond3A_120 {
      %add3A_490 = arith.constant 640 : i32
      %add3A_491 = arith.addi %mul3A_2, %add3A_490 : i32
      %dma_start3A_492 = arith.constant 0 : i32
      %dma_start3A_493 = tpu.memref_slice %arg6[%add3A_491, %dma_start3A_492] : memref<100000x128xf32, #tpu.memory_space<hbm>> -> memref<160x128xf32, #tpu.memory_space<hbm>>
      %dma_start3A_494 = arith.constant 0 : i32
      %dma_start3A_495 = tpu.memref_slice %arg6[%add3A_491, %dma_start3A_494] : memref<100000x128xf32, #tpu.memory_space<hbm>> -> memref<160x128xf32, #tpu.memory_space<hbm>>
      tpu.enqueue_dma source(%arg12 : memref<160x128xf32, #tpu.memory_space<vmem>>) target(%dma_start3A_495 : memref<160x128xf32, #tpu.memory_space<hbm>>) target_semaphore(%arg19 : memref<!tpu.dma_semaphore, #tpu.memory_space<semaphore_mem>>)
    } else {
    }
    %add3A_121 = arith.constant 480 : i32
    %add3A_122 = arith.addi %mul3A_2, %add3A_121 : i32
    %lt3A_123 = arith.constant 100000 : i32
    %lt3A_124 = arith.cmpi slt, %add3A_122, %lt3A_123 : i32
    %convert_element_type3A_125 = arith.extui %lt3A_124 : i1 to i32
    %cond3A_126 = arith.constant 0 : i32
    %cond3A_127 = arith.cmpi ne, %convert_element_type3A_125, %cond3A_126 : i32
    scf.if %cond3A_127 {
      %add3A_490 = arith.constant 480 : i32
      %add3A_491 = arith.addi %mul3A_2, %add3A_490 : i32
      %dma_wait3A_492 = arith.constant 0 : i32
      %dma_wait3A_493 = tpu.memref_slice %arg6[%add3A_491, %dma_wait3A_492] : memref<100000x128xf32, #tpu.memory_space<hbm>> -> memref<160x128xf32, #tpu.memory_space<hbm>>
      %dma_wait3A_494 = arith.constant 0 : i32
      %dma_wait3A_495 = tpu.memref_slice %arg6[%add3A_491, %dma_wait3A_494] : memref<100000x128xf32, #tpu.memory_space<hbm>> -> memref<160x128xf32, #tpu.memory_space<hbm>>
      tpu.wait_dma2 semaphore(%arg18 : memref<!tpu.dma_semaphore, #tpu.memory_space<semaphore_mem>>) src(%arg11 : memref<160x128xf32, #tpu.memory_space<vmem>>) dst(%dma_wait3A_495 : memref<160x128xf32, #tpu.memory_space<hbm>>)
    } else {
    }
    %dma_start3A_128 = arith.constant 960 : i32
    %dma_start3A_129 = tpu.memref_slice %arg10[%dma_start3A_128] : memref<3200xi32, #tpu.memory_space<vmem>> -> memref<160xi32, #tpu.memory_space<vmem>>
    %dma_start3A_130 = arith.constant 0 : i32
    %dma_start3A_131 = arith.constant 0 : i32
    %dma_start3A_132 = tpu.memref_slice %arg14[%dma_start3A_130, %dma_start3A_131] : memref<1280x128xf32, #tpu.memory_space<vmem_shared>> -> memref<1280x128xf32, #tpu.memory_space<vmem_shared>>
    tpu.enqueue_indirect_dma source(%dma_start3A_132 : memref<1280x128xf32, #tpu.memory_space<vmem_shared>>) target(%arg11 : memref<160x128xf32, #tpu.memory_space<vmem>>) offsets(%dma_start3A_129 : memref<160xi32, #tpu.memory_space<vmem>>) semaphore(%arg15 : memref<!tpu.dma_semaphore, #tpu.memory_space<semaphore_mem>>)
    %dma_wait3A_133 = arith.constant 800 : i32
    %dma_wait3A_134 = tpu.memref_slice %arg10[%dma_wait3A_133] : memref<3200xi32, #tpu.memory_space<vmem>> -> memref<160xi32, #tpu.memory_space<vmem>>
    %dma_wait3A_135 = arith.constant 0 : i32
    %dma_wait3A_136 = arith.constant 0 : i32
    %dma_wait3A_137 = tpu.memref_slice %arg14[%dma_wait3A_135, %dma_wait3A_136] : memref<1280x128xf32, #tpu.memory_space<vmem_shared>> -> memref<1280x128xf32, #tpu.memory_space<vmem_shared>>
    tpu.wait_indirect_dma semaphore(%arg17 : memref<!tpu.dma_semaphore, #tpu.memory_space<semaphore_mem>>) src(%dma_wait3A_137 : memref<1280x128xf32, #tpu.memory_space<vmem_shared>>) dst(%arg13 : memref<160x128xf32, #tpu.memory_space<vmem>>)
    %add3A_138 = arith.constant 800 : i32
    %add3A_139 = arith.addi %mul3A_2, %add3A_138 : i32
    %lt3A_140 = arith.constant 100000 : i32
    %lt3A_141 = arith.cmpi slt, %add3A_139, %lt3A_140 : i32
    %convert_element_type3A_142 = arith.extui %lt3A_141 : i1 to i32
    %cond3A_143 = arith.constant 0 : i32
    %cond3A_144 = arith.cmpi ne, %convert_element_type3A_142, %cond3A_143 : i32
    scf.if %cond3A_144 {
      %add3A_490 = arith.constant 800 : i32
      %add3A_491 = arith.addi %mul3A_2, %add3A_490 : i32
      %dma_start3A_492 = arith.constant 0 : i32
      %dma_start3A_493 = tpu.memref_slice %arg6[%add3A_491, %dma_start3A_492] : memref<100000x128xf32, #tpu.memory_space<hbm>> -> memref<160x128xf32, #tpu.memory_space<hbm>>
      %dma_start3A_494 = arith.constant 0 : i32
      %dma_start3A_495 = tpu.memref_slice %arg6[%add3A_491, %dma_start3A_494] : memref<100000x128xf32, #tpu.memory_space<hbm>> -> memref<160x128xf32, #tpu.memory_space<hbm>>
      tpu.enqueue_dma source(%arg13 : memref<160x128xf32, #tpu.memory_space<vmem>>) target(%dma_start3A_495 : memref<160x128xf32, #tpu.memory_space<hbm>>) target_semaphore(%arg20 : memref<!tpu.dma_semaphore, #tpu.memory_space<semaphore_mem>>)
    } else {
    }
    %add3A_145 = arith.constant 640 : i32
    %add3A_146 = arith.addi %mul3A_2, %add3A_145 : i32
    %lt3A_147 = arith.constant 100000 : i32
    %lt3A_148 = arith.cmpi slt, %add3A_146, %lt3A_147 : i32
    %convert_element_type3A_149 = arith.extui %lt3A_148 : i1 to i32
    %cond3A_150 = arith.constant 0 : i32
    %cond3A_151 = arith.cmpi ne, %convert_element_type3A_149, %cond3A_150 : i32
    scf.if %cond3A_151 {
      %add3A_490 = arith.constant 640 : i32
      %add3A_491 = arith.addi %mul3A_2, %add3A_490 : i32
      %dma_wait3A_492 = arith.constant 0 : i32
      %dma_wait3A_493 = tpu.memref_slice %arg6[%add3A_491, %dma_wait3A_492] : memref<100000x128xf32, #tpu.memory_space<hbm>> -> memref<160x128xf32, #tpu.memory_space<hbm>>
      %dma_wait3A_494 = arith.constant 0 : i32
      %dma_wait3A_495 = tpu.memref_slice %arg6[%add3A_491, %dma_wait3A_494] : memref<100000x128xf32, #tpu.memory_space<hbm>> -> memref<160x128xf32, #tpu.memory_space<hbm>>
      tpu.wait_dma2 semaphore(%arg19 : memref<!tpu.dma_semaphore, #tpu.memory_space<semaphore_mem>>) src(%arg12 : memref<160x128xf32, #tpu.memory_space<vmem>>) dst(%dma_wait3A_495 : memref<160x128xf32, #tpu.memory_space<hbm>>)
    } else {
    }
    %dma_start3A_152 = arith.constant 1120 : i32
    %dma_start3A_153 = tpu.memref_slice %arg10[%dma_start3A_152] : memref<3200xi32, #tpu.memory_space<vmem>> -> memref<160xi32, #tpu.memory_space<vmem>>
    %dma_start3A_154 = arith.constant 0 : i32
    %dma_start3A_155 = arith.constant 0 : i32
    %dma_start3A_156 = tpu.memref_slice %arg14[%dma_start3A_154, %dma_start3A_155] : memref<1280x128xf32, #tpu.memory_space<vmem_shared>> -> memref<1280x128xf32, #tpu.memory_space<vmem_shared>>
    tpu.enqueue_indirect_dma source(%dma_start3A_156 : memref<1280x128xf32, #tpu.memory_space<vmem_shared>>) target(%arg12 : memref<160x128xf32, #tpu.memory_space<vmem>>) offsets(%dma_start3A_153 : memref<160xi32, #tpu.memory_space<vmem>>) semaphore(%arg16 : memref<!tpu.dma_semaphore, #tpu.memory_space<semaphore_mem>>)
    %dma_wait3A_157 = arith.constant 960 : i32
    %dma_wait3A_158 = tpu.memref_slice %arg10[%dma_wait3A_157] : memref<3200xi32, #tpu.memory_space<vmem>> -> memref<160xi32, #tpu.memory_space<vmem>>
    %dma_wait3A_159 = arith.constant 0 : i32
    %dma_wait3A_160 = arith.constant 0 : i32
    %dma_wait3A_161 = tpu.memref_slice %arg14[%dma_wait3A_159, %dma_wait3A_160] : memref<1280x128xf32, #tpu.memory_space<vmem_shared>> -> memref<1280x128xf32, #tpu.memory_space<vmem_shared>>
    tpu.wait_indirect_dma semaphore(%arg15 : memref<!tpu.dma_semaphore, #tpu.memory_space<semaphore_mem>>) src(%dma_wait3A_161 : memref<1280x128xf32, #tpu.memory_space<vmem_shared>>) dst(%arg11 : memref<160x128xf32, #tpu.memory_space<vmem>>)
    %add3A_162 = arith.constant 960 : i32
    %add3A_163 = arith.addi %mul3A_2, %add3A_162 : i32
    %lt3A_164 = arith.constant 100000 : i32
    %lt3A_165 = arith.cmpi slt, %add3A_163, %lt3A_164 : i32
    %convert_element_type3A_166 = arith.extui %lt3A_165 : i1 to i32
    %cond3A_167 = arith.constant 0 : i32
    %cond3A_168 = arith.cmpi ne, %convert_element_type3A_166, %cond3A_167 : i32
    scf.if %cond3A_168 {
      %add3A_490 = arith.constant 960 : i32
      %add3A_491 = arith.addi %mul3A_2, %add3A_490 : i32
      %dma_start3A_492 = arith.constant 0 : i32
      %dma_start3A_493 = tpu.memref_slice %arg6[%add3A_491, %dma_start3A_492] : memref<100000x128xf32, #tpu.memory_space<hbm>> -> memref<160x128xf32, #tpu.memory_space<hbm>>
      %dma_start3A_494 = arith.constant 0 : i32
      %dma_start3A_495 = tpu.memref_slice %arg6[%add3A_491, %dma_start3A_494] : memref<100000x128xf32, #tpu.memory_space<hbm>> -> memref<160x128xf32, #tpu.memory_space<hbm>>
      tpu.enqueue_dma source(%arg11 : memref<160x128xf32, #tpu.memory_space<vmem>>) target(%dma_start3A_495 : memref<160x128xf32, #tpu.memory_space<hbm>>) target_semaphore(%arg18 : memref<!tpu.dma_semaphore, #tpu.memory_space<semaphore_mem>>)
    } else {
    }
    %add3A_169 = arith.constant 800 : i32
    %add3A_170 = arith.addi %mul3A_2, %add3A_169 : i32
    %lt3A_171 = arith.constant 100000 : i32
    %lt3A_172 = arith.cmpi slt, %add3A_170, %lt3A_171 : i32
    %convert_element_type3A_173 = arith.extui %lt3A_172 : i1 to i32
    %cond3A_174 = arith.constant 0 : i32
    %cond3A_175 = arith.cmpi ne, %convert_element_type3A_173, %cond3A_174 : i32
    scf.if %cond3A_175 {
      %add3A_490 = arith.constant 800 : i32
      %add3A_491 = arith.addi %mul3A_2, %add3A_490 : i32
      %dma_wait3A_492 = arith.constant 0 : i32
      %dma_wait3A_493 = tpu.memref_slice %arg6[%add3A_491, %dma_wait3A_492] : memref<100000x128xf32, #tpu.memory_space<hbm>> -> memref<160x128xf32, #tpu.memory_space<hbm>>
      %dma_wait3A_494 = arith.constant 0 : i32
      %dma_wait3A_495 = tpu.memref_slice %arg6[%add3A_491, %dma_wait3A_494] : memref<100000x128xf32, #tpu.memory_space<hbm>> -> memref<160x128xf32, #tpu.memory_space<hbm>>
      tpu.wait_dma2 semaphore(%arg20 : memref<!tpu.dma_semaphore, #tpu.memory_space<semaphore_mem>>) src(%arg13 : memref<160x128xf32, #tpu.memory_space<vmem>>) dst(%dma_wait3A_495 : memref<160x128xf32, #tpu.memory_space<hbm>>)
    } else {
    }
    %dma_start3A_176 = arith.constant 1280 : i32
    %dma_start3A_177 = tpu.memref_slice %arg10[%dma_start3A_176] : memref<3200xi32, #tpu.memory_space<vmem>> -> memref<160xi32, #tpu.memory_space<vmem>>
    %dma_start3A_178 = arith.constant 0 : i32
    %dma_start3A_179 = arith.constant 0 : i32
    %dma_start3A_180 = tpu.memref_slice %arg14[%dma_start3A_178, %dma_start3A_179] : memref<1280x128xf32, #tpu.memory_space<vmem_shared>> -> memref<1280x128xf32, #tpu.memory_space<vmem_shared>>
    tpu.enqueue_indirect_dma source(%dma_start3A_180 : memref<1280x128xf32, #tpu.memory_space<vmem_shared>>) target(%arg13 : memref<160x128xf32, #tpu.memory_space<vmem>>) offsets(%dma_start3A_177 : memref<160xi32, #tpu.memory_space<vmem>>) semaphore(%arg17 : memref<!tpu.dma_semaphore, #tpu.memory_space<semaphore_mem>>)
    %dma_wait3A_181 = arith.constant 1120 : i32
    %dma_wait3A_182 = tpu.memref_slice %arg10[%dma_wait3A_181] : memref<3200xi32, #tpu.memory_space<vmem>> -> memref<160xi32, #tpu.memory_space<vmem>>
    %dma_wait3A_183 = arith.constant 0 : i32
    %dma_wait3A_184 = arith.constant 0 : i32
    %dma_wait3A_185 = tpu.memref_slice %arg14[%dma_wait3A_183, %dma_wait3A_184] : memref<1280x128xf32, #tpu.memory_space<vmem_shared>> -> memref<1280x128xf32, #tpu.memory_space<vmem_shared>>
    tpu.wait_indirect_dma semaphore(%arg16 : memref<!tpu.dma_semaphore, #tpu.memory_space<semaphore_mem>>) src(%dma_wait3A_185 : memref<1280x128xf32, #tpu.memory_space<vmem_shared>>) dst(%arg12 : memref<160x128xf32, #tpu.memory_space<vmem>>)
    %add3A_186 = arith.constant 1120 : i32
    %add3A_187 = arith.addi %mul3A_2, %add3A_186 : i32
    %lt3A_188 = arith.constant 100000 : i32
    %lt3A_189 = arith.cmpi slt, %add3A_187, %lt3A_188 : i32
    %convert_element_type3A_190 = arith.extui %lt3A_189 : i1 to i32
    %cond3A_191 = arith.constant 0 : i32
    %cond3A_192 = arith.cmpi ne, %convert_element_type3A_190, %cond3A_191 : i32
    scf.if %cond3A_192 {
      %add3A_490 = arith.constant 1120 : i32
      %add3A_491 = arith.addi %mul3A_2, %add3A_490 : i32
      %dma_start3A_492 = arith.constant 0 : i32
      %dma_start3A_493 = tpu.memref_slice %arg6[%add3A_491, %dma_start3A_492] : memref<100000x128xf32, #tpu.memory_space<hbm>> -> memref<160x128xf32, #tpu.memory_space<hbm>>
      %dma_start3A_494 = arith.constant 0 : i32
      %dma_start3A_495 = tpu.memref_slice %arg6[%add3A_491, %dma_start3A_494] : memref<100000x128xf32, #tpu.memory_space<hbm>> -> memref<160x128xf32, #tpu.memory_space<hbm>>
      tpu.enqueue_dma source(%arg12 : memref<160x128xf32, #tpu.memory_space<vmem>>) target(%dma_start3A_495 : memref<160x128xf32, #tpu.memory_space<hbm>>) target_semaphore(%arg19 : memref<!tpu.dma_semaphore, #tpu.memory_space<semaphore_mem>>)
    } else {
    }
    %add3A_193 = arith.constant 960 : i32
    %add3A_194 = arith.addi %mul3A_2, %add3A_193 : i32
    %lt3A_195 = arith.constant 100000 : i32
    %lt3A_196 = arith.cmpi slt, %add3A_194, %lt3A_195 : i32
    %convert_element_type3A_197 = arith.extui %lt3A_196 : i1 to i32
    %cond3A_198 = arith.constant 0 : i32
    %cond3A_199 = arith.cmpi ne, %convert_element_type3A_197, %cond3A_198 : i32
    scf.if %cond3A_199 {
      %add3A_490 = arith.constant 960 : i32
      %add3A_491 = arith.addi %mul3A_2, %add3A_490 : i32
      %dma_wait3A_492 = arith.constant 0 : i32
      %dma_wait3A_493 = tpu.memref_slice %arg6[%add3A_491, %dma_wait3A_492] : memref<100000x128xf32, #tpu.memory_space<hbm>> -> memref<160x128xf32, #tpu.memory_space<hbm>>
      %dma_wait3A_494 = arith.constant 0 : i32
      %dma_wait3A_495 = tpu.memref_slice %arg6[%add3A_491, %dma_wait3A_494] : memref<100000x128xf32, #tpu.memory_space<hbm>> -> memref<160x128xf32, #tpu.memory_space<hbm>>
      tpu.wait_dma2 semaphore(%arg18 : memref<!tpu.dma_semaphore, #tpu.memory_space<semaphore_mem>>) src(%arg11 : memref<160x128xf32, #tpu.memory_space<vmem>>) dst(%dma_wait3A_495 : memref<160x128xf32, #tpu.memory_space<hbm>>)
    } else {
    }
    %dma_start3A_200 = arith.constant 1440 : i32
    %dma_start3A_201 = tpu.memref_slice %arg10[%dma_start3A_200] : memref<3200xi32, #tpu.memory_space<vmem>> -> memref<160xi32, #tpu.memory_space<vmem>>
    %dma_start3A_202 = arith.constant 0 : i32
    %dma_start3A_203 = arith.constant 0 : i32
    %dma_start3A_204 = tpu.memref_slice %arg14[%dma_start3A_202, %dma_start3A_203] : memref<1280x128xf32, #tpu.memory_space<vmem_shared>> -> memref<1280x128xf32, #tpu.memory_space<vmem_shared>>
    tpu.enqueue_indirect_dma source(%dma_start3A_204 : memref<1280x128xf32, #tpu.memory_space<vmem_shared>>) target(%arg11 : memref<160x128xf32, #tpu.memory_space<vmem>>) offsets(%dma_start3A_201 : memref<160xi32, #tpu.memory_space<vmem>>) semaphore(%arg15 : memref<!tpu.dma_semaphore, #tpu.memory_space<semaphore_mem>>)
    %dma_wait3A_205 = arith.constant 1280 : i32
    %dma_wait3A_206 = tpu.memref_slice %arg10[%dma_wait3A_205] : memref<3200xi32, #tpu.memory_space<vmem>> -> memref<160xi32, #tpu.memory_space<vmem>>
    %dma_wait3A_207 = arith.constant 0 : i32
    %dma_wait3A_208 = arith.constant 0 : i32
    %dma_wait3A_209 = tpu.memref_slice %arg14[%dma_wait3A_207, %dma_wait3A_208] : memref<1280x128xf32, #tpu.memory_space<vmem_shared>> -> memref<1280x128xf32, #tpu.memory_space<vmem_shared>>
    tpu.wait_indirect_dma semaphore(%arg17 : memref<!tpu.dma_semaphore, #tpu.memory_space<semaphore_mem>>) src(%dma_wait3A_209 : memref<1280x128xf32, #tpu.memory_space<vmem_shared>>) dst(%arg13 : memref<160x128xf32, #tpu.memory_space<vmem>>)
    %add3A_210 = arith.constant 1280 : i32
    %add3A_211 = arith.addi %mul3A_2, %add3A_210 : i32
    %lt3A_212 = arith.constant 100000 : i32
    %lt3A_213 = arith.cmpi slt, %add3A_211, %lt3A_212 : i32
    %convert_element_type3A_214 = arith.extui %lt3A_213 : i1 to i32
    %cond3A_215 = arith.constant 0 : i32
    %cond3A_216 = arith.cmpi ne, %convert_element_type3A_214, %cond3A_215 : i32
    scf.if %cond3A_216 {
      %add3A_490 = arith.constant 1280 : i32
      %add3A_491 = arith.addi %mul3A_2, %add3A_490 : i32
      %dma_start3A_492 = arith.constant 0 : i32
      %dma_start3A_493 = tpu.memref_slice %arg6[%add3A_491, %dma_start3A_492] : memref<100000x128xf32, #tpu.memory_space<hbm>> -> memref<160x128xf32, #tpu.memory_space<hbm>>
      %dma_start3A_494 = arith.constant 0 : i32
      %dma_start3A_495 = tpu.memref_slice %arg6[%add3A_491, %dma_start3A_494] : memref<100000x128xf32, #tpu.memory_space<hbm>> -> memref<160x128xf32, #tpu.memory_space<hbm>>
      tpu.enqueue_dma source(%arg13 : memref<160x128xf32, #tpu.memory_space<vmem>>) target(%dma_start3A_495 : memref<160x128xf32, #tpu.memory_space<hbm>>) target_semaphore(%arg20 : memref<!tpu.dma_semaphore, #tpu.memory_space<semaphore_mem>>)
    } else {
    }
    %add3A_217 = arith.constant 1120 : i32
    %add3A_218 = arith.addi %mul3A_2, %add3A_217 : i32
    %lt3A_219 = arith.constant 100000 : i32
    %lt3A_220 = arith.cmpi slt, %add3A_218, %lt3A_219 : i32
    %convert_element_type3A_221 = arith.extui %lt3A_220 : i1 to i32
    %cond3A_222 = arith.constant 0 : i32
    %cond3A_223 = arith.cmpi ne, %convert_element_type3A_221, %cond3A_222 : i32
    scf.if %cond3A_223 {
      %add3A_490 = arith.constant 1120 : i32
      %add3A_491 = arith.addi %mul3A_2, %add3A_490 : i32
      %dma_wait3A_492 = arith.constant 0 : i32
      %dma_wait3A_493 = tpu.memref_slice %arg6[%add3A_491, %dma_wait3A_492] : memref<100000x128xf32, #tpu.memory_space<hbm>> -> memref<160x128xf32, #tpu.memory_space<hbm>>
      %dma_wait3A_494 = arith.constant 0 : i32
      %dma_wait3A_495 = tpu.memref_slice %arg6[%add3A_491, %dma_wait3A_494] : memref<100000x128xf32, #tpu.memory_space<hbm>> -> memref<160x128xf32, #tpu.memory_space<hbm>>
      tpu.wait_dma2 semaphore(%arg19 : memref<!tpu.dma_semaphore, #tpu.memory_space<semaphore_mem>>) src(%arg12 : memref<160x128xf32, #tpu.memory_space<vmem>>) dst(%dma_wait3A_495 : memref<160x128xf32, #tpu.memory_space<hbm>>)
    } else {
    }
    %dma_start3A_224 = arith.constant 1600 : i32
    %dma_start3A_225 = tpu.memref_slice %arg10[%dma_start3A_224] : memref<3200xi32, #tpu.memory_space<vmem>> -> memref<160xi32, #tpu.memory_space<vmem>>
    %dma_start3A_226 = arith.constant 0 : i32
    %dma_start3A_227 = arith.constant 0 : i32
    %dma_start3A_228 = tpu.memref_slice %arg14[%dma_start3A_226, %dma_start3A_227] : memref<1280x128xf32, #tpu.memory_space<vmem_shared>> -> memref<1280x128xf32, #tpu.memory_space<vmem_shared>>
    tpu.enqueue_indirect_dma source(%dma_start3A_228 : memref<1280x128xf32, #tpu.memory_space<vmem_shared>>) target(%arg12 : memref<160x128xf32, #tpu.memory_space<vmem>>) offsets(%dma_start3A_225 : memref<160xi32, #tpu.memory_space<vmem>>) semaphore(%arg16 : memref<!tpu.dma_semaphore, #tpu.memory_space<semaphore_mem>>)
    %dma_wait3A_229 = arith.constant 1440 : i32
    %dma_wait3A_230 = tpu.memref_slice %arg10[%dma_wait3A_229] : memref<3200xi32, #tpu.memory_space<vmem>> -> memref<160xi32, #tpu.memory_space<vmem>>
    %dma_wait3A_231 = arith.constant 0 : i32
    %dma_wait3A_232 = arith.constant 0 : i32
    %dma_wait3A_233 = tpu.memref_slice %arg14[%dma_wait3A_231, %dma_wait3A_232] : memref<1280x128xf32, #tpu.memory_space<vmem_shared>> -> memref<1280x128xf32, #tpu.memory_space<vmem_shared>>
    tpu.wait_indirect_dma semaphore(%arg15 : memref<!tpu.dma_semaphore, #tpu.memory_space<semaphore_mem>>) src(%dma_wait3A_233 : memref<1280x128xf32, #tpu.memory_space<vmem_shared>>) dst(%arg11 : memref<160x128xf32, #tpu.memory_space<vmem>>)
    %add3A_234 = arith.constant 1440 : i32
    %add3A_235 = arith.addi %mul3A_2, %add3A_234 : i32
    %lt3A_236 = arith.constant 100000 : i32
    %lt3A_237 = arith.cmpi slt, %add3A_235, %lt3A_236 : i32
    %convert_element_type3A_238 = arith.extui %lt3A_237 : i1 to i32
    %cond3A_239 = arith.constant 0 : i32
    %cond3A_240 = arith.cmpi ne, %convert_element_type3A_238, %cond3A_239 : i32
    scf.if %cond3A_240 {
      %add3A_490 = arith.constant 1440 : i32
      %add3A_491 = arith.addi %mul3A_2, %add3A_490 : i32
      %dma_start3A_492 = arith.constant 0 : i32
      %dma_start3A_493 = tpu.memref_slice %arg6[%add3A_491, %dma_start3A_492] : memref<100000x128xf32, #tpu.memory_space<hbm>> -> memref<160x128xf32, #tpu.memory_space<hbm>>
      %dma_start3A_494 = arith.constant 0 : i32
      %dma_start3A_495 = tpu.memref_slice %arg6[%add3A_491, %dma_start3A_494] : memref<100000x128xf32, #tpu.memory_space<hbm>> -> memref<160x128xf32, #tpu.memory_space<hbm>>
      tpu.enqueue_dma source(%arg11 : memref<160x128xf32, #tpu.memory_space<vmem>>) target(%dma_start3A_495 : memref<160x128xf32, #tpu.memory_space<hbm>>) target_semaphore(%arg18 : memref<!tpu.dma_semaphore, #tpu.memory_space<semaphore_mem>>)
    } else {
    }
    %add3A_241 = arith.constant 1280 : i32
    %add3A_242 = arith.addi %mul3A_2, %add3A_241 : i32
    %lt3A_243 = arith.constant 100000 : i32
    %lt3A_244 = arith.cmpi slt, %add3A_242, %lt3A_243 : i32
    %convert_element_type3A_245 = arith.extui %lt3A_244 : i1 to i32
    %cond3A_246 = arith.constant 0 : i32
    %cond3A_247 = arith.cmpi ne, %convert_element_type3A_245, %cond3A_246 : i32
    scf.if %cond3A_247 {
      %add3A_490 = arith.constant 1280 : i32
      %add3A_491 = arith.addi %mul3A_2, %add3A_490 : i32
      %dma_wait3A_492 = arith.constant 0 : i32
      %dma_wait3A_493 = tpu.memref_slice %arg6[%add3A_491, %dma_wait3A_492] : memref<100000x128xf32, #tpu.memory_space<hbm>> -> memref<160x128xf32, #tpu.memory_space<hbm>>
      %dma_wait3A_494 = arith.constant 0 : i32
      %dma_wait3A_495 = tpu.memref_slice %arg6[%add3A_491, %dma_wait3A_494] : memref<100000x128xf32, #tpu.memory_space<hbm>> -> memref<160x128xf32, #tpu.memory_space<hbm>>
      tpu.wait_dma2 semaphore(%arg20 : memref<!tpu.dma_semaphore, #tpu.memory_space<semaphore_mem>>) src(%arg13 : memref<160x128xf32, #tpu.memory_space<vmem>>) dst(%dma_wait3A_495 : memref<160x128xf32, #tpu.memory_space<hbm>>)
    } else {
    }
    %dma_start3A_248 = arith.constant 1760 : i32
    %dma_start3A_249 = tpu.memref_slice %arg10[%dma_start3A_248] : memref<3200xi32, #tpu.memory_space<vmem>> -> memref<160xi32, #tpu.memory_space<vmem>>
    %dma_start3A_250 = arith.constant 0 : i32
    %dma_start3A_251 = arith.constant 0 : i32
    %dma_start3A_252 = tpu.memref_slice %arg14[%dma_start3A_250, %dma_start3A_251] : memref<1280x128xf32, #tpu.memory_space<vmem_shared>> -> memref<1280x128xf32, #tpu.memory_space<vmem_shared>>
    tpu.enqueue_indirect_dma source(%dma_start3A_252 : memref<1280x128xf32, #tpu.memory_space<vmem_shared>>) target(%arg13 : memref<160x128xf32, #tpu.memory_space<vmem>>) offsets(%dma_start3A_249 : memref<160xi32, #tpu.memory_space<vmem>>) semaphore(%arg17 : memref<!tpu.dma_semaphore, #tpu.memory_space<semaphore_mem>>)
    %dma_wait3A_253 = arith.constant 1600 : i32
    %dma_wait3A_254 = tpu.memref_slice %arg10[%dma_wait3A_253] : memref<3200xi32, #tpu.memory_space<vmem>> -> memref<160xi32, #tpu.memory_space<vmem>>
    %dma_wait3A_255 = arith.constant 0 : i32
    %dma_wait3A_256 = arith.constant 0 : i32
    %dma_wait3A_257 = tpu.memref_slice %arg14[%dma_wait3A_255, %dma_wait3A_256] : memref<1280x128xf32, #tpu.memory_space<vmem_shared>> -> memref<1280x128xf32, #tpu.memory_space<vmem_shared>>
    tpu.wait_indirect_dma semaphore(%arg16 : memref<!tpu.dma_semaphore, #tpu.memory_space<semaphore_mem>>) src(%dma_wait3A_257 : memref<1280x128xf32, #tpu.memory_space<vmem_shared>>) dst(%arg12 : memref<160x128xf32, #tpu.memory_space<vmem>>)
    %add3A_258 = arith.constant 1600 : i32
    %add3A_259 = arith.addi %mul3A_2, %add3A_258 : i32
    %lt3A_260 = arith.constant 100000 : i32
    %lt3A_261 = arith.cmpi slt, %add3A_259, %lt3A_260 : i32
    %convert_element_type3A_262 = arith.extui %lt3A_261 : i1 to i32
    %cond3A_263 = arith.constant 0 : i32
    %cond3A_264 = arith.cmpi ne, %convert_element_type3A_262, %cond3A_263 : i32
    scf.if %cond3A_264 {
      %add3A_490 = arith.constant 1600 : i32
      %add3A_491 = arith.addi %mul3A_2, %add3A_490 : i32
      %dma_start3A_492 = arith.constant 0 : i32
      %dma_start3A_493 = tpu.memref_slice %arg6[%add3A_491, %dma_start3A_492] : memref<100000x128xf32, #tpu.memory_space<hbm>> -> memref<160x128xf32, #tpu.memory_space<hbm>>
      %dma_start3A_494 = arith.constant 0 : i32
      %dma_start3A_495 = tpu.memref_slice %arg6[%add3A_491, %dma_start3A_494] : memref<100000x128xf32, #tpu.memory_space<hbm>> -> memref<160x128xf32, #tpu.memory_space<hbm>>
      tpu.enqueue_dma source(%arg12 : memref<160x128xf32, #tpu.memory_space<vmem>>) target(%dma_start3A_495 : memref<160x128xf32, #tpu.memory_space<hbm>>) target_semaphore(%arg19 : memref<!tpu.dma_semaphore, #tpu.memory_space<semaphore_mem>>)
    } else {
    }
    %add3A_265 = arith.constant 1440 : i32
    %add3A_266 = arith.addi %mul3A_2, %add3A_265 : i32
    %lt3A_267 = arith.constant 100000 : i32
    %lt3A_268 = arith.cmpi slt, %add3A_266, %lt3A_267 : i32
    %convert_element_type3A_269 = arith.extui %lt3A_268 : i1 to i32
    %cond3A_270 = arith.constant 0 : i32
    %cond3A_271 = arith.cmpi ne, %convert_element_type3A_269, %cond3A_270 : i32
    scf.if %cond3A_271 {
      %add3A_490 = arith.constant 1440 : i32
      %add3A_491 = arith.addi %mul3A_2, %add3A_490 : i32
      %dma_wait3A_492 = arith.constant 0 : i32
      %dma_wait3A_493 = tpu.memref_slice %arg6[%add3A_491, %dma_wait3A_492] : memref<100000x128xf32, #tpu.memory_space<hbm>> -> memref<160x128xf32, #tpu.memory_space<hbm>>
      %dma_wait3A_494 = arith.constant 0 : i32
      %dma_wait3A_495 = tpu.memref_slice %arg6[%add3A_491, %dma_wait3A_494] : memref<100000x128xf32, #tpu.memory_space<hbm>> -> memref<160x128xf32, #tpu.memory_space<hbm>>
      tpu.wait_dma2 semaphore(%arg18 : memref<!tpu.dma_semaphore, #tpu.memory_space<semaphore_mem>>) src(%arg11 : memref<160x128xf32, #tpu.memory_space<vmem>>) dst(%dma_wait3A_495 : memref<160x128xf32, #tpu.memory_space<hbm>>)
    } else {
    }
    %dma_start3A_272 = arith.constant 1920 : i32
    %dma_start3A_273 = tpu.memref_slice %arg10[%dma_start3A_272] : memref<3200xi32, #tpu.memory_space<vmem>> -> memref<160xi32, #tpu.memory_space<vmem>>
    %dma_start3A_274 = arith.constant 0 : i32
    %dma_start3A_275 = arith.constant 0 : i32
    %dma_start3A_276 = tpu.memref_slice %arg14[%dma_start3A_274, %dma_start3A_275] : memref<1280x128xf32, #tpu.memory_space<vmem_shared>> -> memref<1280x128xf32, #tpu.memory_space<vmem_shared>>
    tpu.enqueue_indirect_dma source(%dma_start3A_276 : memref<1280x128xf32, #tpu.memory_space<vmem_shared>>) target(%arg11 : memref<160x128xf32, #tpu.memory_space<vmem>>) offsets(%dma_start3A_273 : memref<160xi32, #tpu.memory_space<vmem>>) semaphore(%arg15 : memref<!tpu.dma_semaphore, #tpu.memory_space<semaphore_mem>>)
    %dma_wait3A_277 = arith.constant 1760 : i32
    %dma_wait3A_278 = tpu.memref_slice %arg10[%dma_wait3A_277] : memref<3200xi32, #tpu.memory_space<vmem>> -> memref<160xi32, #tpu.memory_space<vmem>>
    %dma_wait3A_279 = arith.constant 0 : i32
    %dma_wait3A_280 = arith.constant 0 : i32
    %dma_wait3A_281 = tpu.memref_slice %arg14[%dma_wait3A_279, %dma_wait3A_280] : memref<1280x128xf32, #tpu.memory_space<vmem_shared>> -> memref<1280x128xf32, #tpu.memory_space<vmem_shared>>
    tpu.wait_indirect_dma semaphore(%arg17 : memref<!tpu.dma_semaphore, #tpu.memory_space<semaphore_mem>>) src(%dma_wait3A_281 : memref<1280x128xf32, #tpu.memory_space<vmem_shared>>) dst(%arg13 : memref<160x128xf32, #tpu.memory_space<vmem>>)
    %add3A_282 = arith.constant 1760 : i32
    %add3A_283 = arith.addi %mul3A_2, %add3A_282 : i32
    %lt3A_284 = arith.constant 100000 : i32
    %lt3A_285 = arith.cmpi slt, %add3A_283, %lt3A_284 : i32
    %convert_element_type3A_286 = arith.extui %lt3A_285 : i1 to i32
    %cond3A_287 = arith.constant 0 : i32
    %cond3A_288 = arith.cmpi ne, %convert_element_type3A_286, %cond3A_287 : i32
    scf.if %cond3A_288 {
      %add3A_490 = arith.constant 1760 : i32
      %add3A_491 = arith.addi %mul3A_2, %add3A_490 : i32
      %dma_start3A_492 = arith.constant 0 : i32
      %dma_start3A_493 = tpu.memref_slice %arg6[%add3A_491, %dma_start3A_492] : memref<100000x128xf32, #tpu.memory_space<hbm>> -> memref<160x128xf32, #tpu.memory_space<hbm>>
      %dma_start3A_494 = arith.constant 0 : i32
      %dma_start3A_495 = tpu.memref_slice %arg6[%add3A_491, %dma_start3A_494] : memref<100000x128xf32, #tpu.memory_space<hbm>> -> memref<160x128xf32, #tpu.memory_space<hbm>>
      tpu.enqueue_dma source(%arg13 : memref<160x128xf32, #tpu.memory_space<vmem>>) target(%dma_start3A_495 : memref<160x128xf32, #tpu.memory_space<hbm>>) target_semaphore(%arg20 : memref<!tpu.dma_semaphore, #tpu.memory_space<semaphore_mem>>)
    } else {
    }
    %add3A_289 = arith.constant 1600 : i32
    %add3A_290 = arith.addi %mul3A_2, %add3A_289 : i32
    %lt3A_291 = arith.constant 100000 : i32
    %lt3A_292 = arith.cmpi slt, %add3A_290, %lt3A_291 : i32
    %convert_element_type3A_293 = arith.extui %lt3A_292 : i1 to i32
    %cond3A_294 = arith.constant 0 : i32
    %cond3A_295 = arith.cmpi ne, %convert_element_type3A_293, %cond3A_294 : i32
    scf.if %cond3A_295 {
      %add3A_490 = arith.constant 1600 : i32
      %add3A_491 = arith.addi %mul3A_2, %add3A_490 : i32
      %dma_wait3A_492 = arith.constant 0 : i32
      %dma_wait3A_493 = tpu.memref_slice %arg6[%add3A_491, %dma_wait3A_492] : memref<100000x128xf32, #tpu.memory_space<hbm>> -> memref<160x128xf32, #tpu.memory_space<hbm>>
      %dma_wait3A_494 = arith.constant 0 : i32
      %dma_wait3A_495 = tpu.memref_slice %arg6[%add3A_491, %dma_wait3A_494] : memref<100000x128xf32, #tpu.memory_space<hbm>> -> memref<160x128xf32, #tpu.memory_space<hbm>>
      tpu.wait_dma2 semaphore(%arg19 : memref<!tpu.dma_semaphore, #tpu.memory_space<semaphore_mem>>) src(%arg12 : memref<160x128xf32, #tpu.memory_space<vmem>>) dst(%dma_wait3A_495 : memref<160x128xf32, #tpu.memory_space<hbm>>)
    } else {
    }
    %dma_start3A_296 = arith.constant 2080 : i32
    %dma_start3A_297 = tpu.memref_slice %arg10[%dma_start3A_296] : memref<3200xi32, #tpu.memory_space<vmem>> -> memref<160xi32, #tpu.memory_space<vmem>>
    %dma_start3A_298 = arith.constant 0 : i32
    %dma_start3A_299 = arith.constant 0 : i32
    %dma_start3A_300 = tpu.memref_slice %arg14[%dma_start3A_298, %dma_start3A_299] : memref<1280x128xf32, #tpu.memory_space<vmem_shared>> -> memref<1280x128xf32, #tpu.memory_space<vmem_shared>>
    tpu.enqueue_indirect_dma source(%dma_start3A_300 : memref<1280x128xf32, #tpu.memory_space<vmem_shared>>) target(%arg12 : memref<160x128xf32, #tpu.memory_space<vmem>>) offsets(%dma_start3A_297 : memref<160xi32, #tpu.memory_space<vmem>>) semaphore(%arg16 : memref<!tpu.dma_semaphore, #tpu.memory_space<semaphore_mem>>)
    %dma_wait3A_301 = arith.constant 1920 : i32
    %dma_wait3A_302 = tpu.memref_slice %arg10[%dma_wait3A_301] : memref<3200xi32, #tpu.memory_space<vmem>> -> memref<160xi32, #tpu.memory_space<vmem>>
    %dma_wait3A_303 = arith.constant 0 : i32
    %dma_wait3A_304 = arith.constant 0 : i32
    %dma_wait3A_305 = tpu.memref_slice %arg14[%dma_wait3A_303, %dma_wait3A_304] : memref<1280x128xf32, #tpu.memory_space<vmem_shared>> -> memref<1280x128xf32, #tpu.memory_space<vmem_shared>>
    tpu.wait_indirect_dma semaphore(%arg15 : memref<!tpu.dma_semaphore, #tpu.memory_space<semaphore_mem>>) src(%dma_wait3A_305 : memref<1280x128xf32, #tpu.memory_space<vmem_shared>>) dst(%arg11 : memref<160x128xf32, #tpu.memory_space<vmem>>)
    %add3A_306 = arith.constant 1920 : i32
    %add3A_307 = arith.addi %mul3A_2, %add3A_306 : i32
    %lt3A_308 = arith.constant 100000 : i32
    %lt3A_309 = arith.cmpi slt, %add3A_307, %lt3A_308 : i32
    %convert_element_type3A_310 = arith.extui %lt3A_309 : i1 to i32
    %cond3A_311 = arith.constant 0 : i32
    %cond3A_312 = arith.cmpi ne, %convert_element_type3A_310, %cond3A_311 : i32
    scf.if %cond3A_312 {
      %add3A_490 = arith.constant 1920 : i32
      %add3A_491 = arith.addi %mul3A_2, %add3A_490 : i32
      %dma_start3A_492 = arith.constant 0 : i32
      %dma_start3A_493 = tpu.memref_slice %arg6[%add3A_491, %dma_start3A_492] : memref<100000x128xf32, #tpu.memory_space<hbm>> -> memref<160x128xf32, #tpu.memory_space<hbm>>
      %dma_start3A_494 = arith.constant 0 : i32
      %dma_start3A_495 = tpu.memref_slice %arg6[%add3A_491, %dma_start3A_494] : memref<100000x128xf32, #tpu.memory_space<hbm>> -> memref<160x128xf32, #tpu.memory_space<hbm>>
      tpu.enqueue_dma source(%arg11 : memref<160x128xf32, #tpu.memory_space<vmem>>) target(%dma_start3A_495 : memref<160x128xf32, #tpu.memory_space<hbm>>) target_semaphore(%arg18 : memref<!tpu.dma_semaphore, #tpu.memory_space<semaphore_mem>>)
    } else {
    }
    %add3A_313 = arith.constant 1760 : i32
    %add3A_314 = arith.addi %mul3A_2, %add3A_313 : i32
    %lt3A_315 = arith.constant 100000 : i32
    %lt3A_316 = arith.cmpi slt, %add3A_314, %lt3A_315 : i32
    %convert_element_type3A_317 = arith.extui %lt3A_316 : i1 to i32
    %cond3A_318 = arith.constant 0 : i32
    %cond3A_319 = arith.cmpi ne, %convert_element_type3A_317, %cond3A_318 : i32
    scf.if %cond3A_319 {
      %add3A_490 = arith.constant 1760 : i32
      %add3A_491 = arith.addi %mul3A_2, %add3A_490 : i32
      %dma_wait3A_492 = arith.constant 0 : i32
      %dma_wait3A_493 = tpu.memref_slice %arg6[%add3A_491, %dma_wait3A_492] : memref<100000x128xf32, #tpu.memory_space<hbm>> -> memref<160x128xf32, #tpu.memory_space<hbm>>
      %dma_wait3A_494 = arith.constant 0 : i32
      %dma_wait3A_495 = tpu.memref_slice %arg6[%add3A_491, %dma_wait3A_494] : memref<100000x128xf32, #tpu.memory_space<hbm>> -> memref<160x128xf32, #tpu.memory_space<hbm>>
      tpu.wait_dma2 semaphore(%arg20 : memref<!tpu.dma_semaphore, #tpu.memory_space<semaphore_mem>>) src(%arg13 : memref<160x128xf32, #tpu.memory_space<vmem>>) dst(%dma_wait3A_495 : memref<160x128xf32, #tpu.memory_space<hbm>>)
    } else {
    }
    %dma_start3A_320 = arith.constant 2240 : i32
    %dma_start3A_321 = tpu.memref_slice %arg10[%dma_start3A_320] : memref<3200xi32, #tpu.memory_space<vmem>> -> memref<160xi32, #tpu.memory_space<vmem>>
    %dma_start3A_322 = arith.constant 0 : i32
    %dma_start3A_323 = arith.constant 0 : i32
    %dma_start3A_324 = tpu.memref_slice %arg14[%dma_start3A_322, %dma_start3A_323] : memref<1280x128xf32, #tpu.memory_space<vmem_shared>> -> memref<1280x128xf32, #tpu.memory_space<vmem_shared>>
    tpu.enqueue_indirect_dma source(%dma_start3A_324 : memref<1280x128xf32, #tpu.memory_space<vmem_shared>>) target(%arg13 : memref<160x128xf32, #tpu.memory_space<vmem>>) offsets(%dma_start3A_321 : memref<160xi32, #tpu.memory_space<vmem>>) semaphore(%arg17 : memref<!tpu.dma_semaphore, #tpu.memory_space<semaphore_mem>>)
    %dma_wait3A_325 = arith.constant 2080 : i32
    %dma_wait3A_326 = tpu.memref_slice %arg10[%dma_wait3A_325] : memref<3200xi32, #tpu.memory_space<vmem>> -> memref<160xi32, #tpu.memory_space<vmem>>
    %dma_wait3A_327 = arith.constant 0 : i32
    %dma_wait3A_328 = arith.constant 0 : i32
    %dma_wait3A_329 = tpu.memref_slice %arg14[%dma_wait3A_327, %dma_wait3A_328] : memref<1280x128xf32, #tpu.memory_space<vmem_shared>> -> memref<1280x128xf32, #tpu.memory_space<vmem_shared>>
    tpu.wait_indirect_dma semaphore(%arg16 : memref<!tpu.dma_semaphore, #tpu.memory_space<semaphore_mem>>) src(%dma_wait3A_329 : memref<1280x128xf32, #tpu.memory_space<vmem_shared>>) dst(%arg12 : memref<160x128xf32, #tpu.memory_space<vmem>>)
    %add3A_330 = arith.constant 2080 : i32
    %add3A_331 = arith.addi %mul3A_2, %add3A_330 : i32
    %lt3A_332 = arith.constant 100000 : i32
    %lt3A_333 = arith.cmpi slt, %add3A_331, %lt3A_332 : i32
    %convert_element_type3A_334 = arith.extui %lt3A_333 : i1 to i32
    %cond3A_335 = arith.constant 0 : i32
    %cond3A_336 = arith.cmpi ne, %convert_element_type3A_334, %cond3A_335 : i32
    scf.if %cond3A_336 {
      %add3A_490 = arith.constant 2080 : i32
      %add3A_491 = arith.addi %mul3A_2, %add3A_490 : i32
      %dma_start3A_492 = arith.constant 0 : i32
      %dma_start3A_493 = tpu.memref_slice %arg6[%add3A_491, %dma_start3A_492] : memref<100000x128xf32, #tpu.memory_space<hbm>> -> memref<160x128xf32, #tpu.memory_space<hbm>>
      %dma_start3A_494 = arith.constant 0 : i32
      %dma_start3A_495 = tpu.memref_slice %arg6[%add3A_491, %dma_start3A_494] : memref<100000x128xf32, #tpu.memory_space<hbm>> -> memref<160x128xf32, #tpu.memory_space<hbm>>
      tpu.enqueue_dma source(%arg12 : memref<160x128xf32, #tpu.memory_space<vmem>>) target(%dma_start3A_495 : memref<160x128xf32, #tpu.memory_space<hbm>>) target_semaphore(%arg19 : memref<!tpu.dma_semaphore, #tpu.memory_space<semaphore_mem>>)
    } else {
    }
    %add3A_337 = arith.constant 1920 : i32
    %add3A_338 = arith.addi %mul3A_2, %add3A_337 : i32
    %lt3A_339 = arith.constant 100000 : i32
    %lt3A_340 = arith.cmpi slt, %add3A_338, %lt3A_339 : i32
    %convert_element_type3A_341 = arith.extui %lt3A_340 : i1 to i32
    %cond3A_342 = arith.constant 0 : i32
    %cond3A_343 = arith.cmpi ne, %convert_element_type3A_341, %cond3A_342 : i32
    scf.if %cond3A_343 {
      %add3A_490 = arith.constant 1920 : i32
      %add3A_491 = arith.addi %mul3A_2, %add3A_490 : i32
      %dma_wait3A_492 = arith.constant 0 : i32
      %dma_wait3A_493 = tpu.memref_slice %arg6[%add3A_491, %dma_wait3A_492] : memref<100000x128xf32, #tpu.memory_space<hbm>> -> memref<160x128xf32, #tpu.memory_space<hbm>>
      %dma_wait3A_494 = arith.constant 0 : i32
      %dma_wait3A_495 = tpu.memref_slice %arg6[%add3A_491, %dma_wait3A_494] : memref<100000x128xf32, #tpu.memory_space<hbm>> -> memref<160x128xf32, #tpu.memory_space<hbm>>
      tpu.wait_dma2 semaphore(%arg18 : memref<!tpu.dma_semaphore, #tpu.memory_space<semaphore_mem>>) src(%arg11 : memref<160x128xf32, #tpu.memory_space<vmem>>) dst(%dma_wait3A_495 : memref<160x128xf32, #tpu.memory_space<hbm>>)
    } else {
    }
    %dma_start3A_344 = arith.constant 2400 : i32
    %dma_start3A_345 = tpu.memref_slice %arg10[%dma_start3A_344] : memref<3200xi32, #tpu.memory_space<vmem>> -> memref<160xi32, #tpu.memory_space<vmem>>
    %dma_start3A_346 = arith.constant 0 : i32
    %dma_start3A_347 = arith.constant 0 : i32
    %dma_start3A_348 = tpu.memref_slice %arg14[%dma_start3A_346, %dma_start3A_347] : memref<1280x128xf32, #tpu.memory_space<vmem_shared>> -> memref<1280x128xf32, #tpu.memory_space<vmem_shared>>
    tpu.enqueue_indirect_dma source(%dma_start3A_348 : memref<1280x128xf32, #tpu.memory_space<vmem_shared>>) target(%arg11 : memref<160x128xf32, #tpu.memory_space<vmem>>) offsets(%dma_start3A_345 : memref<160xi32, #tpu.memory_space<vmem>>) semaphore(%arg15 : memref<!tpu.dma_semaphore, #tpu.memory_space<semaphore_mem>>)
    %dma_wait3A_349 = arith.constant 2240 : i32
    %dma_wait3A_350 = tpu.memref_slice %arg10[%dma_wait3A_349] : memref<3200xi32, #tpu.memory_space<vmem>> -> memref<160xi32, #tpu.memory_space<vmem>>
    %dma_wait3A_351 = arith.constant 0 : i32
    %dma_wait3A_352 = arith.constant 0 : i32
    %dma_wait3A_353 = tpu.memref_slice %arg14[%dma_wait3A_351, %dma_wait3A_352] : memref<1280x128xf32, #tpu.memory_space<vmem_shared>> -> memref<1280x128xf32, #tpu.memory_space<vmem_shared>>
    tpu.wait_indirect_dma semaphore(%arg17 : memref<!tpu.dma_semaphore, #tpu.memory_space<semaphore_mem>>) src(%dma_wait3A_353 : memref<1280x128xf32, #tpu.memory_space<vmem_shared>>) dst(%arg13 : memref<160x128xf32, #tpu.memory_space<vmem>>)
    %add3A_354 = arith.constant 2240 : i32
    %add3A_355 = arith.addi %mul3A_2, %add3A_354 : i32
    %lt3A_356 = arith.constant 100000 : i32
    %lt3A_357 = arith.cmpi slt, %add3A_355, %lt3A_356 : i32
    %convert_element_type3A_358 = arith.extui %lt3A_357 : i1 to i32
    %cond3A_359 = arith.constant 0 : i32
    %cond3A_360 = arith.cmpi ne, %convert_element_type3A_358, %cond3A_359 : i32
    scf.if %cond3A_360 {
      %add3A_490 = arith.constant 2240 : i32
      %add3A_491 = arith.addi %mul3A_2, %add3A_490 : i32
      %dma_start3A_492 = arith.constant 0 : i32
      %dma_start3A_493 = tpu.memref_slice %arg6[%add3A_491, %dma_start3A_492] : memref<100000x128xf32, #tpu.memory_space<hbm>> -> memref<160x128xf32, #tpu.memory_space<hbm>>
      %dma_start3A_494 = arith.constant 0 : i32
      %dma_start3A_495 = tpu.memref_slice %arg6[%add3A_491, %dma_start3A_494] : memref<100000x128xf32, #tpu.memory_space<hbm>> -> memref<160x128xf32, #tpu.memory_space<hbm>>
      tpu.enqueue_dma source(%arg13 : memref<160x128xf32, #tpu.memory_space<vmem>>) target(%dma_start3A_495 : memref<160x128xf32, #tpu.memory_space<hbm>>) target_semaphore(%arg20 : memref<!tpu.dma_semaphore, #tpu.memory_space<semaphore_mem>>)
    } else {
    }
    %add3A_361 = arith.constant 2080 : i32
    %add3A_362 = arith.addi %mul3A_2, %add3A_361 : i32
    %lt3A_363 = arith.constant 100000 : i32
    %lt3A_364 = arith.cmpi slt, %add3A_362, %lt3A_363 : i32
    %convert_element_type3A_365 = arith.extui %lt3A_364 : i1 to i32
    %cond3A_366 = arith.constant 0 : i32
    %cond3A_367 = arith.cmpi ne, %convert_element_type3A_365, %cond3A_366 : i32
    scf.if %cond3A_367 {
      %add3A_490 = arith.constant 2080 : i32
      %add3A_491 = arith.addi %mul3A_2, %add3A_490 : i32
      %dma_wait3A_492 = arith.constant 0 : i32
      %dma_wait3A_493 = tpu.memref_slice %arg6[%add3A_491, %dma_wait3A_492] : memref<100000x128xf32, #tpu.memory_space<hbm>> -> memref<160x128xf32, #tpu.memory_space<hbm>>
      %dma_wait3A_494 = arith.constant 0 : i32
      %dma_wait3A_495 = tpu.memref_slice %arg6[%add3A_491, %dma_wait3A_494] : memref<100000x128xf32, #tpu.memory_space<hbm>> -> memref<160x128xf32, #tpu.memory_space<hbm>>
      tpu.wait_dma2 semaphore(%arg19 : memref<!tpu.dma_semaphore, #tpu.memory_space<semaphore_mem>>) src(%arg12 : memref<160x128xf32, #tpu.memory_space<vmem>>) dst(%dma_wait3A_495 : memref<160x128xf32, #tpu.memory_space<hbm>>)
    } else {
    }
    %dma_start3A_368 = arith.constant 2560 : i32
    %dma_start3A_369 = tpu.memref_slice %arg10[%dma_start3A_368] : memref<3200xi32, #tpu.memory_space<vmem>> -> memref<160xi32, #tpu.memory_space<vmem>>
    %dma_start3A_370 = arith.constant 0 : i32
    %dma_start3A_371 = arith.constant 0 : i32
    %dma_start3A_372 = tpu.memref_slice %arg14[%dma_start3A_370, %dma_start3A_371] : memref<1280x128xf32, #tpu.memory_space<vmem_shared>> -> memref<1280x128xf32, #tpu.memory_space<vmem_shared>>
    tpu.enqueue_indirect_dma source(%dma_start3A_372 : memref<1280x128xf32, #tpu.memory_space<vmem_shared>>) target(%arg12 : memref<160x128xf32, #tpu.memory_space<vmem>>) offsets(%dma_start3A_369 : memref<160xi32, #tpu.memory_space<vmem>>) semaphore(%arg16 : memref<!tpu.dma_semaphore, #tpu.memory_space<semaphore_mem>>)
    %dma_wait3A_373 = arith.constant 2400 : i32
    %dma_wait3A_374 = tpu.memref_slice %arg10[%dma_wait3A_373] : memref<3200xi32, #tpu.memory_space<vmem>> -> memref<160xi32, #tpu.memory_space<vmem>>
    %dma_wait3A_375 = arith.constant 0 : i32
    %dma_wait3A_376 = arith.constant 0 : i32
    %dma_wait3A_377 = tpu.memref_slice %arg14[%dma_wait3A_375, %dma_wait3A_376] : memref<1280x128xf32, #tpu.memory_space<vmem_shared>> -> memref<1280x128xf32, #tpu.memory_space<vmem_shared>>
    tpu.wait_indirect_dma semaphore(%arg15 : memref<!tpu.dma_semaphore, #tpu.memory_space<semaphore_mem>>) src(%dma_wait3A_377 : memref<1280x128xf32, #tpu.memory_space<vmem_shared>>) dst(%arg11 : memref<160x128xf32, #tpu.memory_space<vmem>>)
    %add3A_378 = arith.constant 2400 : i32
    %add3A_379 = arith.addi %mul3A_2, %add3A_378 : i32
    %lt3A_380 = arith.constant 100000 : i32
    %lt3A_381 = arith.cmpi slt, %add3A_379, %lt3A_380 : i32
    %convert_element_type3A_382 = arith.extui %lt3A_381 : i1 to i32
    %cond3A_383 = arith.constant 0 : i32
    %cond3A_384 = arith.cmpi ne, %convert_element_type3A_382, %cond3A_383 : i32
    scf.if %cond3A_384 {
      %add3A_490 = arith.constant 2400 : i32
      %add3A_491 = arith.addi %mul3A_2, %add3A_490 : i32
      %dma_start3A_492 = arith.constant 0 : i32
      %dma_start3A_493 = tpu.memref_slice %arg6[%add3A_491, %dma_start3A_492] : memref<100000x128xf32, #tpu.memory_space<hbm>> -> memref<160x128xf32, #tpu.memory_space<hbm>>
      %dma_start3A_494 = arith.constant 0 : i32
      %dma_start3A_495 = tpu.memref_slice %arg6[%add3A_491, %dma_start3A_494] : memref<100000x128xf32, #tpu.memory_space<hbm>> -> memref<160x128xf32, #tpu.memory_space<hbm>>
      tpu.enqueue_dma source(%arg11 : memref<160x128xf32, #tpu.memory_space<vmem>>) target(%dma_start3A_495 : memref<160x128xf32, #tpu.memory_space<hbm>>) target_semaphore(%arg18 : memref<!tpu.dma_semaphore, #tpu.memory_space<semaphore_mem>>)
    } else {
    }
    %add3A_385 = arith.constant 2240 : i32
    %add3A_386 = arith.addi %mul3A_2, %add3A_385 : i32
    %lt3A_387 = arith.constant 100000 : i32
    %lt3A_388 = arith.cmpi slt, %add3A_386, %lt3A_387 : i32
    %convert_element_type3A_389 = arith.extui %lt3A_388 : i1 to i32
    %cond3A_390 = arith.constant 0 : i32
    %cond3A_391 = arith.cmpi ne, %convert_element_type3A_389, %cond3A_390 : i32
    scf.if %cond3A_391 {
      %add3A_490 = arith.constant 2240 : i32
      %add3A_491 = arith.addi %mul3A_2, %add3A_490 : i32
      %dma_wait3A_492 = arith.constant 0 : i32
      %dma_wait3A_493 = tpu.memref_slice %arg6[%add3A_491, %dma_wait3A_492] : memref<100000x128xf32, #tpu.memory_space<hbm>> -> memref<160x128xf32, #tpu.memory_space<hbm>>
      %dma_wait3A_494 = arith.constant 0 : i32
      %dma_wait3A_495 = tpu.memref_slice %arg6[%add3A_491, %dma_wait3A_494] : memref<100000x128xf32, #tpu.memory_space<hbm>> -> memref<160x128xf32, #tpu.memory_space<hbm>>
      tpu.wait_dma2 semaphore(%arg20 : memref<!tpu.dma_semaphore, #tpu.memory_space<semaphore_mem>>) src(%arg13 : memref<160x128xf32, #tpu.memory_space<vmem>>) dst(%dma_wait3A_495 : memref<160x128xf32, #tpu.memory_space<hbm>>)
    } else {
    }
    %dma_start3A_392 = arith.constant 2720 : i32
    %dma_start3A_393 = tpu.memref_slice %arg10[%dma_start3A_392] : memref<3200xi32, #tpu.memory_space<vmem>> -> memref<160xi32, #tpu.memory_space<vmem>>
    %dma_start3A_394 = arith.constant 0 : i32
    %dma_start3A_395 = arith.constant 0 : i32
    %dma_start3A_396 = tpu.memref_slice %arg14[%dma_start3A_394, %dma_start3A_395] : memref<1280x128xf32, #tpu.memory_space<vmem_shared>> -> memref<1280x128xf32, #tpu.memory_space<vmem_shared>>
    tpu.enqueue_indirect_dma source(%dma_start3A_396 : memref<1280x128xf32, #tpu.memory_space<vmem_shared>>) target(%arg13 : memref<160x128xf32, #tpu.memory_space<vmem>>) offsets(%dma_start3A_393 : memref<160xi32, #tpu.memory_space<vmem>>) semaphore(%arg17 : memref<!tpu.dma_semaphore, #tpu.memory_space<semaphore_mem>>)
    %dma_wait3A_397 = arith.constant 2560 : i32
    %dma_wait3A_398 = tpu.memref_slice %arg10[%dma_wait3A_397] : memref<3200xi32, #tpu.memory_space<vmem>> -> memref<160xi32, #tpu.memory_space<vmem>>
    %dma_wait3A_399 = arith.constant 0 : i32
    %dma_wait3A_400 = arith.constant 0 : i32
    %dma_wait3A_401 = tpu.memref_slice %arg14[%dma_wait3A_399, %dma_wait3A_400] : memref<1280x128xf32, #tpu.memory_space<vmem_shared>> -> memref<1280x128xf32, #tpu.memory_space<vmem_shared>>
    tpu.wait_indirect_dma semaphore(%arg16 : memref<!tpu.dma_semaphore, #tpu.memory_space<semaphore_mem>>) src(%dma_wait3A_401 : memref<1280x128xf32, #tpu.memory_space<vmem_shared>>) dst(%arg12 : memref<160x128xf32, #tpu.memory_space<vmem>>)
    %add3A_402 = arith.constant 2560 : i32
    %add3A_403 = arith.addi %mul3A_2, %add3A_402 : i32
    %lt3A_404 = arith.constant 100000 : i32
    %lt3A_405 = arith.cmpi slt, %add3A_403, %lt3A_404 : i32
    %convert_element_type3A_406 = arith.extui %lt3A_405 : i1 to i32
    %cond3A_407 = arith.constant 0 : i32
    %cond3A_408 = arith.cmpi ne, %convert_element_type3A_406, %cond3A_407 : i32
    scf.if %cond3A_408 {
      %add3A_490 = arith.constant 2560 : i32
      %add3A_491 = arith.addi %mul3A_2, %add3A_490 : i32
      %dma_start3A_492 = arith.constant 0 : i32
      %dma_start3A_493 = tpu.memref_slice %arg6[%add3A_491, %dma_start3A_492] : memref<100000x128xf32, #tpu.memory_space<hbm>> -> memref<160x128xf32, #tpu.memory_space<hbm>>
      %dma_start3A_494 = arith.constant 0 : i32
      %dma_start3A_495 = tpu.memref_slice %arg6[%add3A_491, %dma_start3A_494] : memref<100000x128xf32, #tpu.memory_space<hbm>> -> memref<160x128xf32, #tpu.memory_space<hbm>>
      tpu.enqueue_dma source(%arg12 : memref<160x128xf32, #tpu.memory_space<vmem>>) target(%dma_start3A_495 : memref<160x128xf32, #tpu.memory_space<hbm>>) target_semaphore(%arg19 : memref<!tpu.dma_semaphore, #tpu.memory_space<semaphore_mem>>)
    } else {
    }
    %add3A_409 = arith.constant 2400 : i32
    %add3A_410 = arith.addi %mul3A_2, %add3A_409 : i32
    %lt3A_411 = arith.constant 100000 : i32
    %lt3A_412 = arith.cmpi slt, %add3A_410, %lt3A_411 : i32
    %convert_element_type3A_413 = arith.extui %lt3A_412 : i1 to i32
    %cond3A_414 = arith.constant 0 : i32
    %cond3A_415 = arith.cmpi ne, %convert_element_type3A_413, %cond3A_414 : i32
    scf.if %cond3A_415 {
      %add3A_490 = arith.constant 2400 : i32
      %add3A_491 = arith.addi %mul3A_2, %add3A_490 : i32
      %dma_wait3A_492 = arith.constant 0 : i32
      %dma_wait3A_493 = tpu.memref_slice %arg6[%add3A_491, %dma_wait3A_492] : memref<100000x128xf32, #tpu.memory_space<hbm>> -> memref<160x128xf32, #tpu.memory_space<hbm>>
      %dma_wait3A_494 = arith.constant 0 : i32
      %dma_wait3A_495 = tpu.memref_slice %arg6[%add3A_491, %dma_wait3A_494] : memref<100000x128xf32, #tpu.memory_space<hbm>> -> memref<160x128xf32, #tpu.memory_space<hbm>>
      tpu.wait_dma2 semaphore(%arg18 : memref<!tpu.dma_semaphore, #tpu.memory_space<semaphore_mem>>) src(%arg11 : memref<160x128xf32, #tpu.memory_space<vmem>>) dst(%dma_wait3A_495 : memref<160x128xf32, #tpu.memory_space<hbm>>)
    } else {
    }
    %dma_start3A_416 = arith.constant 2880 : i32
    %dma_start3A_417 = tpu.memref_slice %arg10[%dma_start3A_416] : memref<3200xi32, #tpu.memory_space<vmem>> -> memref<160xi32, #tpu.memory_space<vmem>>
    %dma_start3A_418 = arith.constant 0 : i32
    %dma_start3A_419 = arith.constant 0 : i32
    %dma_start3A_420 = tpu.memref_slice %arg14[%dma_start3A_418, %dma_start3A_419] : memref<1280x128xf32, #tpu.memory_space<vmem_shared>> -> memref<1280x128xf32, #tpu.memory_space<vmem_shared>>
    tpu.enqueue_indirect_dma source(%dma_start3A_420 : memref<1280x128xf32, #tpu.memory_space<vmem_shared>>) target(%arg11 : memref<160x128xf32, #tpu.memory_space<vmem>>) offsets(%dma_start3A_417 : memref<160xi32, #tpu.memory_space<vmem>>) semaphore(%arg15 : memref<!tpu.dma_semaphore, #tpu.memory_space<semaphore_mem>>)
    %dma_wait3A_421 = arith.constant 2720 : i32
    %dma_wait3A_422 = tpu.memref_slice %arg10[%dma_wait3A_421] : memref<3200xi32, #tpu.memory_space<vmem>> -> memref<160xi32, #tpu.memory_space<vmem>>
    %dma_wait3A_423 = arith.constant 0 : i32
    %dma_wait3A_424 = arith.constant 0 : i32
    %dma_wait3A_425 = tpu.memref_slice %arg14[%dma_wait3A_423, %dma_wait3A_424] : memref<1280x128xf32, #tpu.memory_space<vmem_shared>> -> memref<1280x128xf32, #tpu.memory_space<vmem_shared>>
    tpu.wait_indirect_dma semaphore(%arg17 : memref<!tpu.dma_semaphore, #tpu.memory_space<semaphore_mem>>) src(%dma_wait3A_425 : memref<1280x128xf32, #tpu.memory_space<vmem_shared>>) dst(%arg13 : memref<160x128xf32, #tpu.memory_space<vmem>>)
    %add3A_426 = arith.constant 2720 : i32
    %add3A_427 = arith.addi %mul3A_2, %add3A_426 : i32
    %lt3A_428 = arith.constant 100000 : i32
    %lt3A_429 = arith.cmpi slt, %add3A_427, %lt3A_428 : i32
    %convert_element_type3A_430 = arith.extui %lt3A_429 : i1 to i32
    %cond3A_431 = arith.constant 0 : i32
    %cond3A_432 = arith.cmpi ne, %convert_element_type3A_430, %cond3A_431 : i32
    scf.if %cond3A_432 {
      %add3A_490 = arith.constant 2720 : i32
      %add3A_491 = arith.addi %mul3A_2, %add3A_490 : i32
      %dma_start3A_492 = arith.constant 0 : i32
      %dma_start3A_493 = tpu.memref_slice %arg6[%add3A_491, %dma_start3A_492] : memref<100000x128xf32, #tpu.memory_space<hbm>> -> memref<160x128xf32, #tpu.memory_space<hbm>>
      %dma_start3A_494 = arith.constant 0 : i32
      %dma_start3A_495 = tpu.memref_slice %arg6[%add3A_491, %dma_start3A_494] : memref<100000x128xf32, #tpu.memory_space<hbm>> -> memref<160x128xf32, #tpu.memory_space<hbm>>
      tpu.enqueue_dma source(%arg13 : memref<160x128xf32, #tpu.memory_space<vmem>>) target(%dma_start3A_495 : memref<160x128xf32, #tpu.memory_space<hbm>>) target_semaphore(%arg20 : memref<!tpu.dma_semaphore, #tpu.memory_space<semaphore_mem>>)
    } else {
    }
    %add3A_433 = arith.constant 2560 : i32
    %add3A_434 = arith.addi %mul3A_2, %add3A_433 : i32
    %lt3A_435 = arith.constant 100000 : i32
    %lt3A_436 = arith.cmpi slt, %add3A_434, %lt3A_435 : i32
    %convert_element_type3A_437 = arith.extui %lt3A_436 : i1 to i32
    %cond3A_438 = arith.constant 0 : i32
    %cond3A_439 = arith.cmpi ne, %convert_element_type3A_437, %cond3A_438 : i32
    scf.if %cond3A_439 {
      %add3A_490 = arith.constant 2560 : i32
      %add3A_491 = arith.addi %mul3A_2, %add3A_490 : i32
      %dma_wait3A_492 = arith.constant 0 : i32
      %dma_wait3A_493 = tpu.memref_slice %arg6[%add3A_491, %dma_wait3A_492] : memref<100000x128xf32, #tpu.memory_space<hbm>> -> memref<160x128xf32, #tpu.memory_space<hbm>>
      %dma_wait3A_494 = arith.constant 0 : i32
      %dma_wait3A_495 = tpu.memref_slice %arg6[%add3A_491, %dma_wait3A_494] : memref<100000x128xf32, #tpu.memory_space<hbm>> -> memref<160x128xf32, #tpu.memory_space<hbm>>
      tpu.wait_dma2 semaphore(%arg19 : memref<!tpu.dma_semaphore, #tpu.memory_space<semaphore_mem>>) src(%arg12 : memref<160x128xf32, #tpu.memory_space<vmem>>) dst(%dma_wait3A_495 : memref<160x128xf32, #tpu.memory_space<hbm>>)
    } else {
    }
    %dma_start3A_440 = arith.constant 3040 : i32
    %dma_start3A_441 = tpu.memref_slice %arg10[%dma_start3A_440] : memref<3200xi32, #tpu.memory_space<vmem>> -> memref<160xi32, #tpu.memory_space<vmem>>
    %dma_start3A_442 = arith.constant 0 : i32
    %dma_start3A_443 = arith.constant 0 : i32
    %dma_start3A_444 = tpu.memref_slice %arg14[%dma_start3A_442, %dma_start3A_443] : memref<1280x128xf32, #tpu.memory_space<vmem_shared>> -> memref<1280x128xf32, #tpu.memory_space<vmem_shared>>
    tpu.enqueue_indirect_dma source(%dma_start3A_444 : memref<1280x128xf32, #tpu.memory_space<vmem_shared>>) target(%arg12 : memref<160x128xf32, #tpu.memory_space<vmem>>) offsets(%dma_start3A_441 : memref<160xi32, #tpu.memory_space<vmem>>) semaphore(%arg16 : memref<!tpu.dma_semaphore, #tpu.memory_space<semaphore_mem>>)
    %dma_wait3A_445 = arith.constant 2880 : i32
    %dma_wait3A_446 = tpu.memref_slice %arg10[%dma_wait3A_445] : memref<3200xi32, #tpu.memory_space<vmem>> -> memref<160xi32, #tpu.memory_space<vmem>>
    %dma_wait3A_447 = arith.constant 0 : i32
    %dma_wait3A_448 = arith.constant 0 : i32
    %dma_wait3A_449 = tpu.memref_slice %arg14[%dma_wait3A_447, %dma_wait3A_448] : memref<1280x128xf32, #tpu.memory_space<vmem_shared>> -> memref<1280x128xf32, #tpu.memory_space<vmem_shared>>
    tpu.wait_indirect_dma semaphore(%arg15 : memref<!tpu.dma_semaphore, #tpu.memory_space<semaphore_mem>>) src(%dma_wait3A_449 : memref<1280x128xf32, #tpu.memory_space<vmem_shared>>) dst(%arg11 : memref<160x128xf32, #tpu.memory_space<vmem>>)
    %add3A_450 = arith.constant 2880 : i32
    %add3A_451 = arith.addi %mul3A_2, %add3A_450 : i32
    %lt3A_452 = arith.constant 100000 : i32
    %lt3A_453 = arith.cmpi slt, %add3A_451, %lt3A_452 : i32
    %convert_element_type3A_454 = arith.extui %lt3A_453 : i1 to i32
    %cond3A_455 = arith.constant 0 : i32
    %cond3A_456 = arith.cmpi ne, %convert_element_type3A_454, %cond3A_455 : i32
    scf.if %cond3A_456 {
      %add3A_490 = arith.constant 2880 : i32
      %add3A_491 = arith.addi %mul3A_2, %add3A_490 : i32
      %dma_start3A_492 = arith.constant 0 : i32
      %dma_start3A_493 = tpu.memref_slice %arg6[%add3A_491, %dma_start3A_492] : memref<100000x128xf32, #tpu.memory_space<hbm>> -> memref<160x128xf32, #tpu.memory_space<hbm>>
      %dma_start3A_494 = arith.constant 0 : i32
      %dma_start3A_495 = tpu.memref_slice %arg6[%add3A_491, %dma_start3A_494] : memref<100000x128xf32, #tpu.memory_space<hbm>> -> memref<160x128xf32, #tpu.memory_space<hbm>>
      tpu.enqueue_dma source(%arg11 : memref<160x128xf32, #tpu.memory_space<vmem>>) target(%dma_start3A_495 : memref<160x128xf32, #tpu.memory_space<hbm>>) target_semaphore(%arg18 : memref<!tpu.dma_semaphore, #tpu.memory_space<semaphore_mem>>)
    } else {
    }
    %add3A_457 = arith.constant 2720 : i32
    %add3A_458 = arith.addi %mul3A_2, %add3A_457 : i32
    %lt3A_459 = arith.constant 100000 : i32
    %lt3A_460 = arith.cmpi slt, %add3A_458, %lt3A_459 : i32
    %convert_element_type3A_461 = arith.extui %lt3A_460 : i1 to i32
    %cond3A_462 = arith.constant 0 : i32
    %cond3A_463 = arith.cmpi ne, %convert_element_type3A_461, %cond3A_462 : i32
    scf.if %cond3A_463 {
      %add3A_490 = arith.constant 2720 : i32
      %add3A_491 = arith.addi %mul3A_2, %add3A_490 : i32
      %dma_wait3A_492 = arith.constant 0 : i32
      %dma_wait3A_493 = tpu.memref_slice %arg6[%add3A_491, %dma_wait3A_492] : memref<100000x128xf32, #tpu.memory_space<hbm>> -> memref<160x128xf32, #tpu.memory_space<hbm>>
      %dma_wait3A_494 = arith.constant 0 : i32
      %dma_wait3A_495 = tpu.memref_slice %arg6[%add3A_491, %dma_wait3A_494] : memref<100000x128xf32, #tpu.memory_space<hbm>> -> memref<160x128xf32, #tpu.memory_space<hbm>>
      tpu.wait_dma2 semaphore(%arg20 : memref<!tpu.dma_semaphore, #tpu.memory_space<semaphore_mem>>) src(%arg13 : memref<160x128xf32, #tpu.memory_space<vmem>>) dst(%dma_wait3A_495 : memref<160x128xf32, #tpu.memory_space<hbm>>)
    } else {
    }
    %dma_wait3A_464 = arith.constant 3040 : i32
    %dma_wait3A_465 = tpu.memref_slice %arg10[%dma_wait3A_464] : memref<3200xi32, #tpu.memory_space<vmem>> -> memref<160xi32, #tpu.memory_space<vmem>>
    %dma_wait3A_466 = arith.constant 0 : i32
    %dma_wait3A_467 = arith.constant 0 : i32
    %dma_wait3A_468 = tpu.memref_slice %arg14[%dma_wait3A_466, %dma_wait3A_467] : memref<1280x128xf32, #tpu.memory_space<vmem_shared>> -> memref<1280x128xf32, #tpu.memory_space<vmem_shared>>
    tpu.wait_indirect_dma semaphore(%arg16 : memref<!tpu.dma_semaphore, #tpu.memory_space<semaphore_mem>>) src(%dma_wait3A_468 : memref<1280x128xf32, #tpu.memory_space<vmem_shared>>) dst(%arg12 : memref<160x128xf32, #tpu.memory_space<vmem>>)
    %add3A_469 = arith.constant 3040 : i32
    %add3A_470 = arith.addi %mul3A_2, %add3A_469 : i32
    %lt3A_471 = arith.constant 100000 : i32
    %lt3A_472 = arith.cmpi slt, %add3A_470, %lt3A_471 : i32
    %convert_element_type3A_473 = arith.extui %lt3A_472 : i1 to i32
    %cond3A_474 = arith.constant 0 : i32
    %cond3A_475 = arith.cmpi ne, %convert_element_type3A_473, %cond3A_474 : i32
    scf.if %cond3A_475 {
      %add3A_490 = arith.constant 3040 : i32
      %add3A_491 = arith.addi %mul3A_2, %add3A_490 : i32
      %dma_start3A_492 = arith.constant 0 : i32
      %dma_start3A_493 = tpu.memref_slice %arg6[%add3A_491, %dma_start3A_492] : memref<100000x128xf32, #tpu.memory_space<hbm>> -> memref<160x128xf32, #tpu.memory_space<hbm>>
      %dma_start3A_494 = arith.constant 0 : i32
      %dma_start3A_495 = tpu.memref_slice %arg6[%add3A_491, %dma_start3A_494] : memref<100000x128xf32, #tpu.memory_space<hbm>> -> memref<160x128xf32, #tpu.memory_space<hbm>>
      tpu.enqueue_dma source(%arg12 : memref<160x128xf32, #tpu.memory_space<vmem>>) target(%dma_start3A_495 : memref<160x128xf32, #tpu.memory_space<hbm>>) target_semaphore(%arg19 : memref<!tpu.dma_semaphore, #tpu.memory_space<semaphore_mem>>)
    } else {
    }
    %add3A_476 = arith.constant 2880 : i32
    %add3A_477 = arith.addi %mul3A_2, %add3A_476 : i32
    %lt3A_478 = arith.constant 100000 : i32
    %lt3A_479 = arith.cmpi slt, %add3A_477, %lt3A_478 : i32
    %convert_element_type3A_480 = arith.extui %lt3A_479 : i1 to i32
    %cond3A_481 = arith.constant 0 : i32
    %cond3A_482 = arith.cmpi ne, %convert_element_type3A_480, %cond3A_481 : i32
    scf.if %cond3A_482 {
      %add3A_490 = arith.constant 2880 : i32
      %add3A_491 = arith.addi %mul3A_2, %add3A_490 : i32
      %dma_wait3A_492 = arith.constant 0 : i32
      %dma_wait3A_493 = tpu.memref_slice %arg6[%add3A_491, %dma_wait3A_492] : memref<100000x128xf32, #tpu.memory_space<hbm>> -> memref<160x128xf32, #tpu.memory_space<hbm>>
      %dma_wait3A_494 = arith.constant 0 : i32
      %dma_wait3A_495 = tpu.memref_slice %arg6[%add3A_491, %dma_wait3A_494] : memref<100000x128xf32, #tpu.memory_space<hbm>> -> memref<160x128xf32, #tpu.memory_space<hbm>>
      tpu.wait_dma2 semaphore(%arg18 : memref<!tpu.dma_semaphore, #tpu.memory_space<semaphore_mem>>) src(%arg11 : memref<160x128xf32, #tpu.memory_space<vmem>>) dst(%dma_wait3A_495 : memref<160x128xf32, #tpu.memory_space<hbm>>)
    } else {
    }
    %add3A_483 = arith.constant 3040 : i32
    %add3A_484 = arith.addi %mul3A_2, %add3A_483 : i32
    %lt3A_485 = arith.constant 100000 : i32
    %lt3A_486 = arith.cmpi slt, %add3A_484, %lt3A_485 : i32
    %convert_element_type3A_487 = arith.extui %lt3A_486 : i1 to i32
    %cond3A_488 = arith.constant 0 : i32
    %cond3A_489 = arith.cmpi ne, %convert_element_type3A_487, %cond3A_488 : i32
    scf.if %cond3A_489 {
      %add3A_490 = arith.constant 3040 : i32
      %add3A_491 = arith.addi %mul3A_2, %add3A_490 : i32
      %dma_wait3A_492 = arith.constant 0 : i32
      %dma_wait3A_493 = tpu.memref_slice %arg6[%add3A_491, %dma_wait3A_492] : memref<100000x128xf32, #tpu.memory_space<hbm>> -> memref<160x128xf32, #tpu.memory_space<hbm>>
      %dma_wait3A_494 = arith.constant 0 : i32
      %dma_wait3A_495 = tpu.memref_slice %arg6[%add3A_491, %dma_wait3A_494] : memref<100000x128xf32, #tpu.memory_space<hbm>> -> memref<160x128xf32, #tpu.memory_space<hbm>>
      tpu.wait_dma2 semaphore(%arg19 : memref<!tpu.dma_semaphore, #tpu.memory_space<semaphore_mem>>) src(%arg12 : memref<160x128xf32, #tpu.memory_space<vmem>>) dst(%dma_wait3A_495 : memref<160x128xf32, #tpu.memory_space<hbm>>)
    } else {
    }
    return
  }
}

module attributes {stable_mosaic.version = 14 : i64} {
  func.func @_table_body(%arg0: memref<23x32xf32, #tpu.memory_space<vmem>>, %arg1: memref<5x32xf32, #tpu.memory_space<vmem>>, %arg2: memref<11x32xf32, #tpu.memory_space<vmem>>, %arg3: memref<23x3xf32, #tpu.memory_space<vmem>>, %arg4: memref<32x3xf32, #tpu.memory_space<vmem>>, %arg5: memref<32xf32, #tpu.memory_space<vmem>>, %arg6: memref<128x128xf32, #tpu.memory_space<vmem>>, %arg7: memref<128xf32, #tpu.memory_space<vmem>>, %arg8: memref<1280x128xf32, #tpu.memory_space<vmem>>) attributes {dimension_semantics = [], scalar_prefetch = 0 : i64, scratch_operands = 0 : i64, tpu.core_type = #tpu.core_type<tc>} {
    %get3A = arith.constant 0 : index
    %get3A_0 = arith.constant 0 : index
    %get3A_1 = vector.load %arg6[%get3A, %get3A_0] : memref<128x128xf32, #tpu.memory_space<vmem>>, vector<128x128xf32>
    %slice3A = vector.extract_strided_slice %get3A_1 {offsets = [0, 0], sizes = [128, 32], strides = [1, 1]} : vector<128x128xf32> to vector<128x32xf32>
    %slice3A_2 = vector.extract_strided_slice %get3A_1 {offsets = [0, 32], sizes = [128, 32], strides = [1, 1]} : vector<128x128xf32> to vector<128x32xf32>
    %slice3A_3 = vector.extract_strided_slice %get3A_1 {offsets = [0, 64], sizes = [128, 32], strides = [1, 1]} : vector<128x128xf32> to vector<128x32xf32>
    %slice3A_4 = vector.extract_strided_slice %get3A_1 {offsets = [0, 96], sizes = [128, 32], strides = [1, 1]} : vector<128x128xf32> to vector<128x32xf32>
    %get3A_5 = arith.constant 0 : index
    %get3A_6 = arith.constant 0 : index
    %get3A_7 = vector.load %arg3[%get3A_5, %get3A_6] : memref<23x3xf32, #tpu.memory_space<vmem>>, vector<23x3xf32>
    %get3A_8 = arith.constant 0 : index
    %get3A_9 = arith.constant 0 : index
    %get3A_10 = vector.load %arg4[%get3A_8, %get3A_9] : memref<32x3xf32, #tpu.memory_space<vmem>>, vector<32x3xf32>
    %transpose3A = tpu.transpose %get3A_10, [1, 0] : vector<32x3xf32> -> vector<3x32xf32>
    %dot_general3A = arith.constant dense<0.000000e+00> : vector<23x32xf32>
    %dot_general3A_11 = tpu.matmul %get3A_7, %transpose3A, %dot_general3A {dimension_numbers = #tpu.dot_dimension_numbers<[1], [0], [0], [1], [0, 0, 1, 1], [], []>, transpose_lhs_hint = false} : vector<23x3xf32>, vector<3x32xf32>, vector<23x32xf32> -> vector<23x32xf32>
    %get3A_12 = arith.constant 0 : index
    %get3A_13 = vector.load %arg5[%get3A_12] : memref<32xf32, #tpu.memory_space<vmem>>, vector<32xf32>
    %reshape3A = vector.shape_cast %get3A_13 : vector<32xf32> to vector<1x32xf32>
    %add3A = vector.broadcast %reshape3A : vector<1x32xf32> to vector<23x32xf32>
    %add3A_14 = arith.addf %dot_general3A_11, %add3A : vector<23x32xf32>
    %get3A_15 = arith.constant 0 : index
    %get3A_16 = arith.constant 0 : index
    %get3A_17 = vector.load %arg0[%get3A_15, %get3A_16] : memref<23x32xf32, #tpu.memory_space<vmem>>, vector<23x32xf32>
    %transpose3A_18 = tpu.transpose %slice3A, [1, 0] : vector<128x32xf32> -> vector<32x128xf32>
    %dot_general3A_19 = arith.constant dense<0.000000e+00> : vector<23x128xf32>
    %dot_general3A_20 = tpu.matmul %get3A_17, %transpose3A_18, %dot_general3A_19 {dimension_numbers = #tpu.dot_dimension_numbers<[1], [0], [0], [1], [0, 0, 1, 1], [], []>, transpose_lhs_hint = false} : vector<23x32xf32>, vector<32x128xf32>, vector<23x128xf32> -> vector<23x128xf32>
    %transpose3A_21 = tpu.transpose %slice3A_2, [1, 0] : vector<128x32xf32> -> vector<32x128xf32>
    %dot_general3A_22 = arith.constant dense<0.000000e+00> : vector<23x128xf32>
    %dot_general3A_23 = tpu.matmul %add3A_14, %transpose3A_21, %dot_general3A_22 {dimension_numbers = #tpu.dot_dimension_numbers<[1], [0], [0], [1], [0, 0, 1, 1], [], []>, transpose_lhs_hint = false} : vector<23x32xf32>, vector<32x128xf32>, vector<23x128xf32> -> vector<23x128xf32>
    %add3A_24 = arith.addf %dot_general3A_20, %dot_general3A_23 : vector<23x128xf32>
    %get3A_25 = arith.constant 0 : index
    %get3A_26 = vector.load %arg7[%get3A_25] : memref<128xf32, #tpu.memory_space<vmem>>, vector<128xf32>
    %reshape3A_27 = vector.shape_cast %get3A_26 : vector<128xf32> to vector<1x128xf32>
    %add3A_28 = vector.broadcast %reshape3A_27 : vector<1x128xf32> to vector<23x128xf32>
    %add3A_29 = arith.addf %add3A_24, %add3A_28 : vector<23x128xf32>
    %get3A_30 = arith.constant 0 : index
    %get3A_31 = arith.constant 0 : index
    %get3A_32 = vector.load %arg1[%get3A_30, %get3A_31] : memref<5x32xf32, #tpu.memory_space<vmem>>, vector<5x32xf32>
    %transpose3A_33 = tpu.transpose %slice3A_3, [1, 0] : vector<128x32xf32> -> vector<32x128xf32>
    %dot_general3A_34 = arith.constant dense<0.000000e+00> : vector<5x128xf32>
    %dot_general3A_35 = tpu.matmul %get3A_32, %transpose3A_33, %dot_general3A_34 {dimension_numbers = #tpu.dot_dimension_numbers<[1], [0], [0], [1], [0, 0, 1, 1], [], []>, transpose_lhs_hint = false} : vector<5x32xf32>, vector<32x128xf32>, vector<5x128xf32> -> vector<5x128xf32>
    %get3A_36 = arith.constant 0 : index
    %get3A_37 = arith.constant 0 : index
    %get3A_38 = vector.load %arg2[%get3A_36, %get3A_37] : memref<11x32xf32, #tpu.memory_space<vmem>>, vector<11x32xf32>
    %transpose3A_39 = tpu.transpose %slice3A_4, [1, 0] : vector<128x32xf32> -> vector<32x128xf32>
    %dot_general3A_40 = arith.constant dense<0.000000e+00> : vector<11x128xf32>
    %dot_general3A_41 = tpu.matmul %get3A_38, %transpose3A_39, %dot_general3A_40 {dimension_numbers = #tpu.dot_dimension_numbers<[1], [0], [0], [1], [0, 0, 1, 1], [], []>, transpose_lhs_hint = false} : vector<11x32xf32>, vector<32x128xf32>, vector<11x128xf32> -> vector<11x128xf32>
    %broadcast_in_dim3A = vector.shape_cast %add3A_29 : vector<23x128xf32> to vector<23x1x128xf32>
    %broadcast_in_dim3A_42 = vector.shape_cast %broadcast_in_dim3A : vector<23x1x128xf32> to vector<23x1x128xf32>
    %broadcast_in_dim3A_43 = vector.broadcast %broadcast_in_dim3A_42 : vector<23x1x128xf32> to vector<23x55x128xf32>
    %broadcast_in_dim3A_44 = vector.shape_cast %dot_general3A_35 : vector<5x128xf32> to vector<5x1x128xf32>
    %broadcast_in_dim3A_45 = vector.shape_cast %broadcast_in_dim3A_44 : vector<5x1x128xf32> to vector<5x1x128xf32>
    %broadcast_in_dim3A_46 = vector.broadcast %broadcast_in_dim3A_45 : vector<5x1x128xf32> to vector<5x11x128xf32>
    %reshape3A_47 = vector.shape_cast %broadcast_in_dim3A_46 : vector<5x11x128xf32> to vector<55x128xf32>
    %broadcast_in_dim3A_48 = vector.shape_cast %dot_general3A_41 : vector<11x128xf32> to vector<1x11x128xf32>
    %broadcast_in_dim3A_49 = vector.shape_cast %broadcast_in_dim3A_48 : vector<1x11x128xf32> to vector<1x11x128xf32>
    %broadcast_in_dim3A_50 = vector.broadcast %broadcast_in_dim3A_49 : vector<1x11x128xf32> to vector<5x11x128xf32>
    %reshape3A_51 = vector.shape_cast %broadcast_in_dim3A_50 : vector<5x11x128xf32> to vector<55x128xf32>
    %add3A_52 = arith.addf %reshape3A_47, %reshape3A_51 : vector<55x128xf32>
    %broadcast_in_dim3A_53 = vector.shape_cast %add3A_52 : vector<55x128xf32> to vector<1x55x128xf32>
    %add3A_54 = vector.broadcast %broadcast_in_dim3A_53 : vector<1x55x128xf32> to vector<23x55x128xf32>
    %add3A_55 = arith.addf %broadcast_in_dim3A_43, %add3A_54 : vector<23x55x128xf32>
    %reshape3A_56 = vector.shape_cast %add3A_55 : vector<23x55x128xf32> to vector<1265x128xf32>
    %broadcast_in_dim3A_57 = arith.constant 0.000000e+00 : f32
    %broadcast_in_dim3A_58 = vector.broadcast %broadcast_in_dim3A_57 : f32 to vector<15x128xf32>
    %concatenate3A = tpu.concatenate %reshape3A_56, %broadcast_in_dim3A_58 in 0 : vector<1265x128xf32>, vector<15x128xf32> -> vector<1280x128xf32>
    %swap3A = arith.constant 0 : index
    %swap3A_59 = arith.constant 0 : index
    %swap3A_60 = vector.load %arg8[%swap3A, %swap3A_59] : memref<1280x128xf32, #tpu.memory_space<vmem>>, vector<1280x128xf32>
    tpu.vector_store %arg8[%swap3A, %swap3A_59], %concatenate3A {strides = array<i32>} : memref<1280x128xf32, #tpu.memory_space<vmem>>, vector<1280x128xf32>,
    return
  }
}

</mosaic_0001>

<sc_bundles>
// kernel: kernel.4.cloned.1.call-start
scs
__scs_entry_jumppad:
0x0: {  	(pc) =	sbr.rel $0x88, $3  }
0x1: {  	(tag) =	ssettag $0x0;
	lr =	simm.s32 $0x1  }
0x2: {  	[smem:$0x3F97] =	sst lr;
	_ =	strace $0xD0000000  }
0x3: {  	_ = 	snop  }
0x4: {  	_ = 	snop  }
0x5: {  	_ = 	snop  }
0x6: {  	_ = 	snop  }
0x7: {  	_ = 	snop  }
__scs_overlays_trampoline_lowered:
0x8: {  	[smem:$0x3FA6] =	sst s0  }
0x9: {  	[smem:$0x3FA7] =	sst s1  }
0xa: {  	[smem:$0x3FA8] =	sst s2  }
0xb: {  	[smem:$0x3FA9] =	sst s3  }
0xc: {  	[smem:$0x3FAA] =	sst s4  }
0xd: {  	[smem:$0x3FAB] =	sst s5  }
0xe: {  	[smem:$0x3FAC] =	sst s6  }
0xf: {  	[smem:$0x3FAD] =	sst s7  }
0x10: {  	[smem:$0x3FAE] =	sst s8  }
0x11: {  	[smem:$0x3FAF] =	sst s9;
	s0 =	simm.s32 @!p0 $0x0  }
0x12: {  	s1 =	sld [smem:$0x3F95];
	s0 =	simm.s32 @p0 $0x1  }
0x13: {  	[smem:$0x3FB0] =	sst s0;
	s0 =	simm.s32 @!p1 $0x0  }
0x14: {  	s2 =	sld [smem:$0x3F94];
	s0 =	simm.s32 @p1 $0x1  }
0x15: {  	[smem:$0x3FB1] =	sst s0;
	s0 =	simm.s32 @!p2 $0x0  }
0x16: {  	s3 =	sld [smem:$0x3FDB];
	s0 =	simm.s32 @p2 $0x1  }
0x17: {  	s4 =	simm.s32 $0x1BF5;
	[smem:$0x3FB3] =	sst s0  }
0x18: {  	s0 =	sld [smem:$0x3F96];
	_ =	swait.ge [sflag:s4], $0x0  }
0x19: {  	s7 =	sld [smem:$0x3F97]  }
0x1a: {  	s8 =	sadd.s32 $0xFFFFE003, lr  }
0x1b: {  	s9 =	sadd.s32 $0xFFFFFEF7, lr;
	s5 =	simm.s32 $0xFFFFFFFF;
	p2 =	slt.u32 s8, $0xFFFFF086  }
0x1c: {  	p1 =	slt.u32 s9, $0xF7A;
	s5 =	simm.s32 @!p2 $0x0  }
0x1d: {  	s5 =	simm.s32 @p1 $0x1;
	p0 =	seq.s32 s7, s2  }
0x1e: {  	s7 =	smul.u32 @!p0 $0xF7A, s2;
	p2 =	seq.s32 @!p0 s5, $0x0  }
0x1f: {  	s9 =	smul.u32 $0xF7A, s1;
	s8 =	simm.s32 @!p0 $0x1BF5;
	p2 =	por !p2, p0  }
0x20: {  	[sflag:s8] =	ssyncset.s32 @!p0 $0xFFFFF086;
	s6 =	sadd.s32 @!p0 s3, s7;
	s7 =	simm.s32 @!p0 $0x108  }
0x21: {  	s3 =	sadd.s32 s3, s9;
	s6 =	sadd.s32 @!p0 $0x88, s6;
	s7 =	simm.s32 @p2 $0x1082  }
0x22: {  	[simem:s7], [sflag:s8] =	dma.local @!p0 [hbm:s6], $0xF7A  }
0x23: {  	s9 =	sor.u32 $0xD0000000, s2;
	s6 =	simm.s32 $0x108;
	_ =	swait.ge @!p0 [sflag:s8], $0x0  }
0x24: {  	s3 =	sadd.s32 $0x88, s3;
	s6 =	simm.s32 @!p1 $0x1082;
	[sflag:s4] =	ssyncset.s32 $0xFFFFF086  }
0x25: {  	[simem:s6], [sflag:s4] =	dma.local [hbm:s3], $0xF7A  }
0x26: {  	[smem:$0x3F97] =	sst s1;
	(tag) =	ssettag s2;
	_ =	strace s9  }
0x27: {  	s1 =	sld [smem:$0x3FA7]  }
0x28: {  	s2 =	sld [smem:$0x3FA8]  }
0x29: {  	s4 =	sld [smem:$0x3FAA]  }
0x2a: {  	p0 =	seq.s32 s5, $0x0;
	s5 =	sld [smem:$0x3FAB]  }
0x2b: {  	s6 =	sld [smem:$0x3FAC]  }
0x2c: {  	s7 =	sld [smem:$0x3FAD]  }
0x2d: {  	s3 =	simm.s32 $0x108;
	s8 =	sld [smem:$0x3FAE]  }
0x2e: {  	s3 =	simm.s32 @!p0 $0x1082;
	s9 =	sld [smem:$0x3FAF]  }
0x2f: {  	lr =	sadd.s32 s0, s3;
	s0 =	sld [smem:$0x3FA6]  }
0x30: {  	s3 =	sld [smem:$0x3FA9]  }
0x31: {  	[smem:$0x3FB2] =	sst s10  }
0x32: {  	s10 =	sld [smem:$0x3FB0];
	_ =	sdelay $0x3  }
0x33: {  	p0 =	seq.s32 s10, $0x1;
	s10 =	sld [smem:$0x3FB2];
	_ =	sdelay $0x3  }
0x34: {  	[smem:$0x3FB2] =	sst s10  }
0x35: {  	s10 =	sld [smem:$0x3FB1];
	_ =	sdelay $0x3  }
0x36: {  	p1 =	seq.s32 s10, $0x1;
	s10 =	sld [smem:$0x3FB2];
	_ =	sdelay $0x3  }
0x37: {  	[smem:$0x3FB2] =	sst s10  }
0x38: {  	s10 =	sld [smem:$0x3FB3]  }
0x39: {  	_ = 	snop;
	(pc) =	sbr.ind lr, $3  }
0x3a: {  	_ = 	snop  }
0x3b: {  	_ = 	snop  }
0x3c: {  	p2 =	seq.s32 s10, $0x1;
	s10 =	sld [smem:$0x3FB2]  }
0x3d: {  	_ =	shalt  }
0x3e: {  	_ =	shalt  }
0x3f: {  	_ =	shalt  }
0x40: {  	_ =	shalt  }
0x41: {  	_ =	shalt  }
0x42: {  	_ =	shalt  }
0x43: {  	_ =	shalt  }
0x44: {  	_ =	shalt  }
0x45: {  	_ =	shalt  }
0x46: {  	_ =	shalt  }
0x47: {  	_ =	shalt  }
0x48: {  	_ =	shalt  }
0x49: {  	_ =	shalt  }
0x4a: {  	_ =	shalt  }
0x4b: {  	_ =	shalt  }
0x4c: {  	_ =	shalt  }
0x4d: {  	_ =	shalt  }
0x4e: {  	_ =	shalt  }
0x4f: {  	_ =	shalt  }
0x50: {  	_ =	shalt  }
0x51: {  	_ =	shalt  }
0x52: {  	_ =	shalt  }
0x53: {  	_ =	shalt  }
0x54: {  	_ =	shalt  }
0x55: {  	_ =	shalt  }
0x56: {  	_ =	shalt  }
0x57: {  	_ =	shalt  }
0x58: {  	_ =	shalt  }
0x59: {  	_ =	shalt  }
0x5a: {  	_ =	shalt  }
0x5b: {  	_ =	shalt  }
0x5c: {  	_ =	shalt  }
0x5d: {  	_ =	shalt  }
0x5e: {  	_ =	shalt  }
0x5f: {  	_ =	shalt  }
0x60: {  	_ =	shalt  }
0x61: {  	_ =	shalt  }
0x62: {  	_ =	shalt  }
0x63: {  	_ =	shalt  }
0x64: {  	_ =	shalt  }
0x65: {  	_ =	shalt  }
0x66: {  	_ =	shalt  }
0x67: {  	_ =	shalt  }
0x68: {  	_ =	shalt  }
0x69: {  	_ =	shalt  }
0x6a: {  	_ =	shalt  }
0x6b: {  	_ =	shalt  }
0x6c: {  	_ =	shalt  }
0x6d: {  	_ =	shalt  }
0x6e: {  	_ =	shalt  }
0x6f: {  	_ =	shalt  }
0x70: {  	_ =	shalt  }
0x71: {  	_ =	shalt  }
0x72: {  	_ =	shalt  }
0x73: {  	_ =	shalt  }
0x74: {  	_ =	shalt  }
0x75: {  	_ =	shalt  }
0x76: {  	_ =	shalt  }
0x77: {  	_ =	shalt  }
0x78: {  	_ =	shalt  }
0x79: {  	_ =	shalt  }
0x7a: {  	_ =	shalt  }
0x7b: {  	_ =	shalt  }
0x7c: {  	_ =	shalt  }
0x7d: {  	_ =	shalt  }
0x7e: {  	_ =	shalt  }
0x7f: {  	_ =	shalt  }
0x80: {  	_ =	shalt  }
0x81: {  	_ =	shalt  }
0x82: {  	_ =	shalt  }
0x83: {  	_ =	shalt  }
0x84: {  	_ =	shalt  }
0x85: {  	_ =	shalt  }
0x86: {  	_ =	shalt  }
0x87: {  	_ =	shalt  }
.Lfunc_end0:
.L_simem_size_0:
called_computation_lowered:
.L_overlay_start_0:
0x88: {  	s2 =	sld [smem:$0x3FD9]  }
0x89: {  	s3 =	sld [smem:$0x3FFE];
	_ =	sdelay $0x1  }
0x8a: {  	s1 =	srdreg.scid  }
0x8b: {  	s0 =	sand.u32 $0x1, s1  }
0x8c: {  	s17 =	sshll.u32 s0, $0xA;
	s2 =	sadd.s32 s3, s2  }
0x8d: {  	s2 =	sadd.s32 s2, s17  }
0x8e: {  	[smem:$0x3FBE] =	sst s2  }
0x8f: {  	_ = 	snop  }
0x90: {  	s2 =	sld [smem:$0x3FC9]  }
0x91: {  	s18 =	sld [smem:$0x3FC8]  }
0x92: {  	s4 =	sld [smem:$0x3FC7]  }
0x93: {  	s5 =	sld [smem:$0x3FD0];
	(tm) =	ssettm $0x1  }
0x94: {  	s6 =	sld [smem:$0x3FFB];
	_ =	sdelay $0x3  }
0x95: {  	_ =	strace s6  }
0x96: {  	s6 =	sld [smem:$0x3FFC];
	_ =	sdelay $0x3  }
0x97: {  	_ =	strace s6  }
0x98: {  	s6 =	sld [smem:$0x3FFD];
	_ =	sdelay $0x3  }
0x99: {  	_ =	strace s6  }
0x9a: {  	_ =	strace $0x8FFFFFFF  }
0x9b: {  	s19 =	sld [smem:$0x3FDB];
	_ =	sdelay $0x1  }
0x9c: {  	s7 =	simm.s32 $_scs_section_size  }
0x9d: {  	s8 =	simm.s32 $_size__tile_overlayer_lowered;
	s9 =	simm.s32 $_tile_overlayer_lowered  }
0x9e: {  	s22 =	simm.s32 $0x1BFF;
	s21 =	sshll.u32 s9, $0x1;
	s6 =	sadd.s32 s7, s19  }
0x9f: {  	s10 =	simm.s32 $0x0;
	s20 =	sshll.u32 s8, $0x1;
	s8 =	sadd.s32 s21, s6  }
0xa0: {  	[timem:s10], [sflag:s22] =	dma.local [hbm:s8], s20  }
0xa1: {  	_ =	swait.ge [sflag:s22], s20  }
0xa2: {  	s7 =	ssub.s32 $0x0, s20;
	[sflag:s22] =	ssyncset.done $0x0  }
0xa3: {  	[sflag:s22] =	ssyncadd.s32 s7;
	_ =	sdelay $0x1  }
0xa4: {  	s23 =	simm.s32 $0x1B8B  }
0xa5: {  	_ =	swait.ge [sflag:s23], $0x1  }
0xa6: {  	[sflag:s23] =	ssyncset.done $0x0  }
0xa7: {  	s25 =	simm.s32 $0x1B8E;
	s24 =	sld [smem:$0x3FFE];
	[sflag:s23] =	ssyncadd.s32 $0xFFFFFFFF  }
0xa8: {  	s26 =	simm.s32 $execute0_lowered;
	[smem:$0x3FD2] =	sst s25  }
0xa9: {  	s8 =	sshll.u32 s26, $0x1;
	_ =	strace $0x80000046;
	[dreg:$0x1] =	wrdreg $0xFFFFFFFF  }
0xaa: {  	s28 =	simm.s32 $_size_execute0_lowered;
	s6 =	sadd.s32 s6, s8;
	[dreg:$0x0] =	wrdreg $0x0  }
0xab: {  	s8 =	sshll.u32 s28, $0x1;
	[dreg:$0x2] =	wrdreg s6  }
0xac: {  	[dreg:$0x3] =	wrdreg s8  }
0xad: {  	[dreg:$0x4] =	wrdreg $0xC0  }
0xae: {  	_ =	task [dreg:s10], $0x5FFFF  }
0xaf: {  	[dreg:$0x1] =	wrdreg $0xFFFFFFFF  }
0xb0: {  	[dreg:$0x0] =	wrdreg $0x60  }
0xb1: {  	[dreg:$0x2] =	wrdreg s24  }
0xb2: {  	[dreg:$0x3] =	wrdreg s2  }
0xb3: {  	[dreg:$0x4] =	wrdreg s18  }
0xb4: {  	[dreg:$0x5] =	wrdreg s4  }
0xb5: {  	[dreg:$0x6] =	wrdreg s5  }
0xb6: {  	[dreg:$0x7] =	wrdreg $0x122000  }
0xb7: {  	[dreg:$0x8] =	wrdreg $0x9  }
0xb8: {  	_ =	task.clear_ibuf [dreg:s10], $0x9FFFF;
	_ =	strace $0x90000046  }
0xb9: {  	s29 =	simm.s32 $0x9;
	_ =	strace $0x80000048  }
0xba: {  	_ =	swait.ge [sflag:s29], $0x1  }
0xbb: {  	[sflag:s29] =	ssyncadd.s32 $0xFFFFFFFF  }
0xbc: {  	_ =	strace $0x90000048  }
0xbd: {  	_ =	sfence  }
0xbe: {  	s30 =	sld [smem:$0x0];
	_ =	sdelay $0x2  }
0xbf: {  	s31 =	sshll.u32 s1, $0xD;
	s1 =	sshrl.u32 s1, $0x2  }
0xc0: {  	s3 =	sand.u32 $0x4000, s31;
	s1 =	sadd.s32 s1, s30  }
0xc1: {  	s0 =	sor.u32 s3, s0;
	s1 =	sshll.u32 s1, $0x11  }
0xc2: {  	s0 =	sor.u32 s1, s0  }
0xc3: {  	s0 =	sadd.s32 $0x8F2B, s0  }
0xc4: {  	[sflag:s0] =	ssyncadd.remote.s32 $0x1  }
0xc5: {  	_ =	sfence.sel $0xFFFF  }
0xc6: {  	[dreg:$0x0] =	wrdreg $0xFFFFFFFF;
	(pc) =	sbr.abs _section_cstart, $3  }
0xc7: {  	[dreg:$0x1] =	wrdreg $0xFFFFFFFF  }
0xc8: {  	_ =	task.clear_ibuf [dreg:s10], $0x2FFFF;
	_ =	strace $0x9FFFFFFF  }
0xc9: {  	(tm) =	ssettm $0x7FFFFFFF  }
tec
execute0_lowered:
.L_overlay_start_1:
0x0: {  	(tag) =	ssettag $0x1  }
0x1: {  	s0 =	rddreg [dreg:$0x0]  }
0x2: {  	s1 =	rddreg [dreg:$0x1]  }
0x3: {  	s4 =	rddreg [dreg:$0x2]  }
0x4: {  	s5 =	rddreg [dreg:$0x3]  }
0x5: {  	s6 =	rddreg [dreg:$0x4]  }
0x6: {  	s2 =	rddreg [dreg:$0x5];
	s12 =	stileid.u32  }
0x7: {  	s3 =	simm.s32 $0x0;
	s8 =	srdreg.scid;
	s7 =	smul.u32 $0x500, s12  }
0x8: {  	[smem:$0x7FF] =	sst s3;
	s8 =	sand.u32 $0x1, s8;
	s10 =	sshll.u32 s12, $0x1  }
0x9: {  	s25 =	ssub.s32 $0x2, s8;
	s8 =	sor.u32 s8, s10;
	s0 =	sadd.s32 s7, s0  }
0xa: {  	s26 =	sshll.u32 s12, $0x6;
	s10 =	smul.u32 $0x190, s8;
	s0 =	sadd.s32 $0x1400, s0  }
0xb: {  	_ =	strace $0x80000047;
	[dreg:$0x7] =	wrdreg s0;
	s0 =	sor.u32 $0x1C07, s26  }
0xc: {  	s29 =	sadd.s32 s1, s10;
	[dreg:$0x8] =	wrdreg s0  }
0xd: {  	s9 =	smul.u32 $0xA000, s12;
	s30 =	sadd.s32 s4, s10;
	[dreg:$0x9] =	wrdreg s29  }
0xe: {  	s11 =	sshrl.u32 s25, $0x1;
	s31 =	sadd.s32 s5, s10;
	[dreg:$0xa] =	wrdreg s30  }
0xf: {  	s9 =	sshrl.u32 s9, $0x2;
	s1 =	sadd.s32 $0x3070, s1;
	[dreg:$0xb] =	wrdreg s31  }
0x10: {  	s28 =	smul.u32 $0xC800, s8;
	s4 =	sadd.s32 $0x3070, s4;
	[dreg:$0xc] =	wrdreg s1  }
0x11: {  	s7 =	ssub.s32 s25, s11;
	s5 =	sadd.s32 $0x3070, s5;
	[dreg:$0xd] =	wrdreg s4  }
0x12: {  	s9 =	sadd.s32 s9, s2;
	s21 =	smax.u32 s7, $0x1;
	[dreg:$0xe] =	wrdreg s5  }
0x13: {  	s10 =	sadd.s32 s6, s28;
	s22 =	sshrl.u32 s9, $0x3;
	[dreg:$0x1a] =	wrdreg s21  }
0x14: {  	s6 =	sadd.s32 $0xA00, s10;
	[dreg:$0x1b] =	wrdreg s22  }
0x15: {  	s11 =	sadd.s32 $0x1400, s10;
	[dreg:$0xf] =	wrdreg s6  }
0x16: {  	s12 =	sadd.s32 $0x1E00, s10;
	[dreg:$0x10] =	wrdreg s11  }
0x17: {  	s13 =	sadd.s32 $0x2800, s10;
	[dreg:$0x11] =	wrdreg s12  }
0x18: {  	s14 =	sadd.s32 $0x3200, s10;
	[dreg:$0x12] =	wrdreg s13  }
0x19: {  	s15 =	sadd.s32 $0x3C00, s10;
	[dreg:$0x13] =	wrdreg s14  }
0x1a: {  	s16 =	sadd.s32 $0x4600, s10;
	[dreg:$0x14] =	wrdreg s15  }
0x1b: {  	s17 =	sadd.s32 $0x5000, s10;
	[dreg:$0x15] =	wrdreg s16  }
0x1c: {  	s18 =	sadd.s32 $0x5A00, s10;
	[dreg:$0x16] =	wrdreg s17  }
0x1d: {  	s19 =	sadd.s32 $0x6400, s10;
	[dreg:$0x17] =	wrdreg s18  }
0x1e: {  	s20 =	sadd.s32 $0x6E00, s10;
	[dreg:$0x18] =	wrdreg s19  }
0x1f: {  	s23 =	sadd.s32 $0x7800, s10;
	[dreg:$0x19] =	wrdreg s20  }
0x20: {  	s24 =	sadd.s32 $0x8200, s10;
	[dreg:$0x1c] =	wrdreg s23  }
0x21: {  	p0 =	seq.s32 s8, $0x1F;
	s25 =	sadd.s32 $0x8C00, s10;
	[dreg:$0x1d] =	wrdreg s24  }
0x22: {  	s8 =	simm.s32 $0x2;
	s26 =	sadd.s32 $0x9600, s10;
	[dreg:$0x1e] =	wrdreg s25  }
0x23: {  	s9 =	simm.s32 $0xA0;
	s28 =	sadd.s32 $0xA000, s10;
	[dreg:$0x1f] =	wrdreg s26  }
.Ltmp0:
0x24: {  	s29 =	sadd.s32 $0xAA00, s10;
	[smem:$0x7FA] =	sst s28;
	(pc) =	sbr.rel .LBB2_1-.Ltmp0, $4  }
0x25: {  	s30 =	sadd.s32 $0xB400, s10;
	s31 =	sadd.s32 $0xBE00, s10;
	[smem:$0x7FB] =	sst s29  }
0x26: {  	s4 =	simm.s32 $0x1;
	s5 =	simm.s32 $0xD200;
	[smem:$0x7FC] =	sst s30  }
0x27: {  	[smem:$0x7FD] =	sst s31;
	s11 =	simm.s32 $0x3200;
	s12 =	simm.s32 $0x8200  }
0x28: {  	v0 =	vimm.s32 $0x0;
	s13 =	simm.s32 $0x4;
	s14 =	simm.s32 $0x3;
	s17 =	simm.s32 $0x0  }
.LBB2_9:
0x29: {  	[tilespmem:s1+$0x2580] =	vst v0  }
.LBB2_10:
0x2a: {  	s0 =	simm.s32 $0x2620  }
0x2b: {  	[tilespmem:s12], [sflag:$0x2] =	stream.indirect.gather [spmem:s2], $0x80, s0, s9, $0xb8;
	[tilespmem:$0x14A00] =	vst v63  }
0x2c: {  	_ =	swait.ge [sflag:s4], $0x5000  }
0x2d: {  	[sflag:s4] =	ssyncset.done $0x0  }
0x2e: {  	[sflag:s4] =	ssyncadd.s32 $0xFFFFB000  }
0x2f: {  	[hbm4b:s10+s3] =	stream.linear.scatter [tilespmem:s11], [sflag:$0x4], $0x5000, $0x38;
	[tilespmem:$0x14A00] =	vst v63  }
0x30: {  	s18 =	simm.s32 $0x26C0  }
0x31: {  	[tilespmem:s5], [sflag:$0x3] =	stream.indirect.gather [spmem:s2], $0x80, s18, s9, $0xb8;
	[tilespmem:$0x14A00] =	vst v63  }
0x32: {  	_ =	swait.ge [sflag:s8], $0x5000  }
0x33: {  	[sflag:s8] =	ssyncset.done $0x0  }
0x34: {  	s19 =	rddreg [dreg:$0xf];
	[sflag:s8] =	ssyncadd.s32 $0xFFFFB000  }
0x35: {  	[hbm4b:s19+s3] =	stream.linear.scatter [tilespmem:s12], [sflag:$0x5], $0x5000, $0x38;
	[tilespmem:$0x14A00] =	vst v63  }
0x36: {  	_ =	swait.ge [sflag:s13], $0x5000  }
0x37: {  	[sflag:s13] =	ssyncset.done $0x0  }
0x38: {  	s20 =	simm.s32 $0x2760;
	[sflag:s13] =	ssyncadd.s32 $0xFFFFB000  }
0x39: {  	[tilespmem:s11], [sflag:$0x1] =	stream.indirect.gather [spmem:s2], $0x80, s20, s9, $0xb8;
	[tilespmem:$0x14A00] =	vst v63  }
0x3a: {  	_ =	swait.ge [sflag:s14], $0x5000  }
0x3b: {  	[sflag:s14] =	ssyncset.done $0x0  }
0x3c: {  	s22 =	simm.s32 $0x5;
	s21 =	rddreg [dreg:$0x10];
	[sflag:s14] =	ssyncadd.s32 $0xFFFFB000  }
0x3d: {  	[hbm4b:s21+s3] =	stream.linear.scatter [tilespmem:s5], [sflag:$0x6], $0x5000, $0x38;
	[tilespmem:$0x14A00] =	vst v63  }
0x3e: {  	_ =	swait.ge [sflag:s22], $0x5000  }
0x3f: {  	[sflag:s22] =	ssyncset.done $0x0  }
0x40: {  	s23 =	simm.s32 $0x2800;
	[sflag:s22] =	ssyncadd.s32 $0xFFFFB000  }
0x41: {  	[tilespmem:s12], [sflag:$0x2] =	stream.indirect.gather [spmem:s2], $0x80, s23, s9, $0xb8;
	[tilespmem:$0x14A00] =	vst v63  }
0x42: {  	_ =	swait.ge [sflag:s4], $0x5000  }
0x43: {  	[sflag:s4] =	ssyncset.done $0x0  }
0x44: {  	s25 =	simm.s32 $0x6;
	s24 =	rddreg [dreg:$0x11];
	[sflag:s4] =	ssyncadd.s32 $0xFFFFB000  }
0x45: {  	[hbm4b:s24+s3] =	stream.linear.scatter [tilespmem:s11], [sflag:$0x4], $0x5000, $0x38;
	[tilespmem:$0x14A00] =	vst v63  }
0x46: {  	_ =	swait.ge [sflag:s25], $0x5000  }
0x47: {  	[sflag:s25] =	ssyncset.done $0x0  }
0x48: {  	s26 =	simm.s32 $0x28A0;
	[sflag:s25] =	ssyncadd.s32 $0xFFFFB000  }
0x49: {  	[tilespmem:s5], [sflag:$0x3] =	stream.indirect.gather [spmem:s2], $0x80, s26, s9, $0xb8;
	[tilespmem:$0x14A00] =	vst v63  }
0x4a: {  	_ =	swait.ge [sflag:s8], $0x5000  }
0x4b: {  	[sflag:s8] =	ssyncset.done $0x0  }
0x4c: {  	s28 =	rddreg [dreg:$0x12];
	[sflag:s8] =	ssyncadd.s32 $0xFFFFB000  }
0x4d: {  	[hbm4b:s28+s3] =	stream.linear.scatter [tilespmem:s12], [sflag:$0x5], $0x5000, $0x38;
	[tilespmem:$0x14A00] =	vst v63  }
0x4e: {  	_ =	swait.ge [sflag:s13], $0x5000  }
0x4f: {  	[sflag:s13] =	ssyncset.done $0x0  }
0x50: {  	s29 =	simm.s32 $0x2940;
	[sflag:s13] =	ssyncadd.s32 $0xFFFFB000  }
0x51: {  	[tilespmem:s11], [sflag:$0x1] =	stream.indirect.gather [spmem:s2], $0x80, s29, s9, $0xb8;
	[tilespmem:$0x14A00] =	vst v63  }
0x52: {  	_ =	swait.ge [sflag:s14], $0x5000  }
0x53: {  	[sflag:s14] =	ssyncset.done $0x0  }
0x54: {  	s0 =	simm.s32 @p0 $0x5;
	[sflag:s14] =	ssyncadd.s32 $0xFFFFB000  }
0x55: {  	_ =	swait.ge @p0 [sflag:s0], $0x5000  }
0x56: {  	s18 =	simm.s32 @!p0 $0x5;
	s21 =	simm.s32 @p0 $0xA0;
	[sflag:s0] =	ssyncset.done @p0 $0x0  }
0x57: {  	s22 =	simm.s32 @p0 $0x8200;
	[sflag:s0] =	ssyncadd.s32 @p0 $0xFFFFB000;
	s0 =	simm.s32 @p0 $0x29E0  }
0x58: {  	[tilespmem:s22], [sflag:$0x2] =	stream.indirect.gather @p0 [spmem:s2], $0x80, s0, s21, $0xb8;
	[tilespmem:$0x14A00] =	vst v63  }
0x59: {  	s19 =	simm.s32 @!p0 $0x0;
	s23 =	simm.s32 @!p0 $0xD200;
	s0 =	rddreg [dreg:$0x13]  }
0x5a: {  	[hbm4b:s0+s19] =	stream.linear.scatter @!p0 [tilespmem:s23], [sflag:$0x6], $0x5000, $0x38;
	[tilespmem:$0x14A00] =	vst v63  }
0x5b: {  	_ =	swait.ge @!p0 [sflag:s18], $0x5000  }
0x5c: {  	s20 =	simm.s32 @!p0 $0x8200;
	s24 =	simm.s32 @!p0 $0xA0;
	[sflag:s18] =	ssyncset.done @!p0 $0x0  }
0x5d: {  	s25 =	simm.s32 @!p0 $0x1;
	s0 =	simm.s32 @!p0 $0x29E0;
	[sflag:s18] =	ssyncadd.s32 @!p0 $0xFFFFB000  }
0x5e: {  	[tilespmem:s20], [sflag:$0x2] =	stream.indirect.gather @!p0 [spmem:s2], $0x80, s0, s24, $0xb8;
	[tilespmem:$0x14A00] =	vst v63  }
0x5f: {  	s31 =	simm.s32 @!p0 $0x6;
	_ =	swait.ge @!p0 [sflag:s25], $0x5000  }
0x60: {  	s31 =	simm.s32 @p0 $0x1;
	[sflag:s25] =	ssyncset.done @!p0 $0x0  }
0x61: {  	s26 =	simm.s32 @!p0 $0x3200;
	s0 =	rddreg [dreg:$0x14];
	[sflag:s25] =	ssyncadd.s32 @!p0 $0xFFFFB000  }
0x62: {  	[hbm4b:s0+s19] =	stream.linear.scatter @!p0 [tilespmem:s26], [sflag:$0x4], $0x5000, $0x38;
	[tilespmem:$0x14A00] =	vst v63  }
0x63: {  	_ =	swait.ge [sflag:s31], $0x5000  }
0x64: {  	[sflag:s31] =	ssyncset.done $0x0  }
0x65: {  	s30 =	simm.s32 $0x2A80;
	[sflag:s31] =	ssyncadd.s32 $0xFFFFB000  }
0x66: {  	[tilespmem:s5], [sflag:$0x3] =	stream.indirect.gather [spmem:s2], $0x80, s30, s9, $0xb8;
	[tilespmem:$0x14A00] =	vst v63  }
0x67: {  	_ =	swait.ge [sflag:s8], $0x5000  }
0x68: {  	[sflag:s8] =	ssyncset.done $0x0  }
0x69: {  	s1 =	simm.s32 @p0 $0x3200;
	s0 =	simm.s32 @p0 $0x2B20;
	[sflag:s8] =	ssyncadd.s32 $0xFFFFB000  }
0x6a: {  	[tilespmem:s1], [sflag:$0x1] =	stream.indirect.gather @p0 [spmem:s2], $0x80, s0, s21, $0xb8;
	[tilespmem:$0x14A00] =	vst v63  }
0x6b: {  	s28 =	simm.s32 @!p0 $0x4;
	s0 =	rddreg [dreg:$0x15]  }
0x6c: {  	[hbm4b:s0+s19] =	stream.linear.scatter @!p0 [tilespmem:s20], [sflag:$0x5], $0x5000, $0x38;
	[tilespmem:$0x14A00] =	vst v63  }
0x6d: {  	_ =	swait.ge @!p0 [sflag:s28], $0x5000  }
0x6e: {  	[sflag:s28] =	ssyncset.done @!p0 $0x0  }
0x6f: {  	s0 =	simm.s32 @!p0 $0x2B20;
	[sflag:s28] =	ssyncadd.s32 @!p0 $0xFFFFB000  }
0x70: {  	[tilespmem:s26], [sflag:$0x1] =	stream.indirect.gather @!p0 [spmem:s2], $0x80, s0, s24, $0xb8;
	[tilespmem:$0x14A00] =	vst v63  }
0x71: {  	s0 =	simm.s32 @!p0 $0x3  }
0x72: {  	_ =	swait.ge @!p0 [sflag:s0], $0x5000  }
0x73: {  	[sflag:s0] =	ssyncset.done @!p0 $0x0  }
0x74: {  	s6 =	rddreg [dreg:$0x16];
	[sflag:s0] =	ssyncadd.s32 @!p0 $0xFFFFB000  }
0x75: {  	[hbm4b:s6+s19] =	stream.linear.scatter @!p0 [tilespmem:s23], [sflag:$0x6], $0x5000, $0x38;
	[tilespmem:$0x14A00] =	vst v63  }
0x76: {  	s6 =	simm.s32 @!p0 $0x5  }
0x77: {  	s6 =	simm.s32 @p0 $0x3  }
0x78: {  	_ =	swait.ge [sflag:s6], $0x5000  }
0x79: {  	[sflag:s6] =	ssyncset.done $0x0  }
0x7a: {  	s7 =	simm.s32 $0x2BC0;
	[sflag:s6] =	ssyncadd.s32 $0xFFFFB000  }
0x7b: {  	[tilespmem:s12], [sflag:$0x2] =	stream.indirect.gather [spmem:s2], $0x80, s7, s9, $0xb8;
	[tilespmem:$0x14A00] =	vst v63  }
0x7c: {  	_ =	swait.ge [sflag:s4], $0x5000  }
0x7d: {  	[sflag:s4] =	ssyncset.done $0x0  }
0x7e: {  	s29 =	simm.s32 @p0 $0x2C60;
	s7 =	simm.s32 @p0 $0xD200;
	[sflag:s4] =	ssyncadd.s32 $0xFFFFB000  }
0x7f: {  	[tilespmem:s7], [sflag:$0x3] =	stream.indirect.gather @p0 [spmem:s2], $0x80, s29, s21, $0xb8;
	[tilespmem:$0x14A00] =	vst v63  }
0x80: {  	s15 =	rddreg [dreg:$0x17];
	s29 =	simm.s32 @!p0 $0x6  }
0x81: {  	[hbm4b:s15+s19] =	stream.linear.scatter @!p0 [tilespmem:s26], [sflag:$0x4], $0x5000, $0x38;
	[tilespmem:$0x14A00] =	vst v63  }
0x82: {  	_ =	swait.ge @!p0 [sflag:s29], $0x5000  }
0x83: {  	[sflag:s29] =	ssyncset.done @!p0 $0x0  }
0x84: {  	s30 =	simm.s32 @!p0 $0x2C60;
	[sflag:s29] =	ssyncadd.s32 @!p0 $0xFFFFB000  }
0x85: {  	[tilespmem:s23], [sflag:$0x3] =	stream.indirect.gather @!p0 [spmem:s2], $0x80, s30, s24, $0xb8;
	[tilespmem:$0x14A00] =	vst v63  }
0x86: {  	s30 =	simm.s32 @!p0 $0x2  }
0x87: {  	_ =	swait.ge @!p0 [sflag:s30], $0x5000  }
0x88: {  	[sflag:s30] =	ssyncset.done @!p0 $0x0  }
0x89: {  	s15 =	rddreg [dreg:$0x18];
	[sflag:s30] =	ssyncadd.s32 @!p0 $0xFFFFB000  }
0x8a: {  	[hbm4b:s15+s19] =	stream.linear.scatter @!p0 [tilespmem:s20], [sflag:$0x5], $0x5000, $0x38;
	[tilespmem:$0x14A00] =	vst v63  }
0x8b: {  	s15 =	simm.s32 @!p0 $0x4  }
0x8c: {  	s15 =	simm.s32 @p0 $0x2  }
0x8d: {  	_ =	swait.ge [sflag:s15], $0x5000  }
0x8e: {  	[sflag:s15] =	ssyncset.done $0x0  }
0x8f: {  	s16 =	simm.s32 $0x2D00;
	[sflag:s15] =	ssyncadd.s32 $0xFFFFB000  }
0x90: {  	[tilespmem:s11], [sflag:$0x1] =	stream.indirect.gather [spmem:s2], $0x80, s16, s9, $0xb8;
	[tilespmem:$0x14A00] =	vst v63  }
0x91: {  	_ =	swait.ge [sflag:s14], $0x5000  }
0x92: {  	[sflag:s14] =	ssyncset.done $0x0  }
0x93: {  	s16 =	simm.s32 @p0 $0x2DA0;
	[sflag:s14] =	ssyncadd.s32 $0xFFFFB000  }
0x94: {  	[tilespmem:s22], [sflag:$0x2] =	stream.indirect.gather @p0 [spmem:s2], $0x80, s16, s21, $0xb8;
	[tilespmem:$0x14A00] =	vst v63  }
0x95: {  	s16 =	rddreg [dreg:$0x19]  }
0x96: {  	[hbm4b:s16+s19] =	stream.linear.scatter @!p0 [tilespmem:s23], [sflag:$0x6], $0x5000, $0x38;
	[tilespmem:$0x14A00] =	vst v63  }
0x97: {  	_ =	swait.ge @!p0 [sflag:s18], $0x5000  }
0x98: {  	[sflag:s18] =	ssyncset.done @!p0 $0x0  }
0x99: {  	s16 =	simm.s32 @!p0 $0x2DA0;
	[sflag:s18] =	ssyncadd.s32 @!p0 $0xFFFFB000  }
0x9a: {  	[tilespmem:s20], [sflag:$0x2] =	stream.indirect.gather @!p0 [spmem:s2], $0x80, s16, s24, $0xb8;
	[tilespmem:$0x14A00] =	vst v63  }
0x9b: {  	_ =	swait.ge @!p0 [sflag:s25], $0x5000  }
0x9c: {  	[sflag:s25] =	ssyncset.done @!p0 $0x0  }
0x9d: {  	s16 =	rddreg [dreg:$0x1c];
	[sflag:s25] =	ssyncadd.s32 @!p0 $0xFFFFB000  }
0x9e: {  	[hbm4b:s16+s19] =	stream.linear.scatter @!p0 [tilespmem:s26], [sflag:$0x4], $0x5000, $0x38;
	[tilespmem:$0x14A00] =	vst v63  }
0x9f: {  	_ =	swait.ge [sflag:s31], $0x5000  }
0xa0: {  	[sflag:s31] =	ssyncset.done $0x0  }
0xa1: {  	[sflag:s31] =	ssyncadd.s32 $0xFFFFB000;
	s31 =	simm.s32 $0x2E40  }
0xa2: {  	[tilespmem:s5], [sflag:$0x3] =	stream.indirect.gather [spmem:s2], $0x80, s31, s9, $0xb8;
	[tilespmem:$0x14A00] =	vst v63  }
0xa3: {  	_ =	swait.ge [sflag:s8], $0x5000  }
0xa4: {  	[sflag:s8] =	ssyncset.done $0x0  }
0xa5: {  	s16 =	simm.s32 @p0 $0x2EE0;
	[sflag:s8] =	ssyncadd.s32 $0xFFFFB000  }
0xa6: {  	[tilespmem:s1], [sflag:$0x1] =	stream.indirect.gather @p0 [spmem:s2], $0x80, s16, s21, $0xb8;
	[tilespmem:$0x14A00] =	vst v63  }
0xa7: {  	s1 =	rddreg [dreg:$0x1d]  }
0xa8: {  	[hbm4b:s1+s19] =	stream.linear.scatter @!p0 [tilespmem:s20], [sflag:$0x5], $0x5000, $0x38;
	[tilespmem:$0x14A00] =	vst v63  }
0xa9: {  	_ =	swait.ge @!p0 [sflag:s28], $0x5000  }
0xaa: {  	[sflag:s28] =	ssyncset.done @!p0 $0x0  }
0xab: {  	s1 =	simm.s32 @!p0 $0x2EE0;
	[sflag:s28] =	ssyncadd.s32 @!p0 $0xFFFFB000  }
0xac: {  	[tilespmem:s26], [sflag:$0x1] =	stream.indirect.gather @!p0 [spmem:s2], $0x80, s1, s24, $0xb8;
	[tilespmem:$0x14A00] =	vst v63  }
0xad: {  	_ =	swait.ge @!p0 [sflag:s0], $0x5000  }
0xae: {  	[sflag:s0] =	ssyncset.done @!p0 $0x0  }
0xaf: {  	[sflag:s0] =	ssyncadd.s32 @!p0 $0xFFFFB000;
	s0 =	rddreg [dreg:$0x1e]  }
0xb0: {  	[hbm4b:s0+s19] =	stream.linear.scatter @!p0 [tilespmem:s23], [sflag:$0x6], $0x5000, $0x38;
	[tilespmem:$0x14A00] =	vst v63  }
0xb1: {  	_ =	swait.ge [sflag:s6], $0x5000  }
0xb2: {  	[sflag:s6] =	ssyncset.done $0x0  }
0xb3: {  	[sflag:s6] =	ssyncadd.s32 $0xFFFFB000;
	s6 =	simm.s32 $0x2F80  }
0xb4: {  	[tilespmem:s12], [sflag:$0x2] =	stream.indirect.gather [spmem:s2], $0x80, s6, s9, $0xb8;
	[tilespmem:$0x14A00] =	vst v63  }
0xb5: {  	_ =	swait.ge [sflag:s4], $0x5000  }
0xb6: {  	[sflag:s4] =	ssyncset.done $0x0  }
0xb7: {  	s0 =	simm.s32 @p0 $0x3020;
	[sflag:s4] =	ssyncadd.s32 $0xFFFFB000  }
0xb8: {  	[tilespmem:s7], [sflag:$0x3] =	stream.indirect.gather @p0 [spmem:s2], $0x80, s0, s21, $0xb8;
	[tilespmem:$0x14A00] =	vst v63  }
0xb9: {  	s0 =	rddreg [dreg:$0x1f]  }
0xba: {  	[hbm4b:s0+s19] =	stream.linear.scatter @!p0 [tilespmem:s26], [sflag:$0x4], $0x5000, $0x38;
	[tilespmem:$0x14A00] =	vst v63  }
0xbb: {  	_ =	swait.ge @!p0 [sflag:s29], $0x5000  }
0xbc: {  	[sflag:s29] =	ssyncset.done @!p0 $0x0  }
0xbd: {  	s0 =	simm.s32 @!p0 $0x3020;
	[sflag:s29] =	ssyncadd.s32 @!p0 $0xFFFFB000  }
0xbe: {  	[tilespmem:s23], [sflag:$0x3] =	stream.indirect.gather @!p0 [spmem:s2], $0x80, s0, s24, $0xb8;
	[tilespmem:$0x14A00] =	vst v63  }
0xbf: {  	_ =	swait.ge @!p0 [sflag:s30], $0x5000  }
0xc0: {  	s0 =	sld [smem:$0x7FA]  }
0xc1: {  	[sflag:s30] =	ssyncset.done @!p0 $0x0  }
0xc2: {  	[sflag:s30] =	ssyncadd.s32 @!p0 $0xFFFFB000  }
0xc3: {  	[hbm4b:s0+s19] =	stream.linear.scatter @!p0 [tilespmem:s20], [sflag:$0x5], $0x5000, $0x38;
	[tilespmem:$0x14A00] =	vst v63  }
0xc4: {  	_ =	swait.ge [sflag:s15], $0x5000  }
0xc5: {  	[sflag:s15] =	ssyncset.done $0x0  }
0xc6: {  	s16 =	simm.s32 $0x30C0;
	[sflag:s15] =	ssyncadd.s32 $0xFFFFB000  }
0xc7: {  	[tilespmem:s11], [sflag:$0x1] =	stream.indirect.gather [spmem:s2], $0x80, s16, s9, $0xb8;
	[tilespmem:$0x14A00] =	vst v63  }
0xc8: {  	_ =	swait.ge [sflag:s14], $0x5000  }
0xc9: {  	[sflag:s14] =	ssyncset.done $0x0  }
0xca: {  	s0 =	simm.s32 @p0 $0x3160;
	[sflag:s14] =	ssyncadd.s32 $0xFFFFB000  }
0xcb: {  	[tilespmem:s22], [sflag:$0x2] =	stream.indirect.gather @p0 [spmem:s2], $0x80, s0, s21, $0xb8;
	[tilespmem:$0x14A00] =	vst v63  }
0xcc: {  	s0 =	sld [smem:$0x7FB];
	_ =	sdelay $0x2  }
0xcd: {  	[hbm4b:s0+s19] =	stream.linear.scatter @!p0 [tilespmem:s23], [sflag:$0x6], $0x5000, $0x38;
	[tilespmem:$0x14A00] =	vst v63  }
0xce: {  	_ =	swait.ge @!p0 [sflag:s18], $0x5000  }
0xcf: {  	[sflag:s18] =	ssyncset.done @!p0 $0x0  }
0xd0: {  	s0 =	simm.s32 @!p0 $0x3160;
	[sflag:s18] =	ssyncadd.s32 @!p0 $0xFFFFB000  }
0xd1: {  	[tilespmem:s20], [sflag:$0x2] =	stream.indirect.gather @!p0 [spmem:s2], $0x80, s0, s24, $0xb8;
	[tilespmem:$0x14A00] =	vst v63  }
0xd2: {  	_ =	swait.ge @!p0 [sflag:s25], $0x5000  }
0xd3: {  	s0 =	sld [smem:$0x7FC]  }
0xd4: {  	[sflag:s25] =	ssyncset.done @!p0 $0x0  }
0xd5: {  	[sflag:s25] =	ssyncadd.s32 @!p0 $0xFFFFB000  }
0xd6: {  	[hbm4b:s0+s19] =	stream.linear.scatter @!p0 [tilespmem:s26], [sflag:$0x4], $0x5000, $0x38;
	[tilespmem:$0x14A00] =	vst v63  }
0xd7: {  	_ =	swait.ge @!p0 [sflag:s29], $0x5000  }
0xd8: {  	[sflag:s29] =	ssyncset.done @!p0 $0x0  }
0xd9: {  	[sflag:s29] =	ssyncadd.s32 @!p0 $0xFFFFB000  }
0xda: {  	_ =	swait.ge @!p0 [sflag:s30], $0x5000  }
0xdb: {  	s0 =	sld [smem:$0x7FD]  }
0xdc: {  	[sflag:s30] =	ssyncset.done @!p0 $0x0  }
0xdd: {  	s28 =	simm.s32 @p0 $0x1;
	[sflag:s30] =	ssyncadd.s32 @!p0 $0xFFFFB000  }
0xde: {  	[hbm4b:s0+s19] =	stream.linear.scatter @!p0 [tilespmem:s20], [sflag:$0x5], $0x5000, $0x38;
	[tilespmem:$0x14A00] =	vst v63  }
0xdf: {  	_ =	swait.ge [sflag:s28], $0x5000  }
0xe0: {  	[sflag:s28] =	ssyncset.done $0x0  }
0xe1: {  	s18 =	simm.s32 @p0 $0x2;
	[sflag:s28] =	ssyncadd.s32 $0xFFFFB000  }
0xe2: {  	_ =	swait.ge [sflag:s18], $0x5000  }
0xe3: {  	s17 =	sadd.s32 $0x1, s17;
	s31 =	rddreg [dreg:$0x1a]  }
0xe4: {  	p1 =	sne.s32 s17, s31  }
.Ltmp1:
0xe5: {  	_ = 	snop;
	(pc) =	sbr.rel @!p1 .LBB2_11-.Ltmp1, $3  }
0xe6: {  	_ =	sdelay $0x1  }
0xe7: {  	[sflag:s18] =	ssyncset.done $0x0  }
0xe8: {  	[sflag:s18] =	ssyncadd.s32 $0xFFFFB000  }
.LBB2_1:
0xe9: {  	s0 =	rddreg [dreg:$0x7]  }
0xea: {  	s1 =	rddreg [dreg:$0x8]  }
0xeb: {  	s6 =	rddreg [dreg:$0x1b];
	s31 =	simm.s32 $0x7  }
0xec: {  	[spmem:s6], [sflag:s1] =	dma.local [hbm:s0], $0x500  }
.Ltmp2:
0xed: {  	_ =	swait.ge [sflag:s31], $0x500;
	(pc) =	sbr.rel @!p0 .LBB2_2-.Ltmp2, $4  }
0xee: {  	[sflag:s31] =	ssyncset.done $0x0  }
0xef: {  	[sflag:s31] =	ssyncadd.s32 $0xFFFFFB00  }
0xf0: {  	[bflag:$0x0] =	sbarrier.arrive $0xFFFF  }
0xf1: {  	s0 =	simm.s32 $0x0  }
0xf2: {  	s1 =	rddreg [dreg:$0xc]  }
0xf3: {  	[tilespmem:s0], [sflag:$0x2] =	stream.linear.gather [hbm4b:s1+s0], $0x320, $0x38;
	[tilespmem:$0x14A00] =	vst v63  }
0xf4: {  	s28 =	rddreg [dreg:$0xd];
	s6 =	simm.s32 $0xC80  }
0xf5: {  	[tilespmem:s6], [sflag:$0x2] =	stream.linear.gather [hbm4b:s28+s0], $0x320, $0x38;
	[tilespmem:$0x14A00] =	vst v63  }
0xf6: {  	s29 =	rddreg [dreg:$0xe];
	s30 =	simm.s32 $0x1900  }
0xf7: {  	[tilespmem:s30], [sflag:$0x2] =	stream.linear.gather [hbm4b:s29+s0], $0x320, $0x38;
	[tilespmem:$0x14A00] =	vst v63  }
0xf8: {  	_ =	swait.ge [sflag:s8], $0x320  }
0xf9: {  	[sflag:s8] =	ssyncset.done $0x0  }
0xfa: {  	[sflag:s8] =	ssyncadd.s32 $0xFFFFFCE0  }
0xfb: {  	_ =	swait.ge [sflag:s8], $0x320  }
0xfc: {  	[sflag:s8] =	ssyncset.done $0x0  }
0xfd: {  	[sflag:s8] =	ssyncadd.s32 $0xFFFFFCE0  }
0xfe: {  	_ =	swait.ge [sflag:s8], $0x320  }
0xff: {  	[sflag:s8] =	ssyncset.done $0x0  }
0x100: {  	[sflag:s8] =	ssyncadd.s32 $0xFFFFFCE0  }
0x101: {  	v1 =	vld [tilespmem:$0x0]  }
0x102: {  	v2 =	vld [tilespmem:$0xC80]  }
0x103: {  	v3 =	vld [tilespmem:$0x1900]  }
0x104: {  	v6 =	vld [tilespmem:$0x1910]  }
0x105: {  	v5 =	vld [tilespmem:$0xC90]  }
0x106: {  	v4 =	vld [tilespmem:$0x10]  }
0x107: {  	v8 =	vld [tilespmem:$0xCA0]  }
0x108: {  	vm0 =	vgt.s32 v1, $0x0;
	vm1 =	vgt.s32 v2, $0x0  }
0x109: {  	v3 =	vadd.s32 $0x5, v3;
	v6 =	vadd.s32 $0x5, v6;
	v1 =	vnsel vm0, $0x0, v1  }
0x10a: {  	v2 =	vnsel vm1, $0x0, v2;
	vm0 =	vgt.s32 v3, $0x0;
	vm1 =	vgt.s32 v5, $0x0  }
0x10b: {  	v7 =	vld [tilespmem:$0x20];
	v1 =	vmin.u32 v1, $0x16;
	v2 =	vmin.u32 v2, $0x4;
	v3 =	vnsel vm0, $0x0, v3  }
0x10c: {  	vm0 =	vgt.s32 v4, $0x0;
	v5 =	vnsel vm1, $0x0, v5;
	vm1 =	vgt.s32 v8, $0x0  }
0x10d: {  	v9 =	vld [tilespmem:$0x1920];
	v1 =	vmul.u32 $0x37, v1;
	v2 =	vmul.u32 $0xB, v2;
	v4 =	vnsel vm0, $0x0, v4  }
0x10e: {  	v5 =	vmin.u32 v5, $0x4;
	vm0 =	vgt.s32 v6, $0x0;
	v3 =	vmin.u32 v3, $0xA  }
0x10f: {  	v10 =	vld [tilespmem:$0x30];
	v4 =	vmin.u32 v4, $0x16;
	v5 =	vmul.u32 $0xB, v5;
	v6 =	vnsel vm0, $0x0, v6  }
0x110: {  	vm0 =	vgt.s32 v7, $0x0;
	v4 =	vmul.u32 $0x37, v4;
	v1 =	vadd.s32 v1, v2  }
0x111: {  	v2 =	vmin.u32 v6, $0xA;
	v6 =	vnsel vm0, $0x0, v7;
	v7 =	vnsel vm1, $0x0, v8  }
0x112: {  	v1 =	vadd.s32 v3, v1;
	v3 =	vadd.s32 $0x5, v9;
	v6 =	vmin.u32 v6, $0x16  }
0x113: {  	v7 =	vmin.u32 v7, $0x4;
	v4 =	vadd.s32 v4, v5;
	v5 =	vld [tilespmem:$0xCB0];
	vm0 =	vgt.s32 v3, $0x0  }
0x114: {  	v2 =	vadd.s32 v2, v4;
	v4 =	vld [tilespmem:$0x1930];
	v3 =	vnsel vm0, $0x0, v3;
	vm0 =	vgt.s32 v10, $0x0  }
0x115: {  	v6 =	vmul.u32 $0x37, v6;
	v7 =	vmul.u32 $0xB, v7;
	v9 =	vnsel vm0, $0x0, v10;
	v10 =	vld [tilespmem:$0xCC0]  }
0x116: {  	v8 =	vld [tilespmem:$0x40]  }
0x117: {  	v3 =	vmin.u32 v3, $0xA;
	v6 =	vadd.s32 v6, v7;
	v7 =	vld [tilespmem:$0xCD0]  }
0x118: {  	v9 =	vmin.u32 v9, $0x16;
	v3 =	vadd.s32 v3, v6;
	vm1 =	vgt.s32 v5, $0x0  }
0x119: {  	v11 =	vld [tilespmem:$0x1940];
	v9 =	vmul.u32 $0x37, v9;
	v5 =	vnsel vm1, $0x0, v5;
	v4 =	vadd.s32 $0x5, v4  }
0x11a: {  	v5 =	vmin.u32 v5, $0x4;
	vm0 =	vgt.s32 v4, $0x0;
	vm1 =	vgt.s32 v10, $0x0  }
0x11b: {  	v12 =	vld [tilespmem:$0x50];
	v5 =	vmul.u32 $0xB, v5;
	v4 =	vnsel vm0, $0x0, v4;
	vm0 =	vgt.s32 v8, $0x0  }
0x11c: {  	v6 =	vnsel vm1, $0x0, v10;
	vm1 =	vgt.s32 v7, $0x0;
	v4 =	vmin.u32 v4, $0xA  }
0x11d: {  	v6 =	vmin.u32 v6, $0x4;
	v7 =	vnsel vm1, $0x0, v7;
	v5 =	vadd.s32 v9, v5;
	v9 =	vld [tilespmem:$0x1950]  }
0x11e: {  	v13 =	vld [tilespmem:$0x1960];
	v4 =	vadd.s32 v4, v5;
	v5 =	vnsel vm0, $0x0, v8;
	v8 =	vadd.s32 $0x5, v11  }
0x11f: {  	v6 =	vmul.u32 $0xB, v6;
	v7 =	vmin.u32 v7, $0x4;
	v11 =	vld [tilespmem:$0xCE0];
	vm0 =	vgt.s32 v8, $0x0  }
0x120: {  	v10 =	vld [tilespmem:$0x60];
	v5 =	vmin.u32 v5, $0x16;
	v8 =	vnsel vm0, $0x0, v8;
	vm0 =	vgt.s32 v12, $0x0  }
0x121: {  	v7 =	vmul.u32 $0xB, v7;
	v5 =	vmul.u32 $0x37, v5;
	v12 =	vnsel vm0, $0x0, v12  }
0x122: {  	v14 =	vld [tilespmem:$0x70];
	v8 =	vmin.u32 v8, $0xA;
	v12 =	vmin.u32 v12, $0x16;
	v9 =	vadd.s32 $0x5, v9  }
0x123: {  	v5 =	vadd.s32 v5, v6;
	v6 =	vld [tilespmem:$0xCF0];
	v12 =	vmul.u32 $0x37, v12;
	vm0 =	vgt.s32 v9, $0x0  }
0x124: {  	v5 =	vadd.s32 v8, v5;
	vm1 =	vgt.s32 v11, $0x0;
	v8 =	vnsel vm0, $0x0, v9  }
0x125: {  	vm0 =	vgt.s32 v10, $0x0;
	v9 =	vadd.s32 $0x5, v13;
	v7 =	vadd.s32 v12, v7;
	v12 =	vld [tilespmem:$0x1970]  }
0x126: {  	v11 =	vnsel vm1, $0x0, v11;
	v10 =	vnsel vm0, $0x0, v10;
	vm0 =	vgt.s32 v9, $0x0  }
0x127: {  	v11 =	vmin.u32 v11, $0x4;
	v10 =	vmin.u32 v10, $0x16;
	v9 =	vnsel vm0, $0x0, v9  }
0x128: {  	v15 =	vld [tilespmem:$0xD00];
	vm0 =	vgt.s32 v14, $0x0;
	v11 =	vmul.u32 $0xB, v11;
	vm1 =	vgt.s32 v6, $0x0  }
0x129: {  	v13 =	vld [tilespmem:$0x80];
	v10 =	vmul.u32 $0x37, v10;
	v14 =	vnsel vm0, $0x0, v14;
	v6 =	vnsel vm1, $0x0, v6  }
0x12a: {  	v16 =	vld [tilespmem:$0x1980];
	v14 =	vmin.u32 v14, $0x16;
	v6 =	vmin.u32 v6, $0x4;
	v12 =	vadd.s32 $0x5, v12  }
0x12b: {  	v14 =	vmul.u32 $0x37, v14;
	v6 =	vmul.u32 $0xB, v6;
	vm0 =	vgt.s32 v12, $0x0  }
0x12c: {  	v8 =	vmin.u32 v8, $0xA;
	v10 =	vadd.s32 v10, v11;
	v11 =	vnsel vm0, $0x0, v12;
	v12 =	vld [tilespmem:$0x90]  }
0x12d: {  	v7 =	vadd.s32 v8, v7;
	v9 =	vmin.u32 v9, $0xA;
	v6 =	vadd.s32 v14, v6;
	v14 =	vld [tilespmem:$0xD10]  }
0x12e: {  	vm1 =	vgt.s32 v15, $0x0;
	v8 =	vadd.s32 v9, v10;
	v10 =	vld [tilespmem:$0x1990];
	vm0 =	vgt.s32 v13, $0x0  }
0x12f: {  	[tilespmem:$0x2580] =	vst v1;
	v9 =	vadd.s32 $0x5, v16;
	v11 =	vmin.u32 v11, $0xA;
	v1 =	vnsel vm0, $0x0, v13  }
0x130: {  	[tilespmem:$0x2590] =	vst v2;
	vm0 =	vgt.s32 v9, $0x0;
	v6 =	vadd.s32 v11, v6;
	v11 =	vnsel vm1, $0x0, v15  }
0x131: {  	[tilespmem:$0x25A0] =	vst v3;
	v1 =	vmin.u32 v1, $0x16;
	v9 =	vnsel vm0, $0x0, v9;
	v2 =	vmin.u32 v11, $0x4  }
0x132: {  	[tilespmem:$0x25B0] =	vst v4;
	v1 =	vmul.u32 $0x37, v1;
	vm0 =	vgt.s32 v12, $0x0;
	vm1 =	vgt.s32 v14, $0x0  }
0x133: {  	[tilespmem:$0x25C0] =	vst v5;
	v5 =	vadd.s32 $0x5, v10;
	v3 =	vnsel vm0, $0x0, v12;
	v4 =	vnsel vm1, $0x0, v14  }
0x134: {  	v2 =	vmul.u32 $0xB, v2;
	v3 =	vmin.u32 v3, $0x16;
	v4 =	vmin.u32 v4, $0x4  }
0x135: {  	[tilespmem:$0x25D0] =	vst v7;
	vm0 =	vgt.s32 v5, $0x0;
	v3 =	vmul.u32 $0x37, v3;
	v4 =	vmul.u32 $0xB, v4  }
0x136: {  	[tilespmem:$0x25E0] =	vst v8;
	v7 =	vmin.u32 v9, $0xA;
	v1 =	vadd.s32 v1, v2;
	v2 =	vnsel vm0, $0x0, v5  }
0x137: {  	[tilespmem:$0x25F0] =	vst v6;
	v1 =	vadd.s32 v7, v1;
	v2 =	vmin.u32 v2, $0xA;
	v3 =	vadd.s32 v3, v4  }
0x138: {  	[tilespmem:$0x2600] =	vst v1;
	v1 =	vadd.s32 v2, v3  }
0x139: {  	s31 =	simm.s32 $0x2580;
	s18 =	simm.s32 $0x0;
	[tilespmem:$0x2610] =	vst v1  }
0x13a: {  	[tilespmem:s11], [sflag:$0x1] =	stream.indirect.gather [spmem:s2], $0x80, s31, s9, $0xb8;
	[tilespmem:$0x14A00] =	vst v63  }
0x13b: {  	v1 =	vld [tilespmem:s18+$0xE0]  }
0x13c: {  	v2 =	vld [tilespmem:s18+$0xD60]  }
0x13d: {  	v3 =	vld [tilespmem:s18+$0xA0]  }
0x13e: {  	v4 =	vld [tilespmem:s18+$0x19E0]  }
0x13f: {  	v6 =	vld [tilespmem:s18+$0xB0]  }
0x140: {  	v12 =	vld [tilespmem:s18+$0x19A0];
	_ =	sdelay $0x1  }
0x141: {  	v5 =	vld [tilespmem:s18+$0xD20]  }
0x142: {  	v7 =	vld [tilespmem:s18+$0xD30];
	vm0 =	vgt.s32 v1, $0x0;
	vm1 =	vgt.s32 v2, $0x0  }
0x143: {  	v8 =	vld [tilespmem:s18+$0xC0];
	vm2 =	vgt.s32 v3, $0x0;
	v4 =	vadd.s32 $0x5, v4;
	vm3 =	vgt.s32 v6, $0x0  }
0x144: {  	v12 =	vadd.s32 $0x5, v12;
	v1 =	vnsel vm0, $0x0, v1;
	v2 =	vnsel vm1, $0x0, v2  }
0x145: {  	v9 =	vld [tilespmem:s18+$0xD40];
	vm0 =	vgt.s32 v4, $0x0;
	v1 =	vmin.u32 v1, $0x16;
	v2 =	vmin.u32 v2, $0x4  }
0x146: {  	v10 =	vld [tilespmem:s18+$0xD0];
	v4 =	vnsel vm0, $0x0, v4;
	v1 =	vmul.u32 $0x37, v1;
	v2 =	vmul.u32 $0xB, v2  }
0x147: {  	vm1 =	vgt.s32 v5, $0x0;
	vm0 =	vgt.s32 v7, $0x0;
	v4 =	vmin.u32 v4, $0xA  }
0x148: {  	v11 =	vld [tilespmem:s18+$0xD50];
	v1 =	vadd.s32 v1, v2;
	v2 =	vnsel vm2, $0x0, v3;
	vm2 =	vgt.s32 v8, $0x0  }
0x149: {  	v1 =	vadd.s32 v4, v1;
	v4 =	vnsel vm1, $0x0, v5;
	v5 =	vnsel vm3, $0x0, v6  }
0x14a: {  	vm1 =	vgt.s32 v9, $0x0;
	v13 =	vmin.u32 v2, $0x16;
	[tilespmem:s18+$0x2660] =	vst v1;
	v1 =	vnsel vm0, $0x0, v7  }
0x14b: {  	v7 =	vnsel vm2, $0x0, v8;
	vm0 =	vgt.s32 v10, $0x0;
	v9 =	vnsel vm1, $0x0, v9  }
0x14c: {  	v3 =	vld [tilespmem:s18+$0x19B0];
	v4 =	vmin.u32 v4, $0x4;
	v5 =	vmin.u32 v5, $0x16;
	vm1 =	vgt.s32 v12, $0x0  }
0x14d: {  	v6 =	vld [tilespmem:s18+$0x19C0];
	v10 =	vnsel vm0, $0x0, v10;
	vm0 =	vgt.s32 v11, $0x0;
	v1 =	vmin.u32 v1, $0x4  }
0x14e: {  	v8 =	vld [tilespmem:s18+$0x19D0];
	v7 =	vmin.u32 v7, $0x16;
	v14 =	vmin.u32 v9, $0x4;
	v2 =	vnsel vm0, $0x0, v11  }
0x14f: {  	v15 =	vmin.u32 v10, $0x16;
	v10 =	vmul.u32 $0x37, v13;
	v11 =	vmul.u32 $0xB, v4  }
0x150: {  	v9 =	vmul.u32 $0xB, v1;
	v4 =	vmul.u32 $0x37, v7;
	v7 =	vmul.u32 $0xB, v14  }
0x151: {  	v13 =	vnsel vm1, $0x0, v12;
	v63 =	vmin.u32 v2, $0x4;
	v17 =	vadd.s32 $0x5, v3  }
0x152: {  	v2 =	vadd.s32 $0x5, v6;
	v6 =	vmul.u32 $0x37, v5;
	v5 =	vmul.u32 $0x37, v15  }
0x153: {  	s19 =	simm.s32 $0x50;
	vm2 =	vgt.s32 v17, $0x0;
	v3 =	vadd.s32 $0x5, v8;
	v8 =	vmul.u32 $0xB, v63  }
0x154: {  	s20 =	simm.s32 $0x280;
	v1 =	vld [tilespmem:s19+$0xE0];
	vm0 =	vgt.s32 v2, $0x0;
	v12 =	vnsel vm2, $0x0, v17;
	vm1 =	vgt.s32 v3, $0x0  }
.LBB2_6:
0x155: {  	p1 =	sne.s32 s20, $0x8C0;
	v14 =	vld [tilespmem:s19+$0xD60];
	v10 =	vadd.s32 v10, v11;
	v2 =	vnsel vm0, $0x0, v2;
	v3 =	vnsel vm1, $0x0, v3  }
0x156: {  	v6 =	vadd.s32 v6, v9;
	v4 =	vadd.s32 v4, v7;
	v5 =	vadd.s32 v5, v8;
	v11 =	vld [tilespmem:s19+$0xA0]  }
0x157: {  	v8 =	vmin.u32 v13, $0xA;
	v9 =	vmin.u32 v12, $0xA;
	v2 =	vmin.u32 v2, $0xA;
	v7 =	vld [tilespmem:s19+$0x19E0]  }
0x158: {  	v8 =	vadd.s32 v8, v10;
	v6 =	vadd.s32 v9, v6;
	v3 =	vmin.u32 v3, $0xA;
	v12 =	vld [tilespmem:s19+$0xD20]  }
0x159: {  	v2 =	vadd.s32 v2, v4;
	v3 =	vadd.s32 v3, v5;
	v9 =	vld [tilespmem:s19+$0xB0];
	[tilespmem:s18+$0x2620] =	vst v8  }
0x15a: {  	vm0 =	vgt.s32 v1, $0x0;
	v4 =	vld [tilespmem:s19+$0xD30];
	vm1 =	vgt.s32 v14, $0x0;
	[tilespmem:s18+$0x2630] =	vst v6  }
0x15b: {  	v1 =	vnsel vm0, $0x0, v1;
	vm2 =	vgt.s32 v11, $0x0;
	v5 =	vld [tilespmem:s19+$0xC0];
	v6 =	vnsel vm1, $0x0, v14;
	[tilespmem:s18+$0x2640] =	vst v2  }
0x15c: {  	v1 =	vmin.u32 v1, $0x16;
	v2 =	vld [tilespmem:s19+$0xD40];
	v6 =	vmin.u32 v6, $0x4;
	v7 =	vadd.s32 $0x5, v7;
	[tilespmem:s18+$0x2650] =	vst v3;
	s18 =	smov.u32 s19  }
0x15d: {  	v1 =	vmul.u32 $0x37, v1;
	v3 =	vld [tilespmem:s18+$0xD0];
	vm0 =	vgt.s32 v7, $0x0;
	v6 =	vmul.u32 $0xB, v6  }
0x15e: {  	vm1 =	vgt.s32 v12, $0x0;
	vm3 =	vgt.s32 v9, $0x0;
	v8 =	vld [tilespmem:s18+$0xD50];
	v7 =	vnsel vm0, $0x0, v7  }
0x15f: {  	v10 =	vld [tilespmem:s18+$0x19A0];
	vm0 =	vgt.s32 v4, $0x0;
	v7 =	vmin.u32 v7, $0xA;
	v1 =	vadd.s32 v1, v6  }
0x160: {  	v6 =	vnsel vm2, $0x0, v11;
	v11 =	vld [tilespmem:s18+$0x19B0];
	vm2 =	vgt.s32 v5, $0x0;
	v1 =	vadd.s32 v7, v1  }
0x161: {  	v9 =	vnsel vm3, $0x0, v9;
	v7 =	vnsel vm1, $0x0, v12;
	vm1 =	vgt.s32 v2, $0x0;
	v12 =	vld [tilespmem:s18+$0x19C0];
	[tilespmem:s18+$0x2660] =	vst v1  }
0x162: {  	v1 =	vnsel vm0, $0x0, v4;
	v4 =	vnsel vm2, $0x0, v5;
	vm0 =	vgt.s32 v3, $0x0;
	v5 =	vld [tilespmem:s18+$0x19D0]  }
0x163: {  	v2 =	vnsel vm1, $0x0, v2;
	v3 =	vnsel vm0, $0x0, v3;
	vm0 =	vgt.s32 v8, $0x0  }
0x164: {  	v6 =	vmin.u32 v6, $0x16;
	v7 =	vmin.u32 v7, $0x4;
	v8 =	vnsel vm0, $0x0, v8  }
0x165: {  	v9 =	vmin.u32 v9, $0x16;
	v1 =	vmin.u32 v1, $0x4;
	v4 =	vmin.u32 v4, $0x16  }
0x166: {  	v13 =	vmin.u32 v2, $0x4;
	v14 =	vmin.u32 v3, $0x16;
	v8 =	vmin.u32 v8, $0x4  }
0x167: {  	v15 =	vadd.s32 $0x5, v10;
	v16 =	vadd.s32 $0x5, v11;
	v2 =	vadd.s32 $0x5, v12  }
.Ltmp3:
0x168: {  	v10 =	vmul.u32 $0x37, v6;
	v11 =	vmul.u32 $0xB, v7;
	v3 =	vadd.s32 $0x5, v5;
	(pc) =	sbr.rel @p1 .LBB2_6-.Ltmp3, $4  }
0x169: {  	v4 =	vmul.u32 $0x37, v4;
	v6 =	vmul.u32 $0x37, v9;
	v9 =	vmul.u32 $0xB, v1  }
0x16a: {  	v7 =	vmul.u32 $0xB, v13;
	v8 =	vmul.u32 $0xB, v8;
	v5 =	vmul.u32 $0x37, v14  }
0x16b: {  	s19 =	sshra.s32 s20, $0x2;
	vm1 =	vgt.s32 v15, $0x0;
	vm2 =	vgt.s32 v16, $0x0;
	vm0 =	vgt.s32 v2, $0x0  }
0x16c: {  	s20 =	sadd.s32 $0x140, s20;
	v13 =	vnsel vm1, $0x0, v15;
	v12 =	vnsel vm2, $0x0, v16;
	vm1 =	vgt.s32 v3, $0x0;
	v1 =	vld [tilespmem:s19+$0xE0]  }
0x16d: {  	v14 =	vld [tilespmem:s19+$0xD60]  }
0x16e: {  	v15 =	vld [tilespmem:s19+$0xA0];
	v10 =	vadd.s32 v10, v11  }
0x16f: {  	v16 =	vld [tilespmem:s19+$0x19E0];
	v47 =	vmin.u32 v13, $0xA;
	v6 =	vadd.s32 v6, v9;
	v2 =	vnsel vm0, $0x0, v2  }
0x170: {  	v48 =	vld [tilespmem:s19+$0xD20];
	v50 =	vmin.u32 v12, $0xA;
	v3 =	vnsel vm1, $0x0, v3;
	v10 =	vadd.s32 v47, v10  }
0x171: {  	v49 =	vld [tilespmem:s19+$0xB0];
	v4 =	vadd.s32 v4, v7;
	v6 =	vadd.s32 v50, v6;
	v2 =	vmin.u32 v2, $0xA;
	[tilespmem:s18+$0x2620] =	vst v10  }
0x172: {  	v5 =	vadd.s32 v5, v8;
	v3 =	vmin.u32 v3, $0xA;
	v2 =	vadd.s32 v2, v4;
	v51 =	vld [tilespmem:s19+$0xD30];
	[tilespmem:s18+$0x2630] =	vst v6  }
0x173: {  	v3 =	vadd.s32 v3, v5;
	v52 =	vld [tilespmem:s19+$0xC0];
	[tilespmem:s18+$0x2640] =	vst v2  }
0x174: {  	vm13 =	vgt.s32 v1, $0x0;
	vm14 =	vgt.s32 v14, $0x0;
	vm2 =	vgt.s32 v15, $0x0;
	v53 =	vld [tilespmem:s19+$0xD40];
	[tilespmem:s18+$0x2650] =	vst v3  }
0x175: {  	v1 =	vnsel vm13, $0x0, v1;
	v54 =	vadd.s32 $0x5, v16;
	vm6 =	vgt.s32 v48, $0x0;
	v3 =	vld [tilespmem:s19+$0xD0]  }
0x176: {  	vm3 =	vgt.s32 v49, $0x0;
	v2 =	vnsel vm14, $0x0, v14;
	v1 =	vmin.u32 v1, $0x16;
	v55 =	vld [tilespmem:s19+$0xD50]  }
0x177: {  	vm15 =	vgt.s32 v54, $0x0;
	v56 =	vld [tilespmem:s19+$0x19A0];
	v57 =	vnsel vm6, $0x0, v48;
	v11 =	vnsel vm3, $0x0, v49  }
0x178: {  	v10 =	vld [tilespmem:s19+$0x19B0];
	v2 =	vmin.u32 v2, $0x4;
	v1 =	vmul.u32 $0x37, v1;
	v6 =	vnsel vm15, $0x0, v54  }
0x179: {  	v58 =	vld [tilespmem:s19+$0x19C0];
	v11 =	vmin.u32 v11, $0x16;
	v2 =	vmul.u32 $0xB, v2;
	vm7 =	vgt.s32 v51, $0x0  }
0x17a: {  	v60 =	vld [tilespmem:s19+$0x19D0];
	v6 =	vmin.u32 v6, $0xA;
	v11 =	vmul.u32 $0x37, v11;
	vm8 =	vgt.s32 v52, $0x0  }
0x17b: {  	v7 =	vnsel vm7, $0x0, v51;
	v1 =	vadd.s32 v1, v2;
	v2 =	vnsel vm2, $0x0, v15  }
0x17c: {  	vm9 =	vgt.s32 v53, $0x0;
	v7 =	vmin.u32 v7, $0x4;
	v1 =	vadd.s32 v6, v1  }
0x17d: {  	vm10 =	vgt.s32 v3, $0x0;
	v59 =	vnsel vm9, $0x0, v53;
	vm11 =	vgt.s32 v55, $0x0  }
0x17e: {  	v2 =	vmin.u32 v2, $0x16;
	v6 =	vmin.u32 v57, $0x4;
	v9 =	vadd.s32 $0x5, v56  }
0x17f: {  	v10 =	vadd.s32 $0x5, v10;
	v12 =	vadd.s32 $0x5, v58;
	v5 =	vadd.s32 $0x5, v60  }
0x180: {  	v7 =	vmul.u32 $0xB, v7;
	[tilespmem:s19+$0x2660] =	vst v1;
	v1 =	vnsel vm8, $0x0, v52;
	v3 =	vnsel vm10, $0x0, v3  }
0x181: {  	v8 =	vnsel vm11, $0x0, v55;
	v4 =	vmin.u32 v59, $0x4;
	v2 =	vmul.u32 $0x37, v2  }
0x182: {  	v6 =	vmul.u32 $0xB, v6;
	vm12 =	vgt.s32 v9, $0x0;
	vm13 =	vgt.s32 v10, $0x0  }
0x183: {  	vm14 =	vgt.s32 v12, $0x0;
	vm15 =	vgt.s32 v5, $0x0;
	v1 =	vmin.u32 v1, $0x16  }
0x184: {  	v3 =	vmin.u32 v3, $0x16;
	v8 =	vmin.u32 v8, $0x4;
	v4 =	vmul.u32 $0xB, v4  }
0x185: {  	v9 =	vnsel vm12, $0x0, v9;
	v10 =	vnsel vm13, $0x0, v10;
	v61 =	vnsel vm14, $0x0, v12  }
0x186: {  	v5 =	vnsel vm15, $0x0, v5;
	v7 =	vadd.s32 v11, v7;
	v1 =	vmul.u32 $0x37, v1  }
0x187: {  	v3 =	vmul.u32 $0x37, v3;
	v2 =	vadd.s32 v2, v6;
	v9 =	vmin.u32 v9, $0xA  }
0x188: {  	v8 =	vmul.u32 $0xB, v8;
	v10 =	vmin.u32 v10, $0xA;
	v2 =	vadd.s32 v9, v2  }
0x189: {  	v62 =	vmin.u32 v61, $0xA;
	v63 =	vadd.s32 v10, v7;
	v1 =	vadd.s32 v1, v4;
	[tilespmem:s19+$0x2620] =	vst v2  }
0x18a: {  	v2 =	vadd.s32 v3, v8;
	v3 =	vmin.u32 v5, $0xA;
	[tilespmem:s19+$0x2630] =	vst v63;
	v1 =	vadd.s32 v62, v1  }
0x18b: {  	v2 =	vadd.s32 v3, v2;
	[tilespmem:s19+$0x2640] =	vst v1  }
0x18c: {  	s0 =	simm.s32 $0xCC0;
	s1 =	simm.s32 $0x320;
	[tilespmem:s19+$0x2650] =	vst v2  }
.LBB2_8:
0x18d: {  	p1 =	sne.s32 s0, $0x31C0;
	[tilespmem:s1+$0x2580] =	vst v0;
	s1 =	smov.u32 s0;
	s0 =	sadd.s32 $0x40, s0  }
.Ltmp4:
0x18e: {  	(pc) =	sbr.rel @p1 .LBB2_8-.Ltmp4, $2  }
0x18f: {  	_ =	sdelay $0x2  }
0x190: {  	s1 =	sshra.s32 s1, $0x2  }
.Ltmp5:
0x191: {  	_ = 	snop;
	(pc) =	sbr.rel .LBB2_9-.Ltmp5, $1  }
0x192: {  	_ =	sdelay $0x3  }
.LBB2_2:
0x193: {  	s1 =	rddreg [dreg:$0x9]  }
0x194: {  	[tilespmem:s0], [sflag:$0x2] =	stream.linear.gather [hbm4b:s1+s0], $0xC80, $0x38;
	[tilespmem:$0x14A00] =	vst v63  }
0x195: {  	s28 =	rddreg [dreg:$0xa];
	s6 =	simm.s32 $0xC80  }
0x196: {  	[tilespmem:s6], [sflag:$0x2] =	stream.linear.gather [hbm4b:s28+s0], $0xC80, $0x38;
	[tilespmem:$0x14A00] =	vst v63  }
0x197: {  	s29 =	rddreg [dreg:$0xb];
	s30 =	simm.s32 $0x1900  }
0x198: {  	[tilespmem:s30], [sflag:$0x2] =	stream.linear.gather [hbm4b:s29+s0], $0xC80, $0x38;
	[tilespmem:$0x14A00] =	vst v63  }
0x199: {  	_ =	swait.ge [sflag:s8], $0xC80  }
0x19a: {  	[sflag:s8] =	ssyncset.done $0x0  }
0x19b: {  	[sflag:s8] =	ssyncadd.s32 $0xFFFFF380  }
0x19c: {  	_ =	swait.ge [sflag:s8], $0xC80  }
0x19d: {  	[sflag:s8] =	ssyncset.done $0x0  }
0x19e: {  	[sflag:s8] =	ssyncadd.s32 $0xFFFFF380  }
0x19f: {  	_ =	swait.ge [sflag:s8], $0xC80  }
0x1a0: {  	[sflag:s8] =	ssyncset.done $0x0  }
0x1a1: {  	[sflag:s8] =	ssyncadd.s32 $0xFFFFF380  }
0x1a2: {  	v1 =	vld [tilespmem:$0x0]  }
0x1a3: {  	v2 =	vld [tilespmem:$0xC80]  }
0x1a4: {  	v3 =	vld [tilespmem:$0x1900]  }
0x1a5: {  	v6 =	vld [tilespmem:$0x1910]  }
0x1a6: {  	v5 =	vld [tilespmem:$0xC90]  }
0x1a7: {  	v4 =	vld [tilespmem:$0x10]  }
0x1a8: {  	v8 =	vld [tilespmem:$0xCA0]  }
0x1a9: {  	vm0 =	vgt.s32 v1, $0x0;
	vm1 =	vgt.s32 v2, $0x0  }
0x1aa: {  	v3 =	vadd.s32 $0x5, v3;
	v6 =	vadd.s32 $0x5, v6;
	v1 =	vnsel vm0, $0x0, v1  }
0x1ab: {  	v2 =	vnsel vm1, $0x0, v2;
	vm0 =	vgt.s32 v3, $0x0;
	vm1 =	vgt.s32 v5, $0x0  }
0x1ac: {  	v7 =	vld [tilespmem:$0x20];
	v1 =	vmin.u32 v1, $0x16;
	v2 =	vmin.u32 v2, $0x4;
	v3 =	vnsel vm0, $0x0, v3  }
0x1ad: {  	vm0 =	vgt.s32 v4, $0x0;
	v5 =	vnsel vm1, $0x0, v5;
	vm1 =	vgt.s32 v8, $0x0  }
0x1ae: {  	v9 =	vld [tilespmem:$0x1920];
	v1 =	vmul.u32 $0x37, v1;
	v2 =	vmul.u32 $0xB, v2;
	v4 =	vnsel vm0, $0x0, v4  }
0x1af: {  	v5 =	vmin.u32 v5, $0x4;
	vm0 =	vgt.s32 v6, $0x0;
	v3 =	vmin.u32 v3, $0xA  }
0x1b0: {  	v10 =	vld [tilespmem:$0x30];
	v4 =	vmin.u32 v4, $0x16;
	v5 =	vmul.u32 $0xB, v5;
	v6 =	vnsel vm0, $0x0, v6  }
0x1b1: {  	vm0 =	vgt.s32 v7, $0x0;
	v4 =	vmul.u32 $0x37, v4;
	v1 =	vadd.s32 v1, v2  }
0x1b2: {  	v2 =	vmin.u32 v6, $0xA;
	v6 =	vnsel vm0, $0x0, v7;
	v7 =	vnsel vm1, $0x0, v8  }
0x1b3: {  	v1 =	vadd.s32 v3, v1;
	v3 =	vadd.s32 $0x5, v9;
	v6 =	vmin.u32 v6, $0x16  }
0x1b4: {  	v7 =	vmin.u32 v7, $0x4;
	v4 =	vadd.s32 v4, v5;
	v5 =	vld [tilespmem:$0xCB0];
	vm0 =	vgt.s32 v3, $0x0  }
0x1b5: {  	v2 =	vadd.s32 v2, v4;
	v4 =	vld [tilespmem:$0x1930];
	v3 =	vnsel vm0, $0x0, v3;
	vm0 =	vgt.s32 v10, $0x0  }
0x1b6: {  	v6 =	vmul.u32 $0x37, v6;
	v7 =	vmul.u32 $0xB, v7;
	v9 =	vnsel vm0, $0x0, v10;
	v10 =	vld [tilespmem:$0xCC0]  }
0x1b7: {  	v8 =	vld [tilespmem:$0x40]  }
0x1b8: {  	v3 =	vmin.u32 v3, $0xA;
	v6 =	vadd.s32 v6, v7;
	v7 =	vld [tilespmem:$0xCD0]  }
0x1b9: {  	v9 =	vmin.u32 v9, $0x16;
	v3 =	vadd.s32 v3, v6;
	vm1 =	vgt.s32 v5, $0x0  }
0x1ba: {  	v11 =	vld [tilespmem:$0x1940];
	v9 =	vmul.u32 $0x37, v9;
	v5 =	vnsel vm1, $0x0, v5;
	v4 =	vadd.s32 $0x5, v4  }
0x1bb: {  	v5 =	vmin.u32 v5, $0x4;
	vm0 =	vgt.s32 v4, $0x0;
	vm1 =	vgt.s32 v10, $0x0  }
0x1bc: {  	v12 =	vld [tilespmem:$0x50];
	v5 =	vmul.u32 $0xB, v5;
	v4 =	vnsel vm0, $0x0, v4;
	vm0 =	vgt.s32 v8, $0x0  }
0x1bd: {  	v6 =	vnsel vm1, $0x0, v10;
	vm1 =	vgt.s32 v7, $0x0;
	v4 =	vmin.u32 v4, $0xA  }
0x1be: {  	v6 =	vmin.u32 v6, $0x4;
	v7 =	vnsel vm1, $0x0, v7;
	v5 =	vadd.s32 v9, v5;
	v9 =	vld [tilespmem:$0x1950]  }
0x1bf: {  	v13 =	vld [tilespmem:$0x1960];
	v4 =	vadd.s32 v4, v5;
	v5 =	vnsel vm0, $0x0, v8;
	v8 =	vadd.s32 $0x5, v11  }
0x1c0: {  	v6 =	vmul.u32 $0xB, v6;
	v7 =	vmin.u32 v7, $0x4;
	v11 =	vld [tilespmem:$0xCE0];
	vm0 =	vgt.s32 v8, $0x0  }
0x1c1: {  	v10 =	vld [tilespmem:$0x60];
	v5 =	vmin.u32 v5, $0x16;
	v8 =	vnsel vm0, $0x0, v8;
	vm0 =	vgt.s32 v12, $0x0  }
0x1c2: {  	v7 =	vmul.u32 $0xB, v7;
	v5 =	vmul.u32 $0x37, v5;
	v12 =	vnsel vm0, $0x0, v12  }
0x1c3: {  	v14 =	vld [tilespmem:$0x70];
	v8 =	vmin.u32 v8, $0xA;
	v12 =	vmin.u32 v12, $0x16;
	v9 =	vadd.s32 $0x5, v9  }
0x1c4: {  	v5 =	vadd.s32 v5, v6;
	v6 =	vld [tilespmem:$0xCF0];
	v12 =	vmul.u32 $0x37, v12;
	vm0 =	vgt.s32 v9, $0x0  }
0x1c5: {  	v5 =	vadd.s32 v8, v5;
	vm1 =	vgt.s32 v11, $0x0;
	v8 =	vnsel vm0, $0x0, v9  }
0x1c6: {  	vm0 =	vgt.s32 v10, $0x0;
	v9 =	vadd.s32 $0x5, v13;
	v7 =	vadd.s32 v12, v7;
	v12 =	vld [tilespmem:$0x1970]  }
0x1c7: {  	v11 =	vnsel vm1, $0x0, v11;
	v10 =	vnsel vm0, $0x0, v10;
	vm0 =	vgt.s32 v9, $0x0  }
0x1c8: {  	v11 =	vmin.u32 v11, $0x4;
	v10 =	vmin.u32 v10, $0x16;
	v9 =	vnsel vm0, $0x0, v9  }
0x1c9: {  	v15 =	vld [tilespmem:$0xD00];
	vm0 =	vgt.s32 v14, $0x0;
	v11 =	vmul.u32 $0xB, v11;
	vm1 =	vgt.s32 v6, $0x0  }
0x1ca: {  	v13 =	vld [tilespmem:$0x80];
	v10 =	vmul.u32 $0x37, v10;
	v14 =	vnsel vm0, $0x0, v14;
	v6 =	vnsel vm1, $0x0, v6  }
0x1cb: {  	v16 =	vld [tilespmem:$0x1980];
	v14 =	vmin.u32 v14, $0x16;
	v6 =	vmin.u32 v6, $0x4;
	v12 =	vadd.s32 $0x5, v12  }
0x1cc: {  	v14 =	vmul.u32 $0x37, v14;
	v6 =	vmul.u32 $0xB, v6;
	vm0 =	vgt.s32 v12, $0x0  }
0x1cd: {  	v8 =	vmin.u32 v8, $0xA;
	v10 =	vadd.s32 v10, v11;
	v11 =	vnsel vm0, $0x0, v12;
	v12 =	vld [tilespmem:$0x90]  }
0x1ce: {  	v7 =	vadd.s32 v8, v7;
	v9 =	vmin.u32 v9, $0xA;
	v6 =	vadd.s32 v14, v6;
	v14 =	vld [tilespmem:$0xD10]  }
0x1cf: {  	vm1 =	vgt.s32 v15, $0x0;
	v8 =	vadd.s32 v9, v10;
	v10 =	vld [tilespmem:$0x1990];
	vm0 =	vgt.s32 v13, $0x0  }
0x1d0: {  	[tilespmem:$0x2580] =	vst v1;
	v9 =	vadd.s32 $0x5, v16;
	v11 =	vmin.u32 v11, $0xA;
	v1 =	vnsel vm0, $0x0, v13  }
0x1d1: {  	[tilespmem:$0x2590] =	vst v2;
	vm0 =	vgt.s32 v9, $0x0;
	v6 =	vadd.s32 v11, v6;
	v11 =	vnsel vm1, $0x0, v15  }
0x1d2: {  	[tilespmem:$0x25A0] =	vst v3;
	v1 =	vmin.u32 v1, $0x16;
	v9 =	vnsel vm0, $0x0, v9;
	v2 =	vmin.u32 v11, $0x4  }
0x1d3: {  	[tilespmem:$0x25B0] =	vst v4;
	v1 =	vmul.u32 $0x37, v1;
	vm0 =	vgt.s32 v12, $0x0;
	vm1 =	vgt.s32 v14, $0x0  }
0x1d4: {  	[tilespmem:$0x25C0] =	vst v5;
	v5 =	vadd.s32 $0x5, v10;
	v3 =	vnsel vm0, $0x0, v12;
	v4 =	vnsel vm1, $0x0, v14  }
0x1d5: {  	v2 =	vmul.u32 $0xB, v2;
	v3 =	vmin.u32 v3, $0x16;
	v4 =	vmin.u32 v4, $0x4  }
0x1d6: {  	[tilespmem:$0x25D0] =	vst v7;
	vm0 =	vgt.s32 v5, $0x0;
	v3 =	vmul.u32 $0x37, v3;
	v4 =	vmul.u32 $0xB, v4  }
0x1d7: {  	[tilespmem:$0x25E0] =	vst v8;
	v7 =	vmin.u32 v9, $0xA;
	v1 =	vadd.s32 v1, v2;
	v2 =	vnsel vm0, $0x0, v5  }
0x1d8: {  	[tilespmem:$0x25F0] =	vst v6;
	v1 =	vadd.s32 v7, v1;
	v2 =	vmin.u32 v2, $0xA;
	v3 =	vadd.s32 v3, v4  }
0x1d9: {  	[tilespmem:$0x2600] =	vst v1;
	v1 =	vadd.s32 v2, v3  }
0x1da: {  	s31 =	simm.s32 $0x2580;
	s18 =	simm.s32 $0x0;
	[tilespmem:$0x2610] =	vst v1  }
0x1db: {  	[tilespmem:s11], [sflag:$0x1] =	stream.indirect.gather [spmem:s2], $0x80, s31, s9, $0xb8;
	[tilespmem:$0x14A00] =	vst v63  }
0x1dc: {  	v1 =	vld [tilespmem:s18+$0xE0]  }
0x1dd: {  	v2 =	vld [tilespmem:s18+$0xD60]  }
0x1de: {  	v3 =	vld [tilespmem:s18+$0xA0]  }
0x1df: {  	v4 =	vld [tilespmem:s18+$0x19E0]  }
0x1e0: {  	v6 =	vld [tilespmem:s18+$0xB0]  }
0x1e1: {  	v12 =	vld [tilespmem:s18+$0x19A0];
	_ =	sdelay $0x1  }
0x1e2: {  	v5 =	vld [tilespmem:s18+$0xD20]  }
0x1e3: {  	v7 =	vld [tilespmem:s18+$0xD30];
	vm0 =	vgt.s32 v1, $0x0;
	vm1 =	vgt.s32 v2, $0x0  }
0x1e4: {  	v8 =	vld [tilespmem:s18+$0xC0];
	vm2 =	vgt.s32 v3, $0x0;
	v4 =	vadd.s32 $0x5, v4;
	vm3 =	vgt.s32 v6, $0x0  }
0x1e5: {  	v12 =	vadd.s32 $0x5, v12;
	v1 =	vnsel vm0, $0x0, v1;
	v2 =	vnsel vm1, $0x0, v2  }
0x1e6: {  	v9 =	vld [tilespmem:s18+$0xD40];
	vm0 =	vgt.s32 v4, $0x0;
	v1 =	vmin.u32 v1, $0x16;
	v2 =	vmin.u32 v2, $0x4  }
0x1e7: {  	v10 =	vld [tilespmem:s18+$0xD0];
	v4 =	vnsel vm0, $0x0, v4;
	v1 =	vmul.u32 $0x37, v1;
	v2 =	vmul.u32 $0xB, v2  }
0x1e8: {  	vm1 =	vgt.s32 v5, $0x0;
	vm0 =	vgt.s32 v7, $0x0;
	v4 =	vmin.u32 v4, $0xA  }
0x1e9: {  	v11 =	vld [tilespmem:s18+$0xD50];
	v1 =	vadd.s32 v1, v2;
	v2 =	vnsel vm2, $0x0, v3;
	vm2 =	vgt.s32 v8, $0x0  }
0x1ea: {  	v1 =	vadd.s32 v4, v1;
	v4 =	vnsel vm1, $0x0, v5;
	v5 =	vnsel vm3, $0x0, v6  }
0x1eb: {  	vm1 =	vgt.s32 v9, $0x0;
	v13 =	vmin.u32 v2, $0x16;
	[tilespmem:s18+$0x2660] =	vst v1;
	v1 =	vnsel vm0, $0x0, v7  }
0x1ec: {  	v7 =	vnsel vm2, $0x0, v8;
	vm0 =	vgt.s32 v10, $0x0;
	v9 =	vnsel vm1, $0x0, v9  }
0x1ed: {  	v3 =	vld [tilespmem:s18+$0x19B0];
	v4 =	vmin.u32 v4, $0x4;
	v5 =	vmin.u32 v5, $0x16;
	vm1 =	vgt.s32 v12, $0x0  }
0x1ee: {  	v6 =	vld [tilespmem:s18+$0x19C0];
	v10 =	vnsel vm0, $0x0, v10;
	vm0 =	vgt.s32 v11, $0x0;
	v1 =	vmin.u32 v1, $0x4  }
0x1ef: {  	v8 =	vld [tilespmem:s18+$0x19D0];
	v7 =	vmin.u32 v7, $0x16;
	v14 =	vmin.u32 v9, $0x4;
	v2 =	vnsel vm0, $0x0, v11  }
0x1f0: {  	v15 =	vmin.u32 v10, $0x16;
	v10 =	vmul.u32 $0x37, v13;
	v11 =	vmul.u32 $0xB, v4  }
0x1f1: {  	v9 =	vmul.u32 $0xB, v1;
	v4 =	vmul.u32 $0x37, v7;
	v7 =	vmul.u32 $0xB, v14  }
0x1f2: {  	v13 =	vnsel vm1, $0x0, v12;
	v63 =	vmin.u32 v2, $0x4;
	v17 =	vadd.s32 $0x5, v3  }
0x1f3: {  	v2 =	vadd.s32 $0x5, v6;
	v6 =	vmul.u32 $0x37, v5;
	v5 =	vmul.u32 $0x37, v15  }
0x1f4: {  	s19 =	simm.s32 $0x50;
	vm2 =	vgt.s32 v17, $0x0;
	v3 =	vadd.s32 $0x5, v8;
	v8 =	vmul.u32 $0xB, v63  }
0x1f5: {  	s20 =	simm.s32 $0x280;
	v1 =	vld [tilespmem:s19+$0xE0];
	vm0 =	vgt.s32 v2, $0x0;
	v12 =	vnsel vm2, $0x0, v17;
	vm1 =	vgt.s32 v3, $0x0  }
.LBB2_3:
0x1f6: {  	p1 =	seq.s32 s20, $0x2E40;
	v14 =	vld [tilespmem:s19+$0xD60];
	v10 =	vadd.s32 v10, v11;
	v2 =	vnsel vm0, $0x0, v2;
	v3 =	vnsel vm1, $0x0, v3  }
0x1f7: {  	v6 =	vadd.s32 v6, v9;
	v4 =	vadd.s32 v4, v7;
	v5 =	vadd.s32 v5, v8;
	v11 =	vld [tilespmem:s19+$0xA0]  }
0x1f8: {  	v8 =	vmin.u32 v13, $0xA;
	v9 =	vmin.u32 v12, $0xA;
	v2 =	vmin.u32 v2, $0xA;
	v7 =	vld [tilespmem:s19+$0x19E0]  }
0x1f9: {  	v8 =	vadd.s32 v8, v10;
	v6 =	vadd.s32 v9, v6;
	v3 =	vmin.u32 v3, $0xA;
	v12 =	vld [tilespmem:s19+$0xD20]  }
0x1fa: {  	v2 =	vadd.s32 v2, v4;
	v3 =	vadd.s32 v3, v5;
	v9 =	vld [tilespmem:s19+$0xB0];
	[tilespmem:s18+$0x2620] =	vst v8  }
0x1fb: {  	vm0 =	vgt.s32 v1, $0x0;
	v4 =	vld [tilespmem:s19+$0xD30];
	vm1 =	vgt.s32 v14, $0x0;
	[tilespmem:s18+$0x2630] =	vst v6  }
0x1fc: {  	v1 =	vnsel vm0, $0x0, v1;
	vm2 =	vgt.s32 v11, $0x0;
	v5 =	vld [tilespmem:s19+$0xC0];
	v6 =	vnsel vm1, $0x0, v14;
	[tilespmem:s18+$0x2640] =	vst v2  }
0x1fd: {  	v1 =	vmin.u32 v1, $0x16;
	v2 =	vld [tilespmem:s19+$0xD40];
	v6 =	vmin.u32 v6, $0x4;
	v7 =	vadd.s32 $0x5, v7;
	[tilespmem:s18+$0x2650] =	vst v3;
	s18 =	smov.u32 s19  }
0x1fe: {  	v1 =	vmul.u32 $0x37, v1;
	v3 =	vld [tilespmem:s18+$0xD0];
	vm0 =	vgt.s32 v7, $0x0;
	v6 =	vmul.u32 $0xB, v6  }
0x1ff: {  	vm1 =	vgt.s32 v12, $0x0;
	vm3 =	vgt.s32 v9, $0x0;
	v8 =	vld [tilespmem:s18+$0xD50];
	v7 =	vnsel vm0, $0x0, v7  }
0x200: {  	v10 =	vld [tilespmem:s18+$0x19A0];
	vm0 =	vgt.s32 v4, $0x0;
	v7 =	vmin.u32 v7, $0xA;
	v1 =	vadd.s32 v1, v6  }
0x201: {  	v6 =	vnsel vm2, $0x0, v11;
	v11 =	vld [tilespmem:s18+$0x19B0];
	vm2 =	vgt.s32 v5, $0x0;
	v1 =	vadd.s32 v7, v1  }
0x202: {  	v9 =	vnsel vm3, $0x0, v9;
	v7 =	vnsel vm1, $0x0, v12;
	vm1 =	vgt.s32 v2, $0x0;
	v12 =	vld [tilespmem:s18+$0x19C0];
	[tilespmem:s18+$0x2660] =	vst v1  }
0x203: {  	v1 =	vnsel vm0, $0x0, v4;
	v4 =	vnsel vm2, $0x0, v5;
	vm0 =	vgt.s32 v3, $0x0;
	v5 =	vld [tilespmem:s18+$0x19D0]  }
0x204: {  	v2 =	vnsel vm1, $0x0, v2;
	v3 =	vnsel vm0, $0x0, v3;
	vm0 =	vgt.s32 v8, $0x0  }
0x205: {  	v6 =	vmin.u32 v6, $0x16;
	v7 =	vmin.u32 v7, $0x4;
	v8 =	vnsel vm0, $0x0, v8  }
0x206: {  	v9 =	vmin.u32 v9, $0x16;
	v1 =	vmin.u32 v1, $0x4;
	v4 =	vmin.u32 v4, $0x16  }
0x207: {  	v13 =	vmin.u32 v2, $0x4;
	v14 =	vmin.u32 v3, $0x16;
	v8 =	vmin.u32 v8, $0x4  }
0x208: {  	v15 =	vadd.s32 $0x5, v10;
	v16 =	vadd.s32 $0x5, v11;
	v2 =	vadd.s32 $0x5, v12  }
.Ltmp6:
0x209: {  	v10 =	vmul.u32 $0x37, v6;
	v11 =	vmul.u32 $0xB, v7;
	v3 =	vadd.s32 $0x5, v5;
	(pc) =	sbr.rel @!p1 .LBB2_3-.Ltmp6, $4  }
0x20a: {  	v4 =	vmul.u32 $0x37, v4;
	v6 =	vmul.u32 $0x37, v9;
	v9 =	vmul.u32 $0xB, v1  }
0x20b: {  	v7 =	vmul.u32 $0xB, v13;
	v8 =	vmul.u32 $0xB, v8;
	v5 =	vmul.u32 $0x37, v14  }
0x20c: {  	s19 =	sshra.s32 s20, $0x2;
	vm1 =	vgt.s32 v15, $0x0;
	vm2 =	vgt.s32 v16, $0x0;
	vm0 =	vgt.s32 v2, $0x0  }
0x20d: {  	s20 =	sadd.s32 $0x140, s20;
	v13 =	vnsel vm1, $0x0, v15;
	v12 =	vnsel vm2, $0x0, v16;
	vm1 =	vgt.s32 v3, $0x0;
	v1 =	vld [tilespmem:s19+$0xE0]  }
0x20e: {  	v14 =	vld [tilespmem:s19+$0xD60]  }
0x20f: {  	v15 =	vld [tilespmem:s19+$0xA0];
	v10 =	vadd.s32 v10, v11  }
0x210: {  	v16 =	vld [tilespmem:s19+$0x19E0];
	v47 =	vmin.u32 v13, $0xA;
	v6 =	vadd.s32 v6, v9;
	v2 =	vnsel vm0, $0x0, v2  }
0x211: {  	v48 =	vld [tilespmem:s19+$0xD20];
	v50 =	vmin.u32 v12, $0xA;
	v3 =	vnsel vm1, $0x0, v3;
	v10 =	vadd.s32 v47, v10  }
0x212: {  	v49 =	vld [tilespmem:s19+$0xB0];
	v4 =	vadd.s32 v4, v7;
	v6 =	vadd.s32 v50, v6;
	v2 =	vmin.u32 v2, $0xA;
	[tilespmem:s18+$0x2620] =	vst v10  }
0x213: {  	v5 =	vadd.s32 v5, v8;
	v3 =	vmin.u32 v3, $0xA;
	v2 =	vadd.s32 v2, v4;
	v51 =	vld [tilespmem:s19+$0xD30];
	[tilespmem:s18+$0x2630] =	vst v6  }
0x214: {  	v3 =	vadd.s32 v3, v5;
	v52 =	vld [tilespmem:s19+$0xC0];
	[tilespmem:s18+$0x2640] =	vst v2  }
0x215: {  	vm13 =	vgt.s32 v1, $0x0;
	vm14 =	vgt.s32 v14, $0x0;
	vm2 =	vgt.s32 v15, $0x0;
	v53 =	vld [tilespmem:s19+$0xD40];
	[tilespmem:s18+$0x2650] =	vst v3  }
0x216: {  	v1 =	vnsel vm13, $0x0, v1;
	v54 =	vadd.s32 $0x5, v16;
	vm6 =	vgt.s32 v48, $0x0;
	v3 =	vld [tilespmem:s19+$0xD0]  }
0x217: {  	vm3 =	vgt.s32 v49, $0x0;
	v2 =	vnsel vm14, $0x0, v14;
	v1 =	vmin.u32 v1, $0x16;
	v55 =	vld [tilespmem:s19+$0xD50]  }
0x218: {  	vm15 =	vgt.s32 v54, $0x0;
	v56 =	vld [tilespmem:s19+$0x19A0];
	v57 =	vnsel vm6, $0x0, v48;
	v11 =	vnsel vm3, $0x0, v49  }
0x219: {  	v10 =	vld [tilespmem:s19+$0x19B0];
	v2 =	vmin.u32 v2, $0x4;
	v1 =	vmul.u32 $0x37, v1;
	v6 =	vnsel vm15, $0x0, v54  }
0x21a: {  	v58 =	vld [tilespmem:s19+$0x19C0];
	v11 =	vmin.u32 v11, $0x16;
	v2 =	vmul.u32 $0xB, v2;
	vm7 =	vgt.s32 v51, $0x0  }
0x21b: {  	v60 =	vld [tilespmem:s19+$0x19D0];
	v6 =	vmin.u32 v6, $0xA;
	v11 =	vmul.u32 $0x37, v11;
	vm8 =	vgt.s32 v52, $0x0  }
0x21c: {  	v7 =	vnsel vm7, $0x0, v51;
	v1 =	vadd.s32 v1, v2;
	v2 =	vnsel vm2, $0x0, v15  }
0x21d: {  	vm9 =	vgt.s32 v53, $0x0;
	v7 =	vmin.u32 v7, $0x4;
	v1 =	vadd.s32 v6, v1  }
0x21e: {  	vm10 =	vgt.s32 v3, $0x0;
	v59 =	vnsel vm9, $0x0, v53;
	vm11 =	vgt.s32 v55, $0x0  }
0x21f: {  	v2 =	vmin.u32 v2, $0x16;
	v6 =	vmin.u32 v57, $0x4;
	v9 =	vadd.s32 $0x5, v56  }
0x220: {  	v10 =	vadd.s32 $0x5, v10;
	v12 =	vadd.s32 $0x5, v58;
	v5 =	vadd.s32 $0x5, v60  }
0x221: {  	v7 =	vmul.u32 $0xB, v7;
	[tilespmem:s19+$0x2660] =	vst v1;
	v1 =	vnsel vm8, $0x0, v52;
	v3 =	vnsel vm10, $0x0, v3  }
0x222: {  	v8 =	vnsel vm11, $0x0, v55;
	v4 =	vmin.u32 v59, $0x4;
	v2 =	vmul.u32 $0x37, v2  }
0x223: {  	v6 =	vmul.u32 $0xB, v6;
	vm12 =	vgt.s32 v9, $0x0;
	vm13 =	vgt.s32 v10, $0x0  }
0x224: {  	vm14 =	vgt.s32 v12, $0x0;
	vm15 =	vgt.s32 v5, $0x0;
	v1 =	vmin.u32 v1, $0x16  }
0x225: {  	v3 =	vmin.u32 v3, $0x16;
	v8 =	vmin.u32 v8, $0x4;
	v4 =	vmul.u32 $0xB, v4  }
0x226: {  	v9 =	vnsel vm12, $0x0, v9;
	v10 =	vnsel vm13, $0x0, v10;
	v61 =	vnsel vm14, $0x0, v12  }
0x227: {  	v5 =	vnsel vm15, $0x0, v5;
	v7 =	vadd.s32 v11, v7;
	v1 =	vmul.u32 $0x37, v1  }
0x228: {  	v3 =	vmul.u32 $0x37, v3;
	v2 =	vadd.s32 v2, v6;
	v9 =	vmin.u32 v9, $0xA  }
.Ltmp7:
0x229: {  	v8 =	vmul.u32 $0xB, v8;
	v10 =	vmin.u32 v10, $0xA;
	v2 =	vadd.s32 v9, v2;
	(pc) =	sbr.rel .LBB2_10-.Ltmp7, $4  }
0x22a: {  	v62 =	vmin.u32 v61, $0xA;
	v63 =	vadd.s32 v10, v7;
	v1 =	vadd.s32 v1, v4;
	[tilespmem:s19+$0x2620] =	vst v2  }
0x22b: {  	v2 =	vadd.s32 v3, v8;
	v3 =	vmin.u32 v5, $0xA;
	[tilespmem:s19+$0x2630] =	vst v63;
	v1 =	vadd.s32 v62, v1  }
0x22c: {  	v2 =	vadd.s32 v3, v2;
	[tilespmem:s19+$0x2640] =	vst v1  }
0x22d: {  	[tilespmem:s19+$0x2650] =	vst v2  }
.LBB2_11:
0x22e: {  	_ =	sfence.sel $0x180000  }
0x22f: {  	[bflag:$0x0] =	sbarrier.arrive $0xFFFF  }
0x230: {  	_ =	strace $0x90000047  }
0x231: {  	s0 =	stileid.u32;
	[bflag:$0x2] =	sbarrier.arrive $0xFFFF  }
0x232: {  	p0 =	sne.s32 s0, $0x0;
	s0 =	rddreg [dreg:$0x6]  }
0x233: {  	s0 =	sadd.s32 @!p0 $0x100000, s0  }
0x234: {  	[sflag:s0] =	ssyncadd.tile.s32 @!p0 $0x1;
	_ =	shalt  }
.Lfunc_end2:
_tile_overlayer_lowered:
.L_overlay_start_2:
0x235: {  	(tag) =	ssettag $0x2  }
0x236: {  	s0 =	rddreg [dreg:$0x0];
	s2 =	stileid.u32  }
0x237: {  	s1 =	rddreg [dreg:$0x1];
	p0 =	sne.s32 s2, $0x0  }
0x238: {  	s3 =	rddreg [dreg:$0x2];
	[bflag:$0x3] =	sbarrier.arrive $0xFFFF;
	s2 =	simm.s32 @!p0 $0x1C07  }
0x239: {  	[timem:s3], [sflag:s2] =	dma.local @!p0 [hbm:s0], s1  }
0x23a: {  	s0 =	simm.s32 @!p0 $0x7  }
0x23b: {  	_ =	swait.ge @!p0 [sflag:s0], s1  }
0x23c: {  	s1 =	ssub.s32 @!p0 $0x0, s1;
	[sflag:s0] =	ssyncset.done @!p0 $0x0  }
0x23d: {  	[sflag:s0] =	ssyncadd.s32 @!p0 s1  }
0x23e: {  	[bflag:$0x3] =	sbarrier.arrive $0xFFFF  }
0x23f: {  	_ =	shalt  }

</sc_bundles>
